<compile_context>
chip_gen: v7x
topology: tpu7x:2x2x1
jax: 0.10.2.dev20260603
libtpu: 0.0.44.dev20260713+nightly
codegen_flags: <defaults>
</compile_context>

<pallas_src>
import functools
import math

import jax
import jax.numpy as jnp
from jax import lax
from jax.experimental import pallas as pl
from jax.experimental.pallas import tpu as pltpu
from jax.experimental.pallas import tpu_sc as plsc

D_MODEL = 32
SCALE = math.sqrt(float(D_MODEL))
NC = 2
NS = 16
NW = NC * NS
C = 256
NBUF = 5
PAD_W = 128
PAD_RATIO = PAD_W // D_MODEL


def _body(seq_len, n_sblk, nchunks, xt_hbm, lut_hbm, p_hbm, *bufs):
  rows_in = bufs[0:NBUF]
  pout = bufs[NBUF:2 * NBUF]
  idx_c = bufs[2 * NBUF:3 * NBUF]
  gsem = bufs[3 * NBUF:4 * NBUF]
  osem = bufs[4 * NBUF:5 * NBUF]
  isem = bufs[5 * NBUF:6 * NBUF]

  wid = lax.axis_index("s") * NC + lax.axis_index("c")
  kbase = wid * nchunks

  def idx_copy(k, b, start_fn):
    t = k // n_sblk
    s0 = pl.multiple_of((k % n_sblk) * C, 8)
    return start_fn(xt_hbm.at[t, pl.ds(s0, C)], idx_c[b], isem[b])

  def gather(b, start_fn):
    return start_fn(lut_hbm.at[idx_c[b]], rows_in[b], gsem[b])

  def out_copy(k, b, start_fn):
    t = k // n_sblk
    s0 = pl.multiple_of((k % n_sblk) * C, 8)
    return start_fn(
        pout[b].at[:, pl.ds(0, C)], p_hbm.at[t, :, pl.ds(s0, C)], osem[b])

  def idx_scale(b):
    @pl.loop(0, C // 16)
    def _(u):
      o = pl.multiple_of(u * 16, 8)
      idx_c[b][pl.ds(o, 16)] = idx_c[b][pl.ds(o, 16)] * PAD_RATIO

  for b in range(NBUF):
    idx_copy(kbase + b, b, pltpu.async_copy).wait()
    idx_scale(b)
    gather(b, pltpu.async_copy)

  nrounds = nchunks // NBUF

  @pl.loop(0, nrounds)
  def _(r):
    for b in range(NBUF):
      k = kbase + r * NBUF + b
      gather(b, pltpu.make_async_copy).wait()

      @pl.when(r > 0)
      def _():
        out_copy(k - NBUF, b, pltpu.make_async_copy).wait()

      @pl.when(r < nrounds - 1)
      def _():
        idx_copy(k + NBUF, b, pltpu.async_copy)

      @pl.loop(0, C, unroll=4)
      def _(s):
        sv = jnp.full((16,), 0, jnp.int32) + s
        for h in (0, 16):
          jv = lax.iota(jnp.int32, 16) + h
          v = rows_in[b][s, pl.ds(h, 16)] * SCALE
          plsc.store_scatter(pout[b], [jv, sv], v)

      @pl.when(r < nrounds - 1)
      def _():
        idx_copy(k + NBUF, b, pltpu.make_async_copy).wait()
        idx_scale(b)
        gather(b, pltpu.async_copy)

      out_copy(k, b, pltpu.async_copy)

  for b in range(NBUF):
    out_copy(kbase + nchunks - NBUF + b, b, pltpu.make_async_copy).wait()


def kernel(x, lut):
  n_seq, seq_len = x.shape
  n_sblk = n_seq // C
  nchunks = seq_len * n_sblk // NW
  assert n_seq % C == 0 and (seq_len * n_sblk) % (NW * NBUF) == 0

  xt = jnp.swapaxes(x, 0, 1)
  lutp = jnp.reshape(
      jnp.pad(lut, ((0, 0), (0, PAD_W - D_MODEL))),
      (PAD_RATIO * lut.shape[0], D_MODEL))
  mesh = plsc.VectorSubcoreMesh(
      core_axis_name="c", subcore_axis_name="s",
      num_cores=NC, num_subcores=NS)
  scratch = (
      [pltpu.VMEM((C, D_MODEL), jnp.float32) for _ in range(NBUF)]
      + [pltpu.VMEM((D_MODEL, C + 1), jnp.float32) for _ in range(NBUF)]
      + [pltpu.VMEM((C,), jnp.int32) for _ in range(NBUF)]
      + [pltpu.SemaphoreType.DMA for _ in range(3 * NBUF)]
  )
  p = pl.kernel(
      functools.partial(_body, seq_len, n_sblk, nchunks),
      out_type=jax.ShapeDtypeStruct((seq_len, D_MODEL, n_seq), jnp.float32),
      mesh=mesh,
      scratch_types=scratch,
      compiler_params=pltpu.CompilerParams(
          use_tc_tiling_on_sc=False, needs_layout_passes=False),
  )(xt, lutp)
  return jnp.transpose(p, (2, 0, 1))

# --- scband reference (transcript-rebuilt; emitter-appended) ---
"""Pipeline reference for scband-embeddings-4174708212021 (READ-ONLY COPY).

The authoritative reference and input builder live on the scoring server;
editing this copy changes nothing except your own understanding.
"""

import jax, jax.numpy as jnp
import numpy as np
import math

VOCAB_SIZE = 1000000
D_MODEL = 32

def setup_inputs(seed: int = 0) -> dict:
    key = jax.random.key(seed)
    k1, k2 = jax.random.split(key)
    x = jax.random.randint(k1, (16384, 50), 0, VOCAB_SIZE, dtype=jnp.int64 if jax.config.jax_enable_x64 else jnp.int32)
    lut = jax.random.normal(k2, (VOCAB_SIZE, D_MODEL), dtype=jnp.float32)
    return {"x": x, "lut": lut}

def reference(x, lut):
    # Embeddings.forward: self.lut(x) * sqrt(d_model)
    emb = jnp.take(lut, x, axis=0)
    return emb * math.sqrt(D_MODEL)

if __name__ == "__main__":
    import jax
    _d = setup_inputs()
    print(jax.jit(kernel)(*tuple(_d.values())))

</pallas_src>

<mosaic_0001>
#map = affine_map<(d0, d1) -> (0, 0)>
#map1 = affine_map<(d0, d1) -> (0, 0, 0)>
module attributes {stable_mosaic.version = 14 : i64} {
  func.func @_body(%arg0: i32, %arg1: i32, %arg2: memref<50x16384xi32, #tpu.memory_space<hbm>>, %arg3: memref<4000000x32xf32, #tpu.memory_space<hbm>>, %arg4: memref<50x32x16384xf32, #tpu.memory_space<hbm>>, %arg5: memref<256x32xf32, #tpu.memory_space<vmem>>, %arg6: memref<256x32xf32, #tpu.memory_space<vmem>>, %arg7: memref<256x32xf32, #tpu.memory_space<vmem>>, %arg8: memref<256x32xf32, #tpu.memory_space<vmem>>, %arg9: memref<256x32xf32, #tpu.memory_space<vmem>>, %arg10: memref<32x257xf32, #tpu.memory_space<vmem>>, %arg11: memref<32x257xf32, #tpu.memory_space<vmem>>, %arg12: memref<32x257xf32, #tpu.memory_space<vmem>>, %arg13: memref<32x257xf32, #tpu.memory_space<vmem>>, %arg14: memref<32x257xf32, #tpu.memory_space<vmem>>, %arg15: memref<256xi32, #tpu.memory_space<vmem>>, %arg16: memref<256xi32, #tpu.memory_space<vmem>>, %arg17: memref<256xi32, #tpu.memory_space<vmem>>, %arg18: memref<256xi32, #tpu.memory_space<vmem>>, %arg19: memref<256xi32, #tpu.memory_space<vmem>>, %arg20: memref<!tpu.dma_semaphore, #tpu.memory_space<semaphore_mem>>, %arg21: memref<!tpu.dma_semaphore, #tpu.memory_space<semaphore_mem>>, %arg22: memref<!tpu.dma_semaphore, #tpu.memory_space<semaphore_mem>>, %arg23: memref<!tpu.dma_semaphore, #tpu.memory_space<semaphore_mem>>, %arg24: memref<!tpu.dma_semaphore, #tpu.memory_space<semaphore_mem>>, %arg25: memref<!tpu.dma_semaphore, #tpu.memory_space<semaphore_mem>>, %arg26: memref<!tpu.dma_semaphore, #tpu.memory_space<semaphore_mem>>, %arg27: memref<!tpu.dma_semaphore, #tpu.memory_space<semaphore_mem>>, %arg28: memref<!tpu.dma_semaphore, #tpu.memory_space<semaphore_mem>>, %arg29: memref<!tpu.dma_semaphore, #tpu.memory_space<semaphore_mem>>, %arg30: memref<!tpu.dma_semaphore, #tpu.memory_space<semaphore_mem>>, %arg31: memref<!tpu.dma_semaphore, #tpu.memory_space<semaphore_mem>>, %arg32: memref<!tpu.dma_semaphore, #tpu.memory_space<semaphore_mem>>, %arg33: memref<!tpu.dma_semaphore, #tpu.memory_space<semaphore_mem>>, %arg34: memref<!tpu.dma_semaphore, #tpu.memory_space<semaphore_mem>>) attributes {dimension_semantics = [#tpu.dimension_semantics<core_parallel>, #tpu.dimension_semantics<subcore_parallel>], iteration_bounds = array<i64: 2, 16>, scalar_prefetch = 0 : i64, scratch_operands = 30 : i64, tpu.core_type = #tpu.core_type<sc_vector_subcore>, window_params = [{transform_indices = #map}, {transform_indices = #map}, {transform_indices = #map1}]} {
    %mul3A = arith.constant 2 : i32
    %mul3A_0 = arith.muli %arg1, %mul3A : i32
    %add3A = arith.addi %mul3A_0, %arg0 : i32
    %mul3A_1 = arith.constant 100 : i32
    %mul3A_2 = arith.muli %add3A, %mul3A_1 : i32
    %add3A_3 = arith.constant 0 : i32
    %add3A_4 = arith.addi %mul3A_2, %add3A_3 : i32
    %jit3A = arith.constant 64 : i32
    %div3A = arith.divsi %add3A_4, %jit3A : i32
    %sign3A = arith.constant 0 : i32
    %sign3A_5 = arith.cmpi sgt, %add3A_4, %sign3A : i32
    %sign3A_6 = arith.extui %sign3A_5 : i1 to i32
    %sign3A_7 = arith.constant 0 : i32
    %sign3A_8 = arith.cmpi slt, %add3A_4, %sign3A_7 : i32
    %sign3A_9 = arith.extui %sign3A_8 : i1 to i32
    %sign3A_10 = arith.subi %sign3A_6, %sign3A_9 : i32
    %sign3A_11 = arith.constant 0 : i32
    %sign3A_12 = arith.cmpi sgt, %jit3A, %sign3A_11 : i32
    %sign3A_13 = arith.extui %sign3A_12 : i1 to i32
    %sign3A_14 = arith.constant 0 : i32
    %sign3A_15 = arith.cmpi slt, %jit3A, %sign3A_14 : i32
    %sign3A_16 = arith.extui %sign3A_15 : i1 to i32
    %sign3A_17 = arith.subi %sign3A_13, %sign3A_16 : i32
    %ne3A = arith.cmpi ne, %sign3A_10, %sign3A_17 : i32
    %rem3A = arith.remsi %add3A_4, %jit3A : i32
    %ne3A_18 = arith.constant 0 : i32
    %ne3A_19 = arith.cmpi ne, %rem3A, %ne3A_18 : i32
    %and3A = arith.andi %ne3A, %ne3A_19 : i1
    %sub3A = arith.constant 1 : i32
    %sub3A_20 = arith.subi %div3A, %sub3A : i32
    %select_n3A = arith.select %and3A, %sub3A_20, %div3A : i32
    %jit3A_21 = arith.constant 64 : i32
    %eq3A = arith.constant 0 : i32
    %eq3A_22 = arith.cmpi eq, %jit3A_21, %eq3A : i32
    %jit3A_23 = arith.constant 1 : i32
    %select_n3A_24 = arith.select %eq3A_22, %jit3A_23, %jit3A_21 : i32
    %rem3A_25 = arith.remsi %add3A_4, %select_n3A_24 : i32
    %ne3A_26 = arith.constant 0 : i32
    %ne3A_27 = arith.cmpi ne, %rem3A_25, %ne3A_26 : i32
    %lt3A = arith.constant 0 : i32
    %lt3A_28 = arith.cmpi slt, %rem3A_25, %lt3A : i32
    %lt3A_29 = arith.constant 0 : i32
    %lt3A_30 = arith.cmpi slt, %select_n3A_24, %lt3A_29 : i32
    %ne3A_31 = arith.xori %lt3A_28, %lt3A_30 : i1
    %and3A_32 = arith.andi %ne3A_31, %ne3A_27 : i1
    %add3A_33 = arith.addi %rem3A_25, %select_n3A_24 : i32
    %select_n3A_34 = arith.select %and3A_32, %add3A_33, %rem3A_25 : i32
    %mul3A_35 = arith.constant 256 : i32
    %mul3A_36 = arith.muli %select_n3A_34, %mul3A_35 : i32
    %multiple_of3A = tpu.assume_multiple %mul3A_36, 8 : i32
    %dma_start3A = tpu.memref_slice %arg2[%select_n3A, %multiple_of3A] : memref<50x16384xi32, #tpu.memory_space<hbm>> -> memref<1x256xi32, #tpu.memory_space<hbm>>
    %dma_start3A_37 = tpu.memref_squeeze %dma_start3A : memref<1x256xi32, #tpu.memory_space<hbm>> -> memref<256xi32, #tpu.memory_space<hbm>>
    %dma_start3A_38 = tpu.memref_slice %arg2[%select_n3A, %multiple_of3A] : memref<50x16384xi32, #tpu.memory_space<hbm>> -> memref<1x256xi32, #tpu.memory_space<hbm>>
    %dma_start3A_39 = tpu.memref_squeeze %dma_start3A_38 : memref<1x256xi32, #tpu.memory_space<hbm>> -> memref<256xi32, #tpu.memory_space<hbm>>
    tpu.enqueue_dma source(%dma_start3A_39 : memref<256xi32, #tpu.memory_space<hbm>>) target(%arg15 : memref<256xi32, #tpu.memory_space<vmem>>) target_semaphore(%arg30 : memref<!tpu.dma_semaphore, #tpu.memory_space<semaphore_mem>>)
    %dma_wait3A = tpu.memref_slice %arg2[%select_n3A, %multiple_of3A] : memref<50x16384xi32, #tpu.memory_space<hbm>> -> memref<1x256xi32, #tpu.memory_space<hbm>>
    %dma_wait3A_40 = tpu.memref_squeeze %dma_wait3A : memref<1x256xi32, #tpu.memory_space<hbm>> -> memref<256xi32, #tpu.memory_space<hbm>>
    %dma_wait3A_41 = tpu.memref_slice %arg2[%select_n3A, %multiple_of3A] : memref<50x16384xi32, #tpu.memory_space<hbm>> -> memref<1x256xi32, #tpu.memory_space<hbm>>
    %dma_wait3A_42 = tpu.memref_squeeze %dma_wait3A_41 : memref<1x256xi32, #tpu.memory_space<hbm>> -> memref<256xi32, #tpu.memory_space<hbm>>
    tpu.wait_dma2 semaphore(%arg30 : memref<!tpu.dma_semaphore, #tpu.memory_space<semaphore_mem>>) src(%dma_wait3A_42 : memref<256xi32, #tpu.memory_space<hbm>>) dst(%arg15 : memref<256xi32, #tpu.memory_space<vmem>>)
    %scan3A = arith.constant 0 : i32
    %scan3A_43 = arith.constant 16 : i32
    %scan3A_44 = arith.addi %scan3A, %scan3A_43 : i32
    %scan3A_45 = arith.constant 1 : i32
    scf.for %scan3A_604 = %scan3A to %scan3A_44 step %scan3A_45  : i32 {
      %mul3A_605 = arith.constant 1 : i32
      %mul3A_606 = arith.muli %scan3A_604, %mul3A_605 : i32
      %add3A_607 = arith.constant 0 : i32
      %add3A_608 = arith.addi %add3A_607, %mul3A_606 : i32
      %mul3A_609 = arith.constant 16 : i32
      %mul3A_610 = arith.muli %add3A_608, %mul3A_609 : i32
      %multiple_of3A_611 = tpu.assume_multiple %mul3A_610, 8 : i32
      %get3A = arith.index_cast %multiple_of3A_611 : i32 to index
      %get3A_612 = tpu.vector_load %arg15[%get3A] {strides = array<i32>} : memref<256xi32, #tpu.memory_space<vmem>>, vector<16xi32>,
      %mul3A_613 = arith.constant 4 : i32
      %mul3A_614 = vector.broadcast %mul3A_613 : i32 to vector<16xi32>
      %mul3A_615 = arith.muli %get3A_612, %mul3A_614 : vector<16xi32>
      %swap3A = arith.index_cast %multiple_of3A_611 : i32 to index
      %swap3A_616 = tpu.vector_load %arg15[%swap3A] {strides = array<i32>} : memref<256xi32, #tpu.memory_space<vmem>>, vector<16xi32>,
      tpu.vector_store %arg15[%swap3A], %mul3A_615 {strides = array<i32>} : memref<256xi32, #tpu.memory_space<vmem>>, vector<16xi32>,
    }
    %scan3A_46 = arith.constant 16 : i32
    %dma_start3A_47 = arith.constant 0 : i32
    %dma_start3A_48 = arith.constant 0 : i32
    %dma_start3A_49 = tpu.memref_slice %arg3[%dma_start3A_47, %dma_start3A_48] : memref<4000000x32xf32, #tpu.memory_space<hbm>> -> memref<4000000x32xf32, #tpu.memory_space<hbm>>
    tpu.enqueue_indirect_dma source(%dma_start3A_49 : memref<4000000x32xf32, #tpu.memory_space<hbm>>) target(%arg5 : memref<256x32xf32, #tpu.memory_space<vmem>>) offsets(%arg15 : memref<256xi32, #tpu.memory_space<vmem>>) semaphore(%arg20 : memref<!tpu.dma_semaphore, #tpu.memory_space<semaphore_mem>>)
    %add3A_50 = arith.constant 1 : i32
    %add3A_51 = arith.addi %mul3A_2, %add3A_50 : i32
    %jit3A_52 = arith.constant 64 : i32
    %div3A_53 = arith.divsi %add3A_51, %jit3A_52 : i32
    %sign3A_54 = arith.constant 0 : i32
    %sign3A_55 = arith.cmpi sgt, %add3A_51, %sign3A_54 : i32
    %sign3A_56 = arith.extui %sign3A_55 : i1 to i32
    %sign3A_57 = arith.constant 0 : i32
    %sign3A_58 = arith.cmpi slt, %add3A_51, %sign3A_57 : i32
    %sign3A_59 = arith.extui %sign3A_58 : i1 to i32
    %sign3A_60 = arith.subi %sign3A_56, %sign3A_59 : i32
    %sign3A_61 = arith.constant 0 : i32
    %sign3A_62 = arith.cmpi sgt, %jit3A_52, %sign3A_61 : i32
    %sign3A_63 = arith.extui %sign3A_62 : i1 to i32
    %sign3A_64 = arith.constant 0 : i32
    %sign3A_65 = arith.cmpi slt, %jit3A_52, %sign3A_64 : i32
    %sign3A_66 = arith.extui %sign3A_65 : i1 to i32
    %sign3A_67 = arith.subi %sign3A_63, %sign3A_66 : i32
    %ne3A_68 = arith.cmpi ne, %sign3A_60, %sign3A_67 : i32
    %rem3A_69 = arith.remsi %add3A_51, %jit3A_52 : i32
    %ne3A_70 = arith.constant 0 : i32
    %ne3A_71 = arith.cmpi ne, %rem3A_69, %ne3A_70 : i32
    %and3A_72 = arith.andi %ne3A_68, %ne3A_71 : i1
    %sub3A_73 = arith.constant 1 : i32
    %sub3A_74 = arith.subi %div3A_53, %sub3A_73 : i32
    %select_n3A_75 = arith.select %and3A_72, %sub3A_74, %div3A_53 : i32
    %jit3A_76 = arith.constant 64 : i32
    %eq3A_77 = arith.constant 0 : i32
    %eq3A_78 = arith.cmpi eq, %jit3A_76, %eq3A_77 : i32
    %jit3A_79 = arith.constant 1 : i32
    %select_n3A_80 = arith.select %eq3A_78, %jit3A_79, %jit3A_76 : i32
    %rem3A_81 = arith.remsi %add3A_51, %select_n3A_80 : i32
    %ne3A_82 = arith.constant 0 : i32
    %ne3A_83 = arith.cmpi ne, %rem3A_81, %ne3A_82 : i32
    %lt3A_84 = arith.constant 0 : i32
    %lt3A_85 = arith.cmpi slt, %rem3A_81, %lt3A_84 : i32
    %lt3A_86 = arith.constant 0 : i32
    %lt3A_87 = arith.cmpi slt, %select_n3A_80, %lt3A_86 : i32
    %ne3A_88 = arith.xori %lt3A_85, %lt3A_87 : i1
    %and3A_89 = arith.andi %ne3A_88, %ne3A_83 : i1
    %add3A_90 = arith.addi %rem3A_81, %select_n3A_80 : i32
    %select_n3A_91 = arith.select %and3A_89, %add3A_90, %rem3A_81 : i32
    %mul3A_92 = arith.constant 256 : i32
    %mul3A_93 = arith.muli %select_n3A_91, %mul3A_92 : i32
    %multiple_of3A_94 = tpu.assume_multiple %mul3A_93, 8 : i32
    %dma_start3A_95 = tpu.memref_slice %arg2[%select_n3A_75, %multiple_of3A_94] : memref<50x16384xi32, #tpu.memory_space<hbm>> -> memref<1x256xi32, #tpu.memory_space<hbm>>
    %dma_start3A_96 = tpu.memref_squeeze %dma_start3A_95 : memref<1x256xi32, #tpu.memory_space<hbm>> -> memref<256xi32, #tpu.memory_space<hbm>>
    %dma_start3A_97 = tpu.memref_slice %arg2[%select_n3A_75, %multiple_of3A_94] : memref<50x16384xi32, #tpu.memory_space<hbm>> -> memref<1x256xi32, #tpu.memory_space<hbm>>
    %dma_start3A_98 = tpu.memref_squeeze %dma_start3A_97 : memref<1x256xi32, #tpu.memory_space<hbm>> -> memref<256xi32, #tpu.memory_space<hbm>>
    tpu.enqueue_dma source(%dma_start3A_98 : memref<256xi32, #tpu.memory_space<hbm>>) target(%arg16 : memref<256xi32, #tpu.memory_space<vmem>>) target_semaphore(%arg31 : memref<!tpu.dma_semaphore, #tpu.memory_space<semaphore_mem>>)
    %dma_wait3A_99 = tpu.memref_slice %arg2[%select_n3A_75, %multiple_of3A_94] : memref<50x16384xi32, #tpu.memory_space<hbm>> -> memref<1x256xi32, #tpu.memory_space<hbm>>
    %dma_wait3A_100 = tpu.memref_squeeze %dma_wait3A_99 : memref<1x256xi32, #tpu.memory_space<hbm>> -> memref<256xi32, #tpu.memory_space<hbm>>
    %dma_wait3A_101 = tpu.memref_slice %arg2[%select_n3A_75, %multiple_of3A_94] : memref<50x16384xi32, #tpu.memory_space<hbm>> -> memref<1x256xi32, #tpu.memory_space<hbm>>
    %dma_wait3A_102 = tpu.memref_squeeze %dma_wait3A_101 : memref<1x256xi32, #tpu.memory_space<hbm>> -> memref<256xi32, #tpu.memory_space<hbm>>
    tpu.wait_dma2 semaphore(%arg31 : memref<!tpu.dma_semaphore, #tpu.memory_space<semaphore_mem>>) src(%dma_wait3A_102 : memref<256xi32, #tpu.memory_space<hbm>>) dst(%arg16 : memref<256xi32, #tpu.memory_space<vmem>>)
    %scan3A_103 = arith.constant 0 : i32
    %scan3A_104 = arith.constant 16 : i32
    %scan3A_105 = arith.addi %scan3A_103, %scan3A_104 : i32
    %scan3A_106 = arith.constant 1 : i32
    scf.for %scan3A_604 = %scan3A_103 to %scan3A_105 step %scan3A_106  : i32 {
      %mul3A_605 = arith.constant 1 : i32
      %mul3A_606 = arith.muli %scan3A_604, %mul3A_605 : i32
      %add3A_607 = arith.constant 0 : i32
      %add3A_608 = arith.addi %add3A_607, %mul3A_606 : i32
      %mul3A_609 = arith.constant 16 : i32
      %mul3A_610 = arith.muli %add3A_608, %mul3A_609 : i32
      %multiple_of3A_611 = tpu.assume_multiple %mul3A_610, 8 : i32
      %get3A = arith.index_cast %multiple_of3A_611 : i32 to index
      %get3A_612 = tpu.vector_load %arg16[%get3A] {strides = array<i32>} : memref<256xi32, #tpu.memory_space<vmem>>, vector<16xi32>,
      %mul3A_613 = arith.constant 4 : i32
      %mul3A_614 = vector.broadcast %mul3A_613 : i32 to vector<16xi32>
      %mul3A_615 = arith.muli %get3A_612, %mul3A_614 : vector<16xi32>
      %swap3A = arith.index_cast %multiple_of3A_611 : i32 to index
      %swap3A_616 = tpu.vector_load %arg16[%swap3A] {strides = array<i32>} : memref<256xi32, #tpu.memory_space<vmem>>, vector<16xi32>,
      tpu.vector_store %arg16[%swap3A], %mul3A_615 {strides = array<i32>} : memref<256xi32, #tpu.memory_space<vmem>>, vector<16xi32>,
    }
    %scan3A_107 = arith.constant 16 : i32
    %dma_start3A_108 = arith.constant 0 : i32
    %dma_start3A_109 = arith.constant 0 : i32
    %dma_start3A_110 = tpu.memref_slice %arg3[%dma_start3A_108, %dma_start3A_109] : memref<4000000x32xf32, #tpu.memory_space<hbm>> -> memref<4000000x32xf32, #tpu.memory_space<hbm>>
    tpu.enqueue_indirect_dma source(%dma_start3A_110 : memref<4000000x32xf32, #tpu.memory_space<hbm>>) target(%arg6 : memref<256x32xf32, #tpu.memory_space<vmem>>) offsets(%arg16 : memref<256xi32, #tpu.memory_space<vmem>>) semaphore(%arg21 : memref<!tpu.dma_semaphore, #tpu.memory_space<semaphore_mem>>)
    %add3A_111 = arith.constant 2 : i32
    %add3A_112 = arith.addi %mul3A_2, %add3A_111 : i32
    %jit3A_113 = arith.constant 64 : i32
    %div3A_114 = arith.divsi %add3A_112, %jit3A_113 : i32
    %sign3A_115 = arith.constant 0 : i32
    %sign3A_116 = arith.cmpi sgt, %add3A_112, %sign3A_115 : i32
    %sign3A_117 = arith.extui %sign3A_116 : i1 to i32
    %sign3A_118 = arith.constant 0 : i32
    %sign3A_119 = arith.cmpi slt, %add3A_112, %sign3A_118 : i32
    %sign3A_120 = arith.extui %sign3A_119 : i1 to i32
    %sign3A_121 = arith.subi %sign3A_117, %sign3A_120 : i32
    %sign3A_122 = arith.constant 0 : i32
    %sign3A_123 = arith.cmpi sgt, %jit3A_113, %sign3A_122 : i32
    %sign3A_124 = arith.extui %sign3A_123 : i1 to i32
    %sign3A_125 = arith.constant 0 : i32
    %sign3A_126 = arith.cmpi slt, %jit3A_113, %sign3A_125 : i32
    %sign3A_127 = arith.extui %sign3A_126 : i1 to i32
    %sign3A_128 = arith.subi %sign3A_124, %sign3A_127 : i32
    %ne3A_129 = arith.cmpi ne, %sign3A_121, %sign3A_128 : i32
    %rem3A_130 = arith.remsi %add3A_112, %jit3A_113 : i32
    %ne3A_131 = arith.constant 0 : i32
    %ne3A_132 = arith.cmpi ne, %rem3A_130, %ne3A_131 : i32
    %and3A_133 = arith.andi %ne3A_129, %ne3A_132 : i1
    %sub3A_134 = arith.constant 1 : i32
    %sub3A_135 = arith.subi %div3A_114, %sub3A_134 : i32
    %select_n3A_136 = arith.select %and3A_133, %sub3A_135, %div3A_114 : i32
    %jit3A_137 = arith.constant 64 : i32
    %eq3A_138 = arith.constant 0 : i32
    %eq3A_139 = arith.cmpi eq, %jit3A_137, %eq3A_138 : i32
    %jit3A_140 = arith.constant 1 : i32
    %select_n3A_141 = arith.select %eq3A_139, %jit3A_140, %jit3A_137 : i32
    %rem3A_142 = arith.remsi %add3A_112, %select_n3A_141 : i32
    %ne3A_143 = arith.constant 0 : i32
    %ne3A_144 = arith.cmpi ne, %rem3A_142, %ne3A_143 : i32
    %lt3A_145 = arith.constant 0 : i32
    %lt3A_146 = arith.cmpi slt, %rem3A_142, %lt3A_145 : i32
    %lt3A_147 = arith.constant 0 : i32
    %lt3A_148 = arith.cmpi slt, %select_n3A_141, %lt3A_147 : i32
    %ne3A_149 = arith.xori %lt3A_146, %lt3A_148 : i1
    %and3A_150 = arith.andi %ne3A_149, %ne3A_144 : i1
    %add3A_151 = arith.addi %rem3A_142, %select_n3A_141 : i32
    %select_n3A_152 = arith.select %and3A_150, %add3A_151, %rem3A_142 : i32
    %mul3A_153 = arith.constant 256 : i32
    %mul3A_154 = arith.muli %select_n3A_152, %mul3A_153 : i32
    %multiple_of3A_155 = tpu.assume_multiple %mul3A_154, 8 : i32
    %dma_start3A_156 = tpu.memref_slice %arg2[%select_n3A_136, %multiple_of3A_155] : memref<50x16384xi32, #tpu.memory_space<hbm>> -> memref<1x256xi32, #tpu.memory_space<hbm>>
    %dma_start3A_157 = tpu.memref_squeeze %dma_start3A_156 : memref<1x256xi32, #tpu.memory_space<hbm>> -> memref<256xi32, #tpu.memory_space<hbm>>
    %dma_start3A_158 = tpu.memref_slice %arg2[%select_n3A_136, %multiple_of3A_155] : memref<50x16384xi32, #tpu.memory_space<hbm>> -> memref<1x256xi32, #tpu.memory_space<hbm>>
    %dma_start3A_159 = tpu.memref_squeeze %dma_start3A_158 : memref<1x256xi32, #tpu.memory_space<hbm>> -> memref<256xi32, #tpu.memory_space<hbm>>
    tpu.enqueue_dma source(%dma_start3A_159 : memref<256xi32, #tpu.memory_space<hbm>>) target(%arg17 : memref<256xi32, #tpu.memory_space<vmem>>) target_semaphore(%arg32 : memref<!tpu.dma_semaphore, #tpu.memory_space<semaphore_mem>>)
    %dma_wait3A_160 = tpu.memref_slice %arg2[%select_n3A_136, %multiple_of3A_155] : memref<50x16384xi32, #tpu.memory_space<hbm>> -> memref<1x256xi32, #tpu.memory_space<hbm>>
    %dma_wait3A_161 = tpu.memref_squeeze %dma_wait3A_160 : memref<1x256xi32, #tpu.memory_space<hbm>> -> memref<256xi32, #tpu.memory_space<hbm>>
    %dma_wait3A_162 = tpu.memref_slice %arg2[%select_n3A_136, %multiple_of3A_155] : memref<50x16384xi32, #tpu.memory_space<hbm>> -> memref<1x256xi32, #tpu.memory_space<hbm>>
    %dma_wait3A_163 = tpu.memref_squeeze %dma_wait3A_162 : memref<1x256xi32, #tpu.memory_space<hbm>> -> memref<256xi32, #tpu.memory_space<hbm>>
    tpu.wait_dma2 semaphore(%arg32 : memref<!tpu.dma_semaphore, #tpu.memory_space<semaphore_mem>>) src(%dma_wait3A_163 : memref<256xi32, #tpu.memory_space<hbm>>) dst(%arg17 : memref<256xi32, #tpu.memory_space<vmem>>)
    %scan3A_164 = arith.constant 0 : i32
    %scan3A_165 = arith.constant 16 : i32
    %scan3A_166 = arith.addi %scan3A_164, %scan3A_165 : i32
    %scan3A_167 = arith.constant 1 : i32
    scf.for %scan3A_604 = %scan3A_164 to %scan3A_166 step %scan3A_167  : i32 {
      %mul3A_605 = arith.constant 1 : i32
      %mul3A_606 = arith.muli %scan3A_604, %mul3A_605 : i32
      %add3A_607 = arith.constant 0 : i32
      %add3A_608 = arith.addi %add3A_607, %mul3A_606 : i32
      %mul3A_609 = arith.constant 16 : i32
      %mul3A_610 = arith.muli %add3A_608, %mul3A_609 : i32
      %multiple_of3A_611 = tpu.assume_multiple %mul3A_610, 8 : i32
      %get3A = arith.index_cast %multiple_of3A_611 : i32 to index
      %get3A_612 = tpu.vector_load %arg17[%get3A] {strides = array<i32>} : memref<256xi32, #tpu.memory_space<vmem>>, vector<16xi32>,
      %mul3A_613 = arith.constant 4 : i32
      %mul3A_614 = vector.broadcast %mul3A_613 : i32 to vector<16xi32>
      %mul3A_615 = arith.muli %get3A_612, %mul3A_614 : vector<16xi32>
      %swap3A = arith.index_cast %multiple_of3A_611 : i32 to index
      %swap3A_616 = tpu.vector_load %arg17[%swap3A] {strides = array<i32>} : memref<256xi32, #tpu.memory_space<vmem>>, vector<16xi32>,
      tpu.vector_store %arg17[%swap3A], %mul3A_615 {strides = array<i32>} : memref<256xi32, #tpu.memory_space<vmem>>, vector<16xi32>,
    }
    %scan3A_168 = arith.constant 16 : i32
    %dma_start3A_169 = arith.constant 0 : i32
    %dma_start3A_170 = arith.constant 0 : i32
    %dma_start3A_171 = tpu.memref_slice %arg3[%dma_start3A_169, %dma_start3A_170] : memref<4000000x32xf32, #tpu.memory_space<hbm>> -> memref<4000000x32xf32, #tpu.memory_space<hbm>>
    tpu.enqueue_indirect_dma source(%dma_start3A_171 : memref<4000000x32xf32, #tpu.memory_space<hbm>>) target(%arg7 : memref<256x32xf32, #tpu.memory_space<vmem>>) offsets(%arg17 : memref<256xi32, #tpu.memory_space<vmem>>) semaphore(%arg22 : memref<!tpu.dma_semaphore, #tpu.memory_space<semaphore_mem>>)
    %add3A_172 = arith.constant 3 : i32
    %add3A_173 = arith.addi %mul3A_2, %add3A_172 : i32
    %jit3A_174 = arith.constant 64 : i32
    %div3A_175 = arith.divsi %add3A_173, %jit3A_174 : i32
    %sign3A_176 = arith.constant 0 : i32
    %sign3A_177 = arith.cmpi sgt, %add3A_173, %sign3A_176 : i32
    %sign3A_178 = arith.extui %sign3A_177 : i1 to i32
    %sign3A_179 = arith.constant 0 : i32
    %sign3A_180 = arith.cmpi slt, %add3A_173, %sign3A_179 : i32
    %sign3A_181 = arith.extui %sign3A_180 : i1 to i32
    %sign3A_182 = arith.subi %sign3A_178, %sign3A_181 : i32
    %sign3A_183 = arith.constant 0 : i32
    %sign3A_184 = arith.cmpi sgt, %jit3A_174, %sign3A_183 : i32
    %sign3A_185 = arith.extui %sign3A_184 : i1 to i32
    %sign3A_186 = arith.constant 0 : i32
    %sign3A_187 = arith.cmpi slt, %jit3A_174, %sign3A_186 : i32
    %sign3A_188 = arith.extui %sign3A_187 : i1 to i32
    %sign3A_189 = arith.subi %sign3A_185, %sign3A_188 : i32
    %ne3A_190 = arith.cmpi ne, %sign3A_182, %sign3A_189 : i32
    %rem3A_191 = arith.remsi %add3A_173, %jit3A_174 : i32
    %ne3A_192 = arith.constant 0 : i32
    %ne3A_193 = arith.cmpi ne, %rem3A_191, %ne3A_192 : i32
    %and3A_194 = arith.andi %ne3A_190, %ne3A_193 : i1
    %sub3A_195 = arith.constant 1 : i32
    %sub3A_196 = arith.subi %div3A_175, %sub3A_195 : i32
    %select_n3A_197 = arith.select %and3A_194, %sub3A_196, %div3A_175 : i32
    %jit3A_198 = arith.constant 64 : i32
    %eq3A_199 = arith.constant 0 : i32
    %eq3A_200 = arith.cmpi eq, %jit3A_198, %eq3A_199 : i32
    %jit3A_201 = arith.constant 1 : i32
    %select_n3A_202 = arith.select %eq3A_200, %jit3A_201, %jit3A_198 : i32
    %rem3A_203 = arith.remsi %add3A_173, %select_n3A_202 : i32
    %ne3A_204 = arith.constant 0 : i32
    %ne3A_205 = arith.cmpi ne, %rem3A_203, %ne3A_204 : i32
    %lt3A_206 = arith.constant 0 : i32
    %lt3A_207 = arith.cmpi slt, %rem3A_203, %lt3A_206 : i32
    %lt3A_208 = arith.constant 0 : i32
    %lt3A_209 = arith.cmpi slt, %select_n3A_202, %lt3A_208 : i32
    %ne3A_210 = arith.xori %lt3A_207, %lt3A_209 : i1
    %and3A_211 = arith.andi %ne3A_210, %ne3A_205 : i1
    %add3A_212 = arith.addi %rem3A_203, %select_n3A_202 : i32
    %select_n3A_213 = arith.select %and3A_211, %add3A_212, %rem3A_203 : i32
    %mul3A_214 = arith.constant 256 : i32
    %mul3A_215 = arith.muli %select_n3A_213, %mul3A_214 : i32
    %multiple_of3A_216 = tpu.assume_multiple %mul3A_215, 8 : i32
    %dma_start3A_217 = tpu.memref_slice %arg2[%select_n3A_197, %multiple_of3A_216] : memref<50x16384xi32, #tpu.memory_space<hbm>> -> memref<1x256xi32, #tpu.memory_space<hbm>>
    %dma_start3A_218 = tpu.memref_squeeze %dma_start3A_217 : memref<1x256xi32, #tpu.memory_space<hbm>> -> memref<256xi32, #tpu.memory_space<hbm>>
    %dma_start3A_219 = tpu.memref_slice %arg2[%select_n3A_197, %multiple_of3A_216] : memref<50x16384xi32, #tpu.memory_space<hbm>> -> memref<1x256xi32, #tpu.memory_space<hbm>>
    %dma_start3A_220 = tpu.memref_squeeze %dma_start3A_219 : memref<1x256xi32, #tpu.memory_space<hbm>> -> memref<256xi32, #tpu.memory_space<hbm>>
    tpu.enqueue_dma source(%dma_start3A_220 : memref<256xi32, #tpu.memory_space<hbm>>) target(%arg18 : memref<256xi32, #tpu.memory_space<vmem>>) target_semaphore(%arg33 : memref<!tpu.dma_semaphore, #tpu.memory_space<semaphore_mem>>)
    %dma_wait3A_221 = tpu.memref_slice %arg2[%select_n3A_197, %multiple_of3A_216] : memref<50x16384xi32, #tpu.memory_space<hbm>> -> memref<1x256xi32, #tpu.memory_space<hbm>>
    %dma_wait3A_222 = tpu.memref_squeeze %dma_wait3A_221 : memref<1x256xi32, #tpu.memory_space<hbm>> -> memref<256xi32, #tpu.memory_space<hbm>>
    %dma_wait3A_223 = tpu.memref_slice %arg2[%select_n3A_197, %multiple_of3A_216] : memref<50x16384xi32, #tpu.memory_space<hbm>> -> memref<1x256xi32, #tpu.memory_space<hbm>>
    %dma_wait3A_224 = tpu.memref_squeeze %dma_wait3A_223 : memref<1x256xi32, #tpu.memory_space<hbm>> -> memref<256xi32, #tpu.memory_space<hbm>>
    tpu.wait_dma2 semaphore(%arg33 : memref<!tpu.dma_semaphore, #tpu.memory_space<semaphore_mem>>) src(%dma_wait3A_224 : memref<256xi32, #tpu.memory_space<hbm>>) dst(%arg18 : memref<256xi32, #tpu.memory_space<vmem>>)
    %scan3A_225 = arith.constant 0 : i32
    %scan3A_226 = arith.constant 16 : i32
    %scan3A_227 = arith.addi %scan3A_225, %scan3A_226 : i32
    %scan3A_228 = arith.constant 1 : i32
    scf.for %scan3A_604 = %scan3A_225 to %scan3A_227 step %scan3A_228  : i32 {
      %mul3A_605 = arith.constant 1 : i32
      %mul3A_606 = arith.muli %scan3A_604, %mul3A_605 : i32
      %add3A_607 = arith.constant 0 : i32
      %add3A_608 = arith.addi %add3A_607, %mul3A_606 : i32
      %mul3A_609 = arith.constant 16 : i32
      %mul3A_610 = arith.muli %add3A_608, %mul3A_609 : i32
      %multiple_of3A_611 = tpu.assume_multiple %mul3A_610, 8 : i32
      %get3A = arith.index_cast %multiple_of3A_611 : i32 to index
      %get3A_612 = tpu.vector_load %arg18[%get3A] {strides = array<i32>} : memref<256xi32, #tpu.memory_space<vmem>>, vector<16xi32>,
      %mul3A_613 = arith.constant 4 : i32
      %mul3A_614 = vector.broadcast %mul3A_613 : i32 to vector<16xi32>
      %mul3A_615 = arith.muli %get3A_612, %mul3A_614 : vector<16xi32>
      %swap3A = arith.index_cast %multiple_of3A_611 : i32 to index
      %swap3A_616 = tpu.vector_load %arg18[%swap3A] {strides = array<i32>} : memref<256xi32, #tpu.memory_space<vmem>>, vector<16xi32>,
      tpu.vector_store %arg18[%swap3A], %mul3A_615 {strides = array<i32>} : memref<256xi32, #tpu.memory_space<vmem>>, vector<16xi32>,
    }
    %scan3A_229 = arith.constant 16 : i32
    %dma_start3A_230 = arith.constant 0 : i32
    %dma_start3A_231 = arith.constant 0 : i32
    %dma_start3A_232 = tpu.memref_slice %arg3[%dma_start3A_230, %dma_start3A_231] : memref<4000000x32xf32, #tpu.memory_space<hbm>> -> memref<4000000x32xf32, #tpu.memory_space<hbm>>
    tpu.enqueue_indirect_dma source(%dma_start3A_232 : memref<4000000x32xf32, #tpu.memory_space<hbm>>) target(%arg8 : memref<256x32xf32, #tpu.memory_space<vmem>>) offsets(%arg18 : memref<256xi32, #tpu.memory_space<vmem>>) semaphore(%arg23 : memref<!tpu.dma_semaphore, #tpu.memory_space<semaphore_mem>>)
    %add3A_233 = arith.constant 4 : i32
    %add3A_234 = arith.addi %mul3A_2, %add3A_233 : i32
    %jit3A_235 = arith.constant 64 : i32
    %div3A_236 = arith.divsi %add3A_234, %jit3A_235 : i32
    %sign3A_237 = arith.constant 0 : i32
    %sign3A_238 = arith.cmpi sgt, %add3A_234, %sign3A_237 : i32
    %sign3A_239 = arith.extui %sign3A_238 : i1 to i32
    %sign3A_240 = arith.constant 0 : i32
    %sign3A_241 = arith.cmpi slt, %add3A_234, %sign3A_240 : i32
    %sign3A_242 = arith.extui %sign3A_241 : i1 to i32
    %sign3A_243 = arith.subi %sign3A_239, %sign3A_242 : i32
    %sign3A_244 = arith.constant 0 : i32
    %sign3A_245 = arith.cmpi sgt, %jit3A_235, %sign3A_244 : i32
    %sign3A_246 = arith.extui %sign3A_245 : i1 to i32
    %sign3A_247 = arith.constant 0 : i32
    %sign3A_248 = arith.cmpi slt, %jit3A_235, %sign3A_247 : i32
    %sign3A_249 = arith.extui %sign3A_248 : i1 to i32
    %sign3A_250 = arith.subi %sign3A_246, %sign3A_249 : i32
    %ne3A_251 = arith.cmpi ne, %sign3A_243, %sign3A_250 : i32
    %rem3A_252 = arith.remsi %add3A_234, %jit3A_235 : i32
    %ne3A_253 = arith.constant 0 : i32
    %ne3A_254 = arith.cmpi ne, %rem3A_252, %ne3A_253 : i32
    %and3A_255 = arith.andi %ne3A_251, %ne3A_254 : i1
    %sub3A_256 = arith.constant 1 : i32
    %sub3A_257 = arith.subi %div3A_236, %sub3A_256 : i32
    %select_n3A_258 = arith.select %and3A_255, %sub3A_257, %div3A_236 : i32
    %jit3A_259 = arith.constant 64 : i32
    %eq3A_260 = arith.constant 0 : i32
    %eq3A_261 = arith.cmpi eq, %jit3A_259, %eq3A_260 : i32
    %jit3A_262 = arith.constant 1 : i32
    %select_n3A_263 = arith.select %eq3A_261, %jit3A_262, %jit3A_259 : i32
    %rem3A_264 = arith.remsi %add3A_234, %select_n3A_263 : i32
    %ne3A_265 = arith.constant 0 : i32
    %ne3A_266 = arith.cmpi ne, %rem3A_264, %ne3A_265 : i32
    %lt3A_267 = arith.constant 0 : i32
    %lt3A_268 = arith.cmpi slt, %rem3A_264, %lt3A_267 : i32
    %lt3A_269 = arith.constant 0 : i32
    %lt3A_270 = arith.cmpi slt, %select_n3A_263, %lt3A_269 : i32
    %ne3A_271 = arith.xori %lt3A_268, %lt3A_270 : i1
    %and3A_272 = arith.andi %ne3A_271, %ne3A_266 : i1
    %add3A_273 = arith.addi %rem3A_264, %select_n3A_263 : i32
    %select_n3A_274 = arith.select %and3A_272, %add3A_273, %rem3A_264 : i32
    %mul3A_275 = arith.constant 256 : i32
    %mul3A_276 = arith.muli %select_n3A_274, %mul3A_275 : i32
    %multiple_of3A_277 = tpu.assume_multiple %mul3A_276, 8 : i32
    %dma_start3A_278 = tpu.memref_slice %arg2[%select_n3A_258, %multiple_of3A_277] : memref<50x16384xi32, #tpu.memory_space<hbm>> -> memref<1x256xi32, #tpu.memory_space<hbm>>
    %dma_start3A_279 = tpu.memref_squeeze %dma_start3A_278 : memref<1x256xi32, #tpu.memory_space<hbm>> -> memref<256xi32, #tpu.memory_space<hbm>>
    %dma_start3A_280 = tpu.memref_slice %arg2[%select_n3A_258, %multiple_of3A_277] : memref<50x16384xi32, #tpu.memory_space<hbm>> -> memref<1x256xi32, #tpu.memory_space<hbm>>
    %dma_start3A_281 = tpu.memref_squeeze %dma_start3A_280 : memref<1x256xi32, #tpu.memory_space<hbm>> -> memref<256xi32, #tpu.memory_space<hbm>>
    tpu.enqueue_dma source(%dma_start3A_281 : memref<256xi32, #tpu.memory_space<hbm>>) target(%arg19 : memref<256xi32, #tpu.memory_space<vmem>>) target_semaphore(%arg34 : memref<!tpu.dma_semaphore, #tpu.memory_space<semaphore_mem>>)
    %dma_wait3A_282 = tpu.memref_slice %arg2[%select_n3A_258, %multiple_of3A_277] : memref<50x16384xi32, #tpu.memory_space<hbm>> -> memref<1x256xi32, #tpu.memory_space<hbm>>
    %dma_wait3A_283 = tpu.memref_squeeze %dma_wait3A_282 : memref<1x256xi32, #tpu.memory_space<hbm>> -> memref<256xi32, #tpu.memory_space<hbm>>
    %dma_wait3A_284 = tpu.memref_slice %arg2[%select_n3A_258, %multiple_of3A_277] : memref<50x16384xi32, #tpu.memory_space<hbm>> -> memref<1x256xi32, #tpu.memory_space<hbm>>
    %dma_wait3A_285 = tpu.memref_squeeze %dma_wait3A_284 : memref<1x256xi32, #tpu.memory_space<hbm>> -> memref<256xi32, #tpu.memory_space<hbm>>
    tpu.wait_dma2 semaphore(%arg34 : memref<!tpu.dma_semaphore, #tpu.memory_space<semaphore_mem>>) src(%dma_wait3A_285 : memref<256xi32, #tpu.memory_space<hbm>>) dst(%arg19 : memref<256xi32, #tpu.memory_space<vmem>>)
    %scan3A_286 = arith.constant 0 : i32
    %scan3A_287 = arith.constant 16 : i32
    %scan3A_288 = arith.addi %scan3A_286, %scan3A_287 : i32
    %scan3A_289 = arith.constant 1 : i32
    scf.for %scan3A_604 = %scan3A_286 to %scan3A_288 step %scan3A_289  : i32 {
      %mul3A_605 = arith.constant 1 : i32
      %mul3A_606 = arith.muli %scan3A_604, %mul3A_605 : i32
      %add3A_607 = arith.constant 0 : i32
      %add3A_608 = arith.addi %add3A_607, %mul3A_606 : i32
      %mul3A_609 = arith.constant 16 : i32
      %mul3A_610 = arith.muli %add3A_608, %mul3A_609 : i32
      %multiple_of3A_611 = tpu.assume_multiple %mul3A_610, 8 : i32
      %get3A = arith.index_cast %multiple_of3A_611 : i32 to index
      %get3A_612 = tpu.vector_load %arg19[%get3A] {strides = array<i32>} : memref<256xi32, #tpu.memory_space<vmem>>, vector<16xi32>,
      %mul3A_613 = arith.constant 4 : i32
      %mul3A_614 = vector.broadcast %mul3A_613 : i32 to vector<16xi32>
      %mul3A_615 = arith.muli %get3A_612, %mul3A_614 : vector<16xi32>
      %swap3A = arith.index_cast %multiple_of3A_611 : i32 to index
      %swap3A_616 = tpu.vector_load %arg19[%swap3A] {strides = array<i32>} : memref<256xi32, #tpu.memory_space<vmem>>, vector<16xi32>,
      tpu.vector_store %arg19[%swap3A], %mul3A_615 {strides = array<i32>} : memref<256xi32, #tpu.memory_space<vmem>>, vector<16xi32>,
    }
    %scan3A_290 = arith.constant 16 : i32
    %dma_start3A_291 = arith.constant 0 : i32
    %dma_start3A_292 = arith.constant 0 : i32
    %dma_start3A_293 = tpu.memref_slice %arg3[%dma_start3A_291, %dma_start3A_292] : memref<4000000x32xf32, #tpu.memory_space<hbm>> -> memref<4000000x32xf32, #tpu.memory_space<hbm>>
    tpu.enqueue_indirect_dma source(%dma_start3A_293 : memref<4000000x32xf32, #tpu.memory_space<hbm>>) target(%arg9 : memref<256x32xf32, #tpu.memory_space<vmem>>) offsets(%arg19 : memref<256xi32, #tpu.memory_space<vmem>>) semaphore(%arg24 : memref<!tpu.dma_semaphore, #tpu.memory_space<semaphore_mem>>)
    %scan3A_294 = arith.constant 0 : i32
    %scan3A_295 = arith.constant 20 : i32
    %scan3A_296 = arith.addi %scan3A_294, %scan3A_295 : i32
    %scan3A_297 = arith.constant 1 : i32
    scf.for %scan3A_604 = %scan3A_294 to %scan3A_296 step %scan3A_297  : i32 {
      %mul3A_605 = arith.constant 1 : i32
      %mul3A_606 = arith.muli %scan3A_604, %mul3A_605 : i32
      %add3A_607 = arith.constant 0 : i32
      %add3A_608 = arith.addi %add3A_607, %mul3A_606 : i32
      %mul3A_609 = arith.constant 5 : i32
      %mul3A_610 = arith.muli %add3A_608, %mul3A_609 : i32
      %add3A_611 = arith.addi %mul3A_2, %mul3A_610 : i32
      %add3A_612 = arith.constant 0 : i32
      %add3A_613 = arith.addi %add3A_611, %add3A_612 : i32
      %dma_wait3A_614 = arith.constant 0 : i32
      %dma_wait3A_615 = arith.constant 0 : i32
      %dma_wait3A_616 = tpu.memref_slice %arg3[%dma_wait3A_614, %dma_wait3A_615] : memref<4000000x32xf32, #tpu.memory_space<hbm>> -> memref<4000000x32xf32, #tpu.memory_space<hbm>>
      tpu.wait_indirect_dma semaphore(%arg20 : memref<!tpu.dma_semaphore, #tpu.memory_space<semaphore_mem>>) src(%dma_wait3A_616 : memref<4000000x32xf32, #tpu.memory_space<hbm>>) dst(%arg5 : memref<256x32xf32, #tpu.memory_space<vmem>>)
      %gt3A = arith.constant 0 : i32
      %gt3A_617 = arith.cmpi sgt, %add3A_608, %gt3A : i32
      %convert_element_type3A = arith.extui %gt3A_617 : i1 to i32
      %cond3A = arith.constant 0 : i32
      %cond3A_618 = arith.cmpi ne, %convert_element_type3A, %cond3A : i32
      scf.if %cond3A_618 {
        %sub3A_1021 = arith.constant 5 : i32
        %sub3A_1022 = arith.subi %add3A_613, %sub3A_1021 : i32
        %jit3A_1023 = arith.constant 64 : i32
        %div3A_1024 = arith.divsi %sub3A_1022, %jit3A_1023 : i32
        %sign3A_1025 = arith.constant 0 : i32
        %sign3A_1026 = arith.cmpi sgt, %sub3A_1022, %sign3A_1025 : i32
        %sign3A_1027 = arith.extui %sign3A_1026 : i1 to i32
        %sign3A_1028 = arith.constant 0 : i32
        %sign3A_1029 = arith.cmpi slt, %sub3A_1022, %sign3A_1028 : i32
        %sign3A_1030 = arith.extui %sign3A_1029 : i1 to i32
        %sign3A_1031 = arith.subi %sign3A_1027, %sign3A_1030 : i32
        %sign3A_1032 = arith.constant 0 : i32
        %sign3A_1033 = arith.cmpi sgt, %jit3A_1023, %sign3A_1032 : i32
        %sign3A_1034 = arith.extui %sign3A_1033 : i1 to i32
        %sign3A_1035 = arith.constant 0 : i32
        %sign3A_1036 = arith.cmpi slt, %jit3A_1023, %sign3A_1035 : i32
        %sign3A_1037 = arith.extui %sign3A_1036 : i1 to i32
        %sign3A_1038 = arith.subi %sign3A_1034, %sign3A_1037 : i32
        %ne3A_1039 = arith.cmpi ne, %sign3A_1031, %sign3A_1038 : i32
        %rem3A_1040 = arith.remsi %sub3A_1022, %jit3A_1023 : i32
        %ne3A_1041 = arith.constant 0 : i32
        %ne3A_1042 = arith.cmpi ne, %rem3A_1040, %ne3A_1041 : i32
        %and3A_1043 = arith.andi %ne3A_1039, %ne3A_1042 : i1
        %sub3A_1044 = arith.constant 1 : i32
        %sub3A_1045 = arith.subi %div3A_1024, %sub3A_1044 : i32
        %select_n3A_1046 = arith.select %and3A_1043, %sub3A_1045, %div3A_1024 : i32
        %jit3A_1047 = arith.constant 64 : i32
        %eq3A_1048 = arith.constant 0 : i32
        %eq3A_1049 = arith.cmpi eq, %jit3A_1047, %eq3A_1048 : i32
        %jit3A_1050 = arith.constant 1 : i32
        %select_n3A_1051 = arith.select %eq3A_1049, %jit3A_1050, %jit3A_1047 : i32
        %rem3A_1052 = arith.remsi %sub3A_1022, %select_n3A_1051 : i32
        %ne3A_1053 = arith.constant 0 : i32
        %ne3A_1054 = arith.cmpi ne, %rem3A_1052, %ne3A_1053 : i32
        %lt3A_1055 = arith.constant 0 : i32
        %lt3A_1056 = arith.cmpi slt, %rem3A_1052, %lt3A_1055 : i32
        %lt3A_1057 = arith.constant 0 : i32
        %lt3A_1058 = arith.cmpi slt, %select_n3A_1051, %lt3A_1057 : i32
        %ne3A_1059 = arith.xori %lt3A_1056, %lt3A_1058 : i1
        %and3A_1060 = arith.andi %ne3A_1059, %ne3A_1054 : i1
        %add3A_1061 = arith.addi %rem3A_1052, %select_n3A_1051 : i32
        %select_n3A_1062 = arith.select %and3A_1060, %add3A_1061, %rem3A_1052 : i32
        %mul3A_1063 = arith.constant 256 : i32
        %mul3A_1064 = arith.muli %select_n3A_1062, %mul3A_1063 : i32
        %multiple_of3A_1065 = tpu.assume_multiple %mul3A_1064, 8 : i32
        %dma_wait3A_1066 = arith.constant 0 : i32
        %dma_wait3A_1067 = arith.constant 0 : i32
        %dma_wait3A_1068 = tpu.memref_slice %arg10[%dma_wait3A_1066, %dma_wait3A_1067] : memref<32x257xf32, #tpu.memory_space<vmem>> -> memref<32x256xf32, #tpu.memory_space<vmem>>
        %dma_wait3A_1069 = arith.constant 0 : i32
        %dma_wait3A_1070 = tpu.memref_slice %arg4[%select_n3A_1046, %dma_wait3A_1069, %multiple_of3A_1065] : memref<50x32x16384xf32, #tpu.memory_space<hbm>> -> memref<1x32x256xf32, #tpu.memory_space<hbm>>
        %dma_wait3A_1071 = tpu.memref_squeeze %dma_wait3A_1070 : memref<1x32x256xf32, #tpu.memory_space<hbm>> -> memref<32x256xf32, #tpu.memory_space<hbm>>
        %dma_wait3A_1072 = arith.constant 0 : i32
        %dma_wait3A_1073 = tpu.memref_slice %arg4[%select_n3A_1046, %dma_wait3A_1072, %multiple_of3A_1065] : memref<50x32x16384xf32, #tpu.memory_space<hbm>> -> memref<1x32x256xf32, #tpu.memory_space<hbm>>
        %dma_wait3A_1074 = tpu.memref_squeeze %dma_wait3A_1073 : memref<1x32x256xf32, #tpu.memory_space<hbm>> -> memref<32x256xf32, #tpu.memory_space<hbm>>
        %dma_wait3A_1075 = arith.constant 0 : i32
        %dma_wait3A_1076 = arith.constant 0 : i32
        %dma_wait3A_1077 = tpu.memref_slice %arg10[%dma_wait3A_1075, %dma_wait3A_1076] : memref<32x257xf32, #tpu.memory_space<vmem>> -> memref<32x256xf32, #tpu.memory_space<vmem>>
        tpu.wait_dma2 semaphore(%arg25 : memref<!tpu.dma_semaphore, #tpu.memory_space<semaphore_mem>>) src(%dma_wait3A_1077 : memref<32x256xf32, #tpu.memory_space<vmem>>) dst(%dma_wait3A_1074 : memref<32x256xf32, #tpu.memory_space<hbm>>)
      } else {
      }
      %lt3A_619 = arith.constant 19 : i32
      %lt3A_620 = arith.cmpi slt, %add3A_608, %lt3A_619 : i32
      %convert_element_type3A_621 = arith.extui %lt3A_620 : i1 to i32
      %cond3A_622 = arith.constant 0 : i32
      %cond3A_623 = arith.cmpi ne, %convert_element_type3A_621, %cond3A_622 : i32
      scf.if %cond3A_623 {
        %add3A_1021 = arith.constant 5 : i32
        %add3A_1022 = arith.addi %add3A_613, %add3A_1021 : i32
        %jit3A_1023 = arith.constant 64 : i32
        %div3A_1024 = arith.divsi %add3A_1022, %jit3A_1023 : i32
        %sign3A_1025 = arith.constant 0 : i32
        %sign3A_1026 = arith.cmpi sgt, %add3A_1022, %sign3A_1025 : i32
        %sign3A_1027 = arith.extui %sign3A_1026 : i1 to i32
        %sign3A_1028 = arith.constant 0 : i32
        %sign3A_1029 = arith.cmpi slt, %add3A_1022, %sign3A_1028 : i32
        %sign3A_1030 = arith.extui %sign3A_1029 : i1 to i32
        %sign3A_1031 = arith.subi %sign3A_1027, %sign3A_1030 : i32
        %sign3A_1032 = arith.constant 0 : i32
        %sign3A_1033 = arith.cmpi sgt, %jit3A_1023, %sign3A_1032 : i32
        %sign3A_1034 = arith.extui %sign3A_1033 : i1 to i32
        %sign3A_1035 = arith.constant 0 : i32
        %sign3A_1036 = arith.cmpi slt, %jit3A_1023, %sign3A_1035 : i32
        %sign3A_1037 = arith.extui %sign3A_1036 : i1 to i32
        %sign3A_1038 = arith.subi %sign3A_1034, %sign3A_1037 : i32
        %ne3A_1039 = arith.cmpi ne, %sign3A_1031, %sign3A_1038 : i32
        %rem3A_1040 = arith.remsi %add3A_1022, %jit3A_1023 : i32
        %ne3A_1041 = arith.constant 0 : i32
        %ne3A_1042 = arith.cmpi ne, %rem3A_1040, %ne3A_1041 : i32
        %and3A_1043 = arith.andi %ne3A_1039, %ne3A_1042 : i1
        %sub3A_1044 = arith.constant 1 : i32
        %sub3A_1045 = arith.subi %div3A_1024, %sub3A_1044 : i32
        %select_n3A_1046 = arith.select %and3A_1043, %sub3A_1045, %div3A_1024 : i32
        %jit3A_1047 = arith.constant 64 : i32
        %eq3A_1048 = arith.constant 0 : i32
        %eq3A_1049 = arith.cmpi eq, %jit3A_1047, %eq3A_1048 : i32
        %jit3A_1050 = arith.constant 1 : i32
        %select_n3A_1051 = arith.select %eq3A_1049, %jit3A_1050, %jit3A_1047 : i32
        %rem3A_1052 = arith.remsi %add3A_1022, %select_n3A_1051 : i32
        %ne3A_1053 = arith.constant 0 : i32
        %ne3A_1054 = arith.cmpi ne, %rem3A_1052, %ne3A_1053 : i32
        %lt3A_1055 = arith.constant 0 : i32
        %lt3A_1056 = arith.cmpi slt, %rem3A_1052, %lt3A_1055 : i32
        %lt3A_1057 = arith.constant 0 : i32
        %lt3A_1058 = arith.cmpi slt, %select_n3A_1051, %lt3A_1057 : i32
        %ne3A_1059 = arith.xori %lt3A_1056, %lt3A_1058 : i1
        %and3A_1060 = arith.andi %ne3A_1059, %ne3A_1054 : i1
        %add3A_1061 = arith.addi %rem3A_1052, %select_n3A_1051 : i32
        %select_n3A_1062 = arith.select %and3A_1060, %add3A_1061, %rem3A_1052 : i32
        %mul3A_1063 = arith.constant 256 : i32
        %mul3A_1064 = arith.muli %select_n3A_1062, %mul3A_1063 : i32
        %multiple_of3A_1065 = tpu.assume_multiple %mul3A_1064, 8 : i32
        %dma_start3A_1066 = tpu.memref_slice %arg2[%select_n3A_1046, %multiple_of3A_1065] : memref<50x16384xi32, #tpu.memory_space<hbm>> -> memref<1x256xi32, #tpu.memory_space<hbm>>
        %dma_start3A_1067 = tpu.memref_squeeze %dma_start3A_1066 : memref<1x256xi32, #tpu.memory_space<hbm>> -> memref<256xi32, #tpu.memory_space<hbm>>
        %dma_start3A_1068 = tpu.memref_slice %arg2[%select_n3A_1046, %multiple_of3A_1065] : memref<50x16384xi32, #tpu.memory_space<hbm>> -> memref<1x256xi32, #tpu.memory_space<hbm>>
        %dma_start3A_1069 = tpu.memref_squeeze %dma_start3A_1068 : memref<1x256xi32, #tpu.memory_space<hbm>> -> memref<256xi32, #tpu.memory_space<hbm>>
        tpu.enqueue_dma source(%dma_start3A_1069 : memref<256xi32, #tpu.memory_space<hbm>>) target(%arg15 : memref<256xi32, #tpu.memory_space<vmem>>) target_semaphore(%arg30 : memref<!tpu.dma_semaphore, #tpu.memory_space<semaphore_mem>>)
      } else {
      }
      %scan3A_624 = arith.constant 0 : i32
      %scan3A_625 = arith.constant 256 : i32
      %scan3A_626 = arith.addi %scan3A_624, %scan3A_625 : i32
      %scan3A_627 = arith.constant 4 : i32
      scf.for %scan3A_1021 = %scan3A_624 to %scan3A_626 step %scan3A_627  : i32 {
        %mul3A_1022 = arith.constant 1 : i32
        %mul3A_1023 = arith.muli %scan3A_1021, %mul3A_1022 : i32
        %add3A_1024 = arith.constant 0 : i32
        %add3A_1025 = arith.addi %add3A_1024, %mul3A_1023 : i32
        %broadcast_in_dim3A = arith.constant 0 : i32
        %broadcast_in_dim3A_1026 = vector.broadcast %broadcast_in_dim3A : i32 to vector<16xi32>
        %add3A_1027 = vector.broadcast %add3A_1025 : i32 to vector<16xi32>
        %add3A_1028 = arith.addi %broadcast_in_dim3A_1026, %add3A_1027 : vector<16xi32>
        %iota3A = tpu.iota {dimensions = array<i32: 0>} : vector<16xi32>
        %add3A_1029 = arith.constant 0 : i32
        %add3A_1030 = vector.broadcast %add3A_1029 : i32 to vector<16xi32>
        %add3A_1031 = arith.addi %iota3A, %add3A_1030 : vector<16xi32>
        %get3A = arith.index_cast %add3A_1025 : i32 to index
        %get3A_1032 = arith.constant 0 : index
        %get3A_1033 = tpu.vector_load %arg5[%get3A, %get3A_1032] {strides = array<i32>} : memref<256x32xf32, #tpu.memory_space<vmem>>, vector<16xf32>,
        %mul3A_1034 = arith.constant 5.65685415 : f32
        %mul3A_1035 = vector.broadcast %mul3A_1034 : f32 to vector<16xf32>
        %mul3A_1036 = arith.mulf %get3A_1033, %mul3A_1035 : vector<16xf32>
        tpu.vector_store_idx %arg10[%add3A_1031, %add3A_1028], %mul3A_1036 : memref<32x257xf32, #tpu.memory_space<vmem>>[vector<16xi32>, vector<16xi32>], vector<16xf32>,
        %iota3A_1037 = tpu.iota {dimensions = array<i32: 0>} : vector<16xi32>
        %add3A_1038 = arith.constant 16 : i32
        %add3A_1039 = vector.broadcast %add3A_1038 : i32 to vector<16xi32>
        %add3A_1040 = arith.addi %iota3A_1037, %add3A_1039 : vector<16xi32>
        %get3A_1041 = arith.index_cast %add3A_1025 : i32 to index
        %get3A_1042 = arith.constant 16 : index
        %get3A_1043 = tpu.vector_load %arg5[%get3A_1041, %get3A_1042] {strides = array<i32>} : memref<256x32xf32, #tpu.memory_space<vmem>>, vector<16xf32>,
        %mul3A_1044 = arith.constant 5.65685415 : f32
        %mul3A_1045 = vector.broadcast %mul3A_1044 : f32 to vector<16xf32>
        %mul3A_1046 = arith.mulf %get3A_1043, %mul3A_1045 : vector<16xf32>
        tpu.vector_store_idx %arg10[%add3A_1040, %add3A_1028], %mul3A_1046 : memref<32x257xf32, #tpu.memory_space<vmem>>[vector<16xi32>, vector<16xi32>], vector<16xf32>,
        %scan3A_1047 = arith.constant 1 : i32
        %scan3A_1048 = arith.addi %scan3A_1021, %scan3A_1047 : i32
        %mul3A_1049 = arith.constant 1 : i32
        %mul3A_1050 = arith.muli %scan3A_1048, %mul3A_1049 : i32
        %add3A_1051 = arith.constant 0 : i32
        %add3A_1052 = arith.addi %add3A_1051, %mul3A_1050 : i32
        %broadcast_in_dim3A_1053 = arith.constant 0 : i32
        %broadcast_in_dim3A_1054 = vector.broadcast %broadcast_in_dim3A_1053 : i32 to vector<16xi32>
        %add3A_1055 = vector.broadcast %add3A_1052 : i32 to vector<16xi32>
        %add3A_1056 = arith.addi %broadcast_in_dim3A_1054, %add3A_1055 : vector<16xi32>
        %iota3A_1057 = tpu.iota {dimensions = array<i32: 0>} : vector<16xi32>
        %add3A_1058 = arith.constant 0 : i32
        %add3A_1059 = vector.broadcast %add3A_1058 : i32 to vector<16xi32>
        %add3A_1060 = arith.addi %iota3A_1057, %add3A_1059 : vector<16xi32>
        %get3A_1061 = arith.index_cast %add3A_1052 : i32 to index
        %get3A_1062 = arith.constant 0 : index
        %get3A_1063 = tpu.vector_load %arg5[%get3A_1061, %get3A_1062] {strides = array<i32>} : memref<256x32xf32, #tpu.memory_space<vmem>>, vector<16xf32>,
        %mul3A_1064 = arith.constant 5.65685415 : f32
        %mul3A_1065 = vector.broadcast %mul3A_1064 : f32 to vector<16xf32>
        %mul3A_1066 = arith.mulf %get3A_1063, %mul3A_1065 : vector<16xf32>
        tpu.vector_store_idx %arg10[%add3A_1060, %add3A_1056], %mul3A_1066 : memref<32x257xf32, #tpu.memory_space<vmem>>[vector<16xi32>, vector<16xi32>], vector<16xf32>,
        %iota3A_1067 = tpu.iota {dimensions = array<i32: 0>} : vector<16xi32>
        %add3A_1068 = arith.constant 16 : i32
        %add3A_1069 = vector.broadcast %add3A_1068 : i32 to vector<16xi32>
        %add3A_1070 = arith.addi %iota3A_1067, %add3A_1069 : vector<16xi32>
        %get3A_1071 = arith.index_cast %add3A_1052 : i32 to index
        %get3A_1072 = arith.constant 16 : index
        %get3A_1073 = tpu.vector_load %arg5[%get3A_1071, %get3A_1072] {strides = array<i32>} : memref<256x32xf32, #tpu.memory_space<vmem>>, vector<16xf32>,
        %mul3A_1074 = arith.constant 5.65685415 : f32
        %mul3A_1075 = vector.broadcast %mul3A_1074 : f32 to vector<16xf32>
        %mul3A_1076 = arith.mulf %get3A_1073, %mul3A_1075 : vector<16xf32>
        tpu.vector_store_idx %arg10[%add3A_1070, %add3A_1056], %mul3A_1076 : memref<32x257xf32, #tpu.memory_space<vmem>>[vector<16xi32>, vector<16xi32>], vector<16xf32>,
        %scan3A_1077 = arith.constant 2 : i32
        %scan3A_1078 = arith.addi %scan3A_1021, %scan3A_1077 : i32
        %mul3A_1079 = arith.constant 1 : i32
        %mul3A_1080 = arith.muli %scan3A_1078, %mul3A_1079 : i32
        %add3A_1081 = arith.constant 0 : i32
        %add3A_1082 = arith.addi %add3A_1081, %mul3A_1080 : i32
        %broadcast_in_dim3A_1083 = arith.constant 0 : i32
        %broadcast_in_dim3A_1084 = vector.broadcast %broadcast_in_dim3A_1083 : i32 to vector<16xi32>
        %add3A_1085 = vector.broadcast %add3A_1082 : i32 to vector<16xi32>
        %add3A_1086 = arith.addi %broadcast_in_dim3A_1084, %add3A_1085 : vector<16xi32>
        %iota3A_1087 = tpu.iota {dimensions = array<i32: 0>} : vector<16xi32>
        %add3A_1088 = arith.constant 0 : i32
        %add3A_1089 = vector.broadcast %add3A_1088 : i32 to vector<16xi32>
        %add3A_1090 = arith.addi %iota3A_1087, %add3A_1089 : vector<16xi32>
        %get3A_1091 = arith.index_cast %add3A_1082 : i32 to index
        %get3A_1092 = arith.constant 0 : index
        %get3A_1093 = tpu.vector_load %arg5[%get3A_1091, %get3A_1092] {strides = array<i32>} : memref<256x32xf32, #tpu.memory_space<vmem>>, vector<16xf32>,
        %mul3A_1094 = arith.constant 5.65685415 : f32
        %mul3A_1095 = vector.broadcast %mul3A_1094 : f32 to vector<16xf32>
        %mul3A_1096 = arith.mulf %get3A_1093, %mul3A_1095 : vector<16xf32>
        tpu.vector_store_idx %arg10[%add3A_1090, %add3A_1086], %mul3A_1096 : memref<32x257xf32, #tpu.memory_space<vmem>>[vector<16xi32>, vector<16xi32>], vector<16xf32>,
        %iota3A_1097 = tpu.iota {dimensions = array<i32: 0>} : vector<16xi32>
        %add3A_1098 = arith.constant 16 : i32
        %add3A_1099 = vector.broadcast %add3A_1098 : i32 to vector<16xi32>
        %add3A_1100 = arith.addi %iota3A_1097, %add3A_1099 : vector<16xi32>
        %get3A_1101 = arith.index_cast %add3A_1082 : i32 to index
        %get3A_1102 = arith.constant 16 : index
        %get3A_1103 = tpu.vector_load %arg5[%get3A_1101, %get3A_1102] {strides = array<i32>} : memref<256x32xf32, #tpu.memory_space<vmem>>, vector<16xf32>,
        %mul3A_1104 = arith.constant 5.65685415 : f32
        %mul3A_1105 = vector.broadcast %mul3A_1104 : f32 to vector<16xf32>
        %mul3A_1106 = arith.mulf %get3A_1103, %mul3A_1105 : vector<16xf32>
        tpu.vector_store_idx %arg10[%add3A_1100, %add3A_1086], %mul3A_1106 : memref<32x257xf32, #tpu.memory_space<vmem>>[vector<16xi32>, vector<16xi32>], vector<16xf32>,
        %scan3A_1107 = arith.constant 3 : i32
        %scan3A_1108 = arith.addi %scan3A_1021, %scan3A_1107 : i32
        %mul3A_1109 = arith.constant 1 : i32
        %mul3A_1110 = arith.muli %scan3A_1108, %mul3A_1109 : i32
        %add3A_1111 = arith.constant 0 : i32
        %add3A_1112 = arith.addi %add3A_1111, %mul3A_1110 : i32
        %broadcast_in_dim3A_1113 = arith.constant 0 : i32
        %broadcast_in_dim3A_1114 = vector.broadcast %broadcast_in_dim3A_1113 : i32 to vector<16xi32>
        %add3A_1115 = vector.broadcast %add3A_1112 : i32 to vector<16xi32>
        %add3A_1116 = arith.addi %broadcast_in_dim3A_1114, %add3A_1115 : vector<16xi32>
        %iota3A_1117 = tpu.iota {dimensions = array<i32: 0>} : vector<16xi32>
        %add3A_1118 = arith.constant 0 : i32
        %add3A_1119 = vector.broadcast %add3A_1118 : i32 to vector<16xi32>
        %add3A_1120 = arith.addi %iota3A_1117, %add3A_1119 : vector<16xi32>
        %get3A_1121 = arith.index_cast %add3A_1112 : i32 to index
        %get3A_1122 = arith.constant 0 : index
        %get3A_1123 = tpu.vector_load %arg5[%get3A_1121, %get3A_1122] {strides = array<i32>} : memref<256x32xf32, #tpu.memory_space<vmem>>, vector<16xf32>,
        %mul3A_1124 = arith.constant 5.65685415 : f32
        %mul3A_1125 = vector.broadcast %mul3A_1124 : f32 to vector<16xf32>
        %mul3A_1126 = arith.mulf %get3A_1123, %mul3A_1125 : vector<16xf32>
        tpu.vector_store_idx %arg10[%add3A_1120, %add3A_1116], %mul3A_1126 : memref<32x257xf32, #tpu.memory_space<vmem>>[vector<16xi32>, vector<16xi32>], vector<16xf32>,
        %iota3A_1127 = tpu.iota {dimensions = array<i32: 0>} : vector<16xi32>
        %add3A_1128 = arith.constant 16 : i32
        %add3A_1129 = vector.broadcast %add3A_1128 : i32 to vector<16xi32>
        %add3A_1130 = arith.addi %iota3A_1127, %add3A_1129 : vector<16xi32>
        %get3A_1131 = arith.index_cast %add3A_1112 : i32 to index
        %get3A_1132 = arith.constant 16 : index
        %get3A_1133 = tpu.vector_load %arg5[%get3A_1131, %get3A_1132] {strides = array<i32>} : memref<256x32xf32, #tpu.memory_space<vmem>>, vector<16xf32>,
        %mul3A_1134 = arith.constant 5.65685415 : f32
        %mul3A_1135 = vector.broadcast %mul3A_1134 : f32 to vector<16xf32>
        %mul3A_1136 = arith.mulf %get3A_1133, %mul3A_1135 : vector<16xf32>
        tpu.vector_store_idx %arg10[%add3A_1130, %add3A_1116], %mul3A_1136 : memref<32x257xf32, #tpu.memory_space<vmem>>[vector<16xi32>, vector<16xi32>], vector<16xf32>,
      }
      %scan3A_628 = arith.constant 256 : i32
      %lt3A_629 = arith.constant 19 : i32
      %lt3A_630 = arith.cmpi slt, %add3A_608, %lt3A_629 : i32
      %convert_element_type3A_631 = arith.extui %lt3A_630 : i1 to i32
      %cond3A_632 = arith.constant 0 : i32
      %cond3A_633 = arith.cmpi ne, %convert_element_type3A_631, %cond3A_632 : i32
      scf.if %cond3A_633 {
        %add3A_1021 = arith.constant 5 : i32
        %add3A_1022 = arith.addi %add3A_613, %add3A_1021 : i32
        %jit3A_1023 = arith.constant 64 : i32
        %div3A_1024 = arith.divsi %add3A_1022, %jit3A_1023 : i32
        %sign3A_1025 = arith.constant 0 : i32
        %sign3A_1026 = arith.cmpi sgt, %add3A_1022, %sign3A_1025 : i32
        %sign3A_1027 = arith.extui %sign3A_1026 : i1 to i32
        %sign3A_1028 = arith.constant 0 : i32
        %sign3A_1029 = arith.cmpi slt, %add3A_1022, %sign3A_1028 : i32
        %sign3A_1030 = arith.extui %sign3A_1029 : i1 to i32
        %sign3A_1031 = arith.subi %sign3A_1027, %sign3A_1030 : i32
        %sign3A_1032 = arith.constant 0 : i32
        %sign3A_1033 = arith.cmpi sgt, %jit3A_1023, %sign3A_1032 : i32
        %sign3A_1034 = arith.extui %sign3A_1033 : i1 to i32
        %sign3A_1035 = arith.constant 0 : i32
        %sign3A_1036 = arith.cmpi slt, %jit3A_1023, %sign3A_1035 : i32
        %sign3A_1037 = arith.extui %sign3A_1036 : i1 to i32
        %sign3A_1038 = arith.subi %sign3A_1034, %sign3A_1037 : i32
        %ne3A_1039 = arith.cmpi ne, %sign3A_1031, %sign3A_1038 : i32
        %rem3A_1040 = arith.remsi %add3A_1022, %jit3A_1023 : i32
        %ne3A_1041 = arith.constant 0 : i32
        %ne3A_1042 = arith.cmpi ne, %rem3A_1040, %ne3A_1041 : i32
        %and3A_1043 = arith.andi %ne3A_1039, %ne3A_1042 : i1
        %sub3A_1044 = arith.constant 1 : i32
        %sub3A_1045 = arith.subi %div3A_1024, %sub3A_1044 : i32
        %select_n3A_1046 = arith.select %and3A_1043, %sub3A_1045, %div3A_1024 : i32
        %jit3A_1047 = arith.constant 64 : i32
        %eq3A_1048 = arith.constant 0 : i32
        %eq3A_1049 = arith.cmpi eq, %jit3A_1047, %eq3A_1048 : i32
        %jit3A_1050 = arith.constant 1 : i32
        %select_n3A_1051 = arith.select %eq3A_1049, %jit3A_1050, %jit3A_1047 : i32
        %rem3A_1052 = arith.remsi %add3A_1022, %select_n3A_1051 : i32
        %ne3A_1053 = arith.constant 0 : i32
        %ne3A_1054 = arith.cmpi ne, %rem3A_1052, %ne3A_1053 : i32
        %lt3A_1055 = arith.constant 0 : i32
        %lt3A_1056 = arith.cmpi slt, %rem3A_1052, %lt3A_1055 : i32
        %lt3A_1057 = arith.constant 0 : i32
        %lt3A_1058 = arith.cmpi slt, %select_n3A_1051, %lt3A_1057 : i32
        %ne3A_1059 = arith.xori %lt3A_1056, %lt3A_1058 : i1
        %and3A_1060 = arith.andi %ne3A_1059, %ne3A_1054 : i1
        %add3A_1061 = arith.addi %rem3A_1052, %select_n3A_1051 : i32
        %select_n3A_1062 = arith.select %and3A_1060, %add3A_1061, %rem3A_1052 : i32
        %mul3A_1063 = arith.constant 256 : i32
        %mul3A_1064 = arith.muli %select_n3A_1062, %mul3A_1063 : i32
        %multiple_of3A_1065 = tpu.assume_multiple %mul3A_1064, 8 : i32
        %dma_wait3A_1066 = tpu.memref_slice %arg2[%select_n3A_1046, %multiple_of3A_1065] : memref<50x16384xi32, #tpu.memory_space<hbm>> -> memref<1x256xi32, #tpu.memory_space<hbm>>
        %dma_wait3A_1067 = tpu.memref_squeeze %dma_wait3A_1066 : memref<1x256xi32, #tpu.memory_space<hbm>> -> memref<256xi32, #tpu.memory_space<hbm>>
        %dma_wait3A_1068 = tpu.memref_slice %arg2[%select_n3A_1046, %multiple_of3A_1065] : memref<50x16384xi32, #tpu.memory_space<hbm>> -> memref<1x256xi32, #tpu.memory_space<hbm>>
        %dma_wait3A_1069 = tpu.memref_squeeze %dma_wait3A_1068 : memref<1x256xi32, #tpu.memory_space<hbm>> -> memref<256xi32, #tpu.memory_space<hbm>>
        tpu.wait_dma2 semaphore(%arg30 : memref<!tpu.dma_semaphore, #tpu.memory_space<semaphore_mem>>) src(%dma_wait3A_1069 : memref<256xi32, #tpu.memory_space<hbm>>) dst(%arg15 : memref<256xi32, #tpu.memory_space<vmem>>)
        %scan3A_1070 = arith.constant 0 : i32
        %scan3A_1071 = arith.constant 16 : i32
        %scan3A_1072 = arith.addi %scan3A_1070, %scan3A_1071 : i32
        %scan3A_1073 = arith.constant 1 : i32
        scf.for %scan3A_1078 = %scan3A_1070 to %scan3A_1072 step %scan3A_1073  : i32 {
          %mul3A_1079 = arith.constant 1 : i32
          %mul3A_1080 = arith.muli %scan3A_1078, %mul3A_1079 : i32
          %add3A_1081 = arith.constant 0 : i32
          %add3A_1082 = arith.addi %add3A_1081, %mul3A_1080 : i32
          %mul3A_1083 = arith.constant 16 : i32
          %mul3A_1084 = arith.muli %add3A_1082, %mul3A_1083 : i32
          %multiple_of3A_1085 = tpu.assume_multiple %mul3A_1084, 8 : i32
          %get3A = arith.index_cast %multiple_of3A_1085 : i32 to index
          %get3A_1086 = tpu.vector_load %arg15[%get3A] {strides = array<i32>} : memref<256xi32, #tpu.memory_space<vmem>>, vector<16xi32>,
          %mul3A_1087 = arith.constant 4 : i32
          %mul3A_1088 = vector.broadcast %mul3A_1087 : i32 to vector<16xi32>
          %mul3A_1089 = arith.muli %get3A_1086, %mul3A_1088 : vector<16xi32>
          %swap3A = arith.index_cast %multiple_of3A_1085 : i32 to index
          %swap3A_1090 = tpu.vector_load %arg15[%swap3A] {strides = array<i32>} : memref<256xi32, #tpu.memory_space<vmem>>, vector<16xi32>,
          tpu.vector_store %arg15[%swap3A], %mul3A_1089 {strides = array<i32>} : memref<256xi32, #tpu.memory_space<vmem>>, vector<16xi32>,
        }
        %scan3A_1074 = arith.constant 16 : i32
        %dma_start3A_1075 = arith.constant 0 : i32
        %dma_start3A_1076 = arith.constant 0 : i32
        %dma_start3A_1077 = tpu.memref_slice %arg3[%dma_start3A_1075, %dma_start3A_1076] : memref<4000000x32xf32, #tpu.memory_space<hbm>> -> memref<4000000x32xf32, #tpu.memory_space<hbm>>
        tpu.enqueue_indirect_dma source(%dma_start3A_1077 : memref<4000000x32xf32, #tpu.memory_space<hbm>>) target(%arg5 : memref<256x32xf32, #tpu.memory_space<vmem>>) offsets(%arg15 : memref<256xi32, #tpu.memory_space<vmem>>) semaphore(%arg20 : memref<!tpu.dma_semaphore, #tpu.memory_space<semaphore_mem>>)
      } else {
      }
      %jit3A_634 = arith.constant 64 : i32
      %div3A_635 = arith.divsi %add3A_613, %jit3A_634 : i32
      %sign3A_636 = arith.constant 0 : i32
      %sign3A_637 = arith.cmpi sgt, %add3A_613, %sign3A_636 : i32
      %sign3A_638 = arith.extui %sign3A_637 : i1 to i32
      %sign3A_639 = arith.constant 0 : i32
      %sign3A_640 = arith.cmpi slt, %add3A_613, %sign3A_639 : i32
      %sign3A_641 = arith.extui %sign3A_640 : i1 to i32
      %sign3A_642 = arith.subi %sign3A_638, %sign3A_641 : i32
      %sign3A_643 = arith.constant 0 : i32
      %sign3A_644 = arith.cmpi sgt, %jit3A_634, %sign3A_643 : i32
      %sign3A_645 = arith.extui %sign3A_644 : i1 to i32
      %sign3A_646 = arith.constant 0 : i32
      %sign3A_647 = arith.cmpi slt, %jit3A_634, %sign3A_646 : i32
      %sign3A_648 = arith.extui %sign3A_647 : i1 to i32
      %sign3A_649 = arith.subi %sign3A_645, %sign3A_648 : i32
      %ne3A_650 = arith.cmpi ne, %sign3A_642, %sign3A_649 : i32
      %rem3A_651 = arith.remsi %add3A_613, %jit3A_634 : i32
      %ne3A_652 = arith.constant 0 : i32
      %ne3A_653 = arith.cmpi ne, %rem3A_651, %ne3A_652 : i32
      %and3A_654 = arith.andi %ne3A_650, %ne3A_653 : i1
      %sub3A_655 = arith.constant 1 : i32
      %sub3A_656 = arith.subi %div3A_635, %sub3A_655 : i32
      %select_n3A_657 = arith.select %and3A_654, %sub3A_656, %div3A_635 : i32
      %jit3A_658 = arith.constant 64 : i32
      %eq3A_659 = arith.constant 0 : i32
      %eq3A_660 = arith.cmpi eq, %jit3A_658, %eq3A_659 : i32
      %jit3A_661 = arith.constant 1 : i32
      %select_n3A_662 = arith.select %eq3A_660, %jit3A_661, %jit3A_658 : i32
      %rem3A_663 = arith.remsi %add3A_613, %select_n3A_662 : i32
      %ne3A_664 = arith.constant 0 : i32
      %ne3A_665 = arith.cmpi ne, %rem3A_663, %ne3A_664 : i32
      %lt3A_666 = arith.constant 0 : i32
      %lt3A_667 = arith.cmpi slt, %rem3A_663, %lt3A_666 : i32
      %lt3A_668 = arith.constant 0 : i32
      %lt3A_669 = arith.cmpi slt, %select_n3A_662, %lt3A_668 : i32
      %ne3A_670 = arith.xori %lt3A_667, %lt3A_669 : i1
      %and3A_671 = arith.andi %ne3A_670, %ne3A_665 : i1
      %add3A_672 = arith.addi %rem3A_663, %select_n3A_662 : i32
      %select_n3A_673 = arith.select %and3A_671, %add3A_672, %rem3A_663 : i32
      %mul3A_674 = arith.constant 256 : i32
      %mul3A_675 = arith.muli %select_n3A_673, %mul3A_674 : i32
      %multiple_of3A_676 = tpu.assume_multiple %mul3A_675, 8 : i32
      %dma_start3A_677 = arith.constant 0 : i32
      %dma_start3A_678 = arith.constant 0 : i32
      %dma_start3A_679 = tpu.memref_slice %arg10[%dma_start3A_677, %dma_start3A_678] : memref<32x257xf32, #tpu.memory_space<vmem>> -> memref<32x256xf32, #tpu.memory_space<vmem>>
      %dma_start3A_680 = arith.constant 0 : i32
      %dma_start3A_681 = tpu.memref_slice %arg4[%select_n3A_657, %dma_start3A_680, %multiple_of3A_676] : memref<50x32x16384xf32, #tpu.memory_space<hbm>> -> memref<1x32x256xf32, #tpu.memory_space<hbm>>
      %dma_start3A_682 = tpu.memref_squeeze %dma_start3A_681 : memref<1x32x256xf32, #tpu.memory_space<hbm>> -> memref<32x256xf32, #tpu.memory_space<hbm>>
      %dma_start3A_683 = arith.constant 0 : i32
      %dma_start3A_684 = tpu.memref_slice %arg4[%select_n3A_657, %dma_start3A_683, %multiple_of3A_676] : memref<50x32x16384xf32, #tpu.memory_space<hbm>> -> memref<1x32x256xf32, #tpu.memory_space<hbm>>
      %dma_start3A_685 = tpu.memref_squeeze %dma_start3A_684 : memref<1x32x256xf32, #tpu.memory_space<hbm>> -> memref<32x256xf32, #tpu.memory_space<hbm>>
      %dma_start3A_686 = arith.constant 0 : i32
      %dma_start3A_687 = arith.constant 0 : i32
      %dma_start3A_688 = tpu.memref_slice %arg10[%dma_start3A_686, %dma_start3A_687] : memref<32x257xf32, #tpu.memory_space<vmem>> -> memref<32x256xf32, #tpu.memory_space<vmem>>
      tpu.enqueue_dma source(%dma_start3A_688 : memref<32x256xf32, #tpu.memory_space<vmem>>) target(%dma_start3A_685 : memref<32x256xf32, #tpu.memory_space<hbm>>) target_semaphore(%arg25 : memref<!tpu.dma_semaphore, #tpu.memory_space<semaphore_mem>>)
      %mul3A_689 = arith.constant 5 : i32
      %mul3A_690 = arith.muli %add3A_608, %mul3A_689 : i32
      %add3A_691 = arith.addi %mul3A_2, %mul3A_690 : i32
      %add3A_692 = arith.constant 1 : i32
      %add3A_693 = arith.addi %add3A_691, %add3A_692 : i32
      %dma_wait3A_694 = arith.constant 0 : i32
      %dma_wait3A_695 = arith.constant 0 : i32
      %dma_wait3A_696 = tpu.memref_slice %arg3[%dma_wait3A_694, %dma_wait3A_695] : memref<4000000x32xf32, #tpu.memory_space<hbm>> -> memref<4000000x32xf32, #tpu.memory_space<hbm>>
      tpu.wait_indirect_dma semaphore(%arg21 : memref<!tpu.dma_semaphore, #tpu.memory_space<semaphore_mem>>) src(%dma_wait3A_696 : memref<4000000x32xf32, #tpu.memory_space<hbm>>) dst(%arg6 : memref<256x32xf32, #tpu.memory_space<vmem>>)
      %gt3A_697 = arith.constant 0 : i32
      %gt3A_698 = arith.cmpi sgt, %add3A_608, %gt3A_697 : i32
      %convert_element_type3A_699 = arith.extui %gt3A_698 : i1 to i32
      %cond3A_700 = arith.constant 0 : i32
      %cond3A_701 = arith.cmpi ne, %convert_element_type3A_699, %cond3A_700 : i32
      scf.if %cond3A_701 {
        %sub3A_1021 = arith.constant 5 : i32
        %sub3A_1022 = arith.subi %add3A_693, %sub3A_1021 : i32
        %jit3A_1023 = arith.constant 64 : i32
        %div3A_1024 = arith.divsi %sub3A_1022, %jit3A_1023 : i32
        %sign3A_1025 = arith.constant 0 : i32
        %sign3A_1026 = arith.cmpi sgt, %sub3A_1022, %sign3A_1025 : i32
        %sign3A_1027 = arith.extui %sign3A_1026 : i1 to i32
        %sign3A_1028 = arith.constant 0 : i32
        %sign3A_1029 = arith.cmpi slt, %sub3A_1022, %sign3A_1028 : i32
        %sign3A_1030 = arith.extui %sign3A_1029 : i1 to i32
        %sign3A_1031 = arith.subi %sign3A_1027, %sign3A_1030 : i32
        %sign3A_1032 = arith.constant 0 : i32
        %sign3A_1033 = arith.cmpi sgt, %jit3A_1023, %sign3A_1032 : i32
        %sign3A_1034 = arith.extui %sign3A_1033 : i1 to i32
        %sign3A_1035 = arith.constant 0 : i32
        %sign3A_1036 = arith.cmpi slt, %jit3A_1023, %sign3A_1035 : i32
        %sign3A_1037 = arith.extui %sign3A_1036 : i1 to i32
        %sign3A_1038 = arith.subi %sign3A_1034, %sign3A_1037 : i32
        %ne3A_1039 = arith.cmpi ne, %sign3A_1031, %sign3A_1038 : i32
        %rem3A_1040 = arith.remsi %sub3A_1022, %jit3A_1023 : i32
        %ne3A_1041 = arith.constant 0 : i32
        %ne3A_1042 = arith.cmpi ne, %rem3A_1040, %ne3A_1041 : i32
        %and3A_1043 = arith.andi %ne3A_1039, %ne3A_1042 : i1
        %sub3A_1044 = arith.constant 1 : i32
        %sub3A_1045 = arith.subi %div3A_1024, %sub3A_1044 : i32
        %select_n3A_1046 = arith.select %and3A_1043, %sub3A_1045, %div3A_1024 : i32
        %jit3A_1047 = arith.constant 64 : i32
        %eq3A_1048 = arith.constant 0 : i32
        %eq3A_1049 = arith.cmpi eq, %jit3A_1047, %eq3A_1048 : i32
        %jit3A_1050 = arith.constant 1 : i32
        %select_n3A_1051 = arith.select %eq3A_1049, %jit3A_1050, %jit3A_1047 : i32
        %rem3A_1052 = arith.remsi %sub3A_1022, %select_n3A_1051 : i32
        %ne3A_1053 = arith.constant 0 : i32
        %ne3A_1054 = arith.cmpi ne, %rem3A_1052, %ne3A_1053 : i32
        %lt3A_1055 = arith.constant 0 : i32
        %lt3A_1056 = arith.cmpi slt, %rem3A_1052, %lt3A_1055 : i32
        %lt3A_1057 = arith.constant 0 : i32
        %lt3A_1058 = arith.cmpi slt, %select_n3A_1051, %lt3A_1057 : i32
        %ne3A_1059 = arith.xori %lt3A_1056, %lt3A_1058 : i1
        %and3A_1060 = arith.andi %ne3A_1059, %ne3A_1054 : i1
        %add3A_1061 = arith.addi %rem3A_1052, %select_n3A_1051 : i32
        %select_n3A_1062 = arith.select %and3A_1060, %add3A_1061, %rem3A_1052 : i32
        %mul3A_1063 = arith.constant 256 : i32
        %mul3A_1064 = arith.muli %select_n3A_1062, %mul3A_1063 : i32
        %multiple_of3A_1065 = tpu.assume_multiple %mul3A_1064, 8 : i32
        %dma_wait3A_1066 = arith.constant 0 : i32
        %dma_wait3A_1067 = arith.constant 0 : i32
        %dma_wait3A_1068 = tpu.memref_slice %arg11[%dma_wait3A_1066, %dma_wait3A_1067] : memref<32x257xf32, #tpu.memory_space<vmem>> -> memref<32x256xf32, #tpu.memory_space<vmem>>
        %dma_wait3A_1069 = arith.constant 0 : i32
        %dma_wait3A_1070 = tpu.memref_slice %arg4[%select_n3A_1046, %dma_wait3A_1069, %multiple_of3A_1065] : memref<50x32x16384xf32, #tpu.memory_space<hbm>> -> memref<1x32x256xf32, #tpu.memory_space<hbm>>
        %dma_wait3A_1071 = tpu.memref_squeeze %dma_wait3A_1070 : memref<1x32x256xf32, #tpu.memory_space<hbm>> -> memref<32x256xf32, #tpu.memory_space<hbm>>
        %dma_wait3A_1072 = arith.constant 0 : i32
        %dma_wait3A_1073 = tpu.memref_slice %arg4[%select_n3A_1046, %dma_wait3A_1072, %multiple_of3A_1065] : memref<50x32x16384xf32, #tpu.memory_space<hbm>> -> memref<1x32x256xf32, #tpu.memory_space<hbm>>
        %dma_wait3A_1074 = tpu.memref_squeeze %dma_wait3A_1073 : memref<1x32x256xf32, #tpu.memory_space<hbm>> -> memref<32x256xf32, #tpu.memory_space<hbm>>
        %dma_wait3A_1075 = arith.constant 0 : i32
        %dma_wait3A_1076 = arith.constant 0 : i32
        %dma_wait3A_1077 = tpu.memref_slice %arg11[%dma_wait3A_1075, %dma_wait3A_1076] : memref<32x257xf32, #tpu.memory_space<vmem>> -> memref<32x256xf32, #tpu.memory_space<vmem>>
        tpu.wait_dma2 semaphore(%arg26 : memref<!tpu.dma_semaphore, #tpu.memory_space<semaphore_mem>>) src(%dma_wait3A_1077 : memref<32x256xf32, #tpu.memory_space<vmem>>) dst(%dma_wait3A_1074 : memref<32x256xf32, #tpu.memory_space<hbm>>)
      } else {
      }
      %lt3A_702 = arith.constant 19 : i32
      %lt3A_703 = arith.cmpi slt, %add3A_608, %lt3A_702 : i32
      %convert_element_type3A_704 = arith.extui %lt3A_703 : i1 to i32
      %cond3A_705 = arith.constant 0 : i32
      %cond3A_706 = arith.cmpi ne, %convert_element_type3A_704, %cond3A_705 : i32
      scf.if %cond3A_706 {
        %add3A_1021 = arith.constant 5 : i32
        %add3A_1022 = arith.addi %add3A_693, %add3A_1021 : i32
        %jit3A_1023 = arith.constant 64 : i32
        %div3A_1024 = arith.divsi %add3A_1022, %jit3A_1023 : i32
        %sign3A_1025 = arith.constant 0 : i32
        %sign3A_1026 = arith.cmpi sgt, %add3A_1022, %sign3A_1025 : i32
        %sign3A_1027 = arith.extui %sign3A_1026 : i1 to i32
        %sign3A_1028 = arith.constant 0 : i32
        %sign3A_1029 = arith.cmpi slt, %add3A_1022, %sign3A_1028 : i32
        %sign3A_1030 = arith.extui %sign3A_1029 : i1 to i32
        %sign3A_1031 = arith.subi %sign3A_1027, %sign3A_1030 : i32
        %sign3A_1032 = arith.constant 0 : i32
        %sign3A_1033 = arith.cmpi sgt, %jit3A_1023, %sign3A_1032 : i32
        %sign3A_1034 = arith.extui %sign3A_1033 : i1 to i32
        %sign3A_1035 = arith.constant 0 : i32
        %sign3A_1036 = arith.cmpi slt, %jit3A_1023, %sign3A_1035 : i32
        %sign3A_1037 = arith.extui %sign3A_1036 : i1 to i32
        %sign3A_1038 = arith.subi %sign3A_1034, %sign3A_1037 : i32
        %ne3A_1039 = arith.cmpi ne, %sign3A_1031, %sign3A_1038 : i32
        %rem3A_1040 = arith.remsi %add3A_1022, %jit3A_1023 : i32
        %ne3A_1041 = arith.constant 0 : i32
        %ne3A_1042 = arith.cmpi ne, %rem3A_1040, %ne3A_1041 : i32
        %and3A_1043 = arith.andi %ne3A_1039, %ne3A_1042 : i1
        %sub3A_1044 = arith.constant 1 : i32
        %sub3A_1045 = arith.subi %div3A_1024, %sub3A_1044 : i32
        %select_n3A_1046 = arith.select %and3A_1043, %sub3A_1045, %div3A_1024 : i32
        %jit3A_1047 = arith.constant 64 : i32
        %eq3A_1048 = arith.constant 0 : i32
        %eq3A_1049 = arith.cmpi eq, %jit3A_1047, %eq3A_1048 : i32
        %jit3A_1050 = arith.constant 1 : i32
        %select_n3A_1051 = arith.select %eq3A_1049, %jit3A_1050, %jit3A_1047 : i32
        %rem3A_1052 = arith.remsi %add3A_1022, %select_n3A_1051 : i32
        %ne3A_1053 = arith.constant 0 : i32
        %ne3A_1054 = arith.cmpi ne, %rem3A_1052, %ne3A_1053 : i32
        %lt3A_1055 = arith.constant 0 : i32
        %lt3A_1056 = arith.cmpi slt, %rem3A_1052, %lt3A_1055 : i32
        %lt3A_1057 = arith.constant 0 : i32
        %lt3A_1058 = arith.cmpi slt, %select_n3A_1051, %lt3A_1057 : i32
        %ne3A_1059 = arith.xori %lt3A_1056, %lt3A_1058 : i1
        %and3A_1060 = arith.andi %ne3A_1059, %ne3A_1054 : i1
        %add3A_1061 = arith.addi %rem3A_1052, %select_n3A_1051 : i32
        %select_n3A_1062 = arith.select %and3A_1060, %add3A_1061, %rem3A_1052 : i32
        %mul3A_1063 = arith.constant 256 : i32
        %mul3A_1064 = arith.muli %select_n3A_1062, %mul3A_1063 : i32
        %multiple_of3A_1065 = tpu.assume_multiple %mul3A_1064, 8 : i32
        %dma_start3A_1066 = tpu.memref_slice %arg2[%select_n3A_1046, %multiple_of3A_1065] : memref<50x16384xi32, #tpu.memory_space<hbm>> -> memref<1x256xi32, #tpu.memory_space<hbm>>
        %dma_start3A_1067 = tpu.memref_squeeze %dma_start3A_1066 : memref<1x256xi32, #tpu.memory_space<hbm>> -> memref<256xi32, #tpu.memory_space<hbm>>
        %dma_start3A_1068 = tpu.memref_slice %arg2[%select_n3A_1046, %multiple_of3A_1065] : memref<50x16384xi32, #tpu.memory_space<hbm>> -> memref<1x256xi32, #tpu.memory_space<hbm>>
        %dma_start3A_1069 = tpu.memref_squeeze %dma_start3A_1068 : memref<1x256xi32, #tpu.memory_space<hbm>> -> memref<256xi32, #tpu.memory_space<hbm>>
        tpu.enqueue_dma source(%dma_start3A_1069 : memref<256xi32, #tpu.memory_space<hbm>>) target(%arg16 : memref<256xi32, #tpu.memory_space<vmem>>) target_semaphore(%arg31 : memref<!tpu.dma_semaphore, #tpu.memory_space<semaphore_mem>>)
      } else {
      }
      %scan3A_707 = arith.constant 0 : i32
      %scan3A_708 = arith.constant 256 : i32
      %scan3A_709 = arith.addi %scan3A_707, %scan3A_708 : i32
      %scan3A_710 = arith.constant 4 : i32
      scf.for %scan3A_1021 = %scan3A_707 to %scan3A_709 step %scan3A_710  : i32 {
        %mul3A_1022 = arith.constant 1 : i32
        %mul3A_1023 = arith.muli %scan3A_1021, %mul3A_1022 : i32
        %add3A_1024 = arith.constant 0 : i32
        %add3A_1025 = arith.addi %add3A_1024, %mul3A_1023 : i32
        %broadcast_in_dim3A = arith.constant 0 : i32
        %broadcast_in_dim3A_1026 = vector.broadcast %broadcast_in_dim3A : i32 to vector<16xi32>
        %add3A_1027 = vector.broadcast %add3A_1025 : i32 to vector<16xi32>
        %add3A_1028 = arith.addi %broadcast_in_dim3A_1026, %add3A_1027 : vector<16xi32>
        %iota3A = tpu.iota {dimensions = array<i32: 0>} : vector<16xi32>
        %add3A_1029 = arith.constant 0 : i32
        %add3A_1030 = vector.broadcast %add3A_1029 : i32 to vector<16xi32>
        %add3A_1031 = arith.addi %iota3A, %add3A_1030 : vector<16xi32>
        %get3A = arith.index_cast %add3A_1025 : i32 to index
        %get3A_1032 = arith.constant 0 : index
        %get3A_1033 = tpu.vector_load %arg6[%get3A, %get3A_1032] {strides = array<i32>} : memref<256x32xf32, #tpu.memory_space<vmem>>, vector<16xf32>,
        %mul3A_1034 = arith.constant 5.65685415 : f32
        %mul3A_1035 = vector.broadcast %mul3A_1034 : f32 to vector<16xf32>
        %mul3A_1036 = arith.mulf %get3A_1033, %mul3A_1035 : vector<16xf32>
        tpu.vector_store_idx %arg11[%add3A_1031, %add3A_1028], %mul3A_1036 : memref<32x257xf32, #tpu.memory_space<vmem>>[vector<16xi32>, vector<16xi32>], vector<16xf32>,
        %iota3A_1037 = tpu.iota {dimensions = array<i32: 0>} : vector<16xi32>
        %add3A_1038 = arith.constant 16 : i32
        %add3A_1039 = vector.broadcast %add3A_1038 : i32 to vector<16xi32>
        %add3A_1040 = arith.addi %iota3A_1037, %add3A_1039 : vector<16xi32>
        %get3A_1041 = arith.index_cast %add3A_1025 : i32 to index
        %get3A_1042 = arith.constant 16 : index
        %get3A_1043 = tpu.vector_load %arg6[%get3A_1041, %get3A_1042] {strides = array<i32>} : memref<256x32xf32, #tpu.memory_space<vmem>>, vector<16xf32>,
        %mul3A_1044 = arith.constant 5.65685415 : f32
        %mul3A_1045 = vector.broadcast %mul3A_1044 : f32 to vector<16xf32>
        %mul3A_1046 = arith.mulf %get3A_1043, %mul3A_1045 : vector<16xf32>
        tpu.vector_store_idx %arg11[%add3A_1040, %add3A_1028], %mul3A_1046 : memref<32x257xf32, #tpu.memory_space<vmem>>[vector<16xi32>, vector<16xi32>], vector<16xf32>,
        %scan3A_1047 = arith.constant 1 : i32
        %scan3A_1048 = arith.addi %scan3A_1021, %scan3A_1047 : i32
        %mul3A_1049 = arith.constant 1 : i32
        %mul3A_1050 = arith.muli %scan3A_1048, %mul3A_1049 : i32
        %add3A_1051 = arith.constant 0 : i32
        %add3A_1052 = arith.addi %add3A_1051, %mul3A_1050 : i32
        %broadcast_in_dim3A_1053 = arith.constant 0 : i32
        %broadcast_in_dim3A_1054 = vector.broadcast %broadcast_in_dim3A_1053 : i32 to vector<16xi32>
        %add3A_1055 = vector.broadcast %add3A_1052 : i32 to vector<16xi32>
        %add3A_1056 = arith.addi %broadcast_in_dim3A_1054, %add3A_1055 : vector<16xi32>
        %iota3A_1057 = tpu.iota {dimensions = array<i32: 0>} : vector<16xi32>
        %add3A_1058 = arith.constant 0 : i32
        %add3A_1059 = vector.broadcast %add3A_1058 : i32 to vector<16xi32>
        %add3A_1060 = arith.addi %iota3A_1057, %add3A_1059 : vector<16xi32>
        %get3A_1061 = arith.index_cast %add3A_1052 : i32 to index
        %get3A_1062 = arith.constant 0 : index
        %get3A_1063 = tpu.vector_load %arg6[%get3A_1061, %get3A_1062] {strides = array<i32>} : memref<256x32xf32, #tpu.memory_space<vmem>>, vector<16xf32>,
        %mul3A_1064 = arith.constant 5.65685415 : f32
        %mul3A_1065 = vector.broadcast %mul3A_1064 : f32 to vector<16xf32>
        %mul3A_1066 = arith.mulf %get3A_1063, %mul3A_1065 : vector<16xf32>
        tpu.vector_store_idx %arg11[%add3A_1060, %add3A_1056], %mul3A_1066 : memref<32x257xf32, #tpu.memory_space<vmem>>[vector<16xi32>, vector<16xi32>], vector<16xf32>,
        %iota3A_1067 = tpu.iota {dimensions = array<i32: 0>} : vector<16xi32>
        %add3A_1068 = arith.constant 16 : i32
        %add3A_1069 = vector.broadcast %add3A_1068 : i32 to vector<16xi32>
        %add3A_1070 = arith.addi %iota3A_1067, %add3A_1069 : vector<16xi32>
        %get3A_1071 = arith.index_cast %add3A_1052 : i32 to index
        %get3A_1072 = arith.constant 16 : index
        %get3A_1073 = tpu.vector_load %arg6[%get3A_1071, %get3A_1072] {strides = array<i32>} : memref<256x32xf32, #tpu.memory_space<vmem>>, vector<16xf32>,
        %mul3A_1074 = arith.constant 5.65685415 : f32
        %mul3A_1075 = vector.broadcast %mul3A_1074 : f32 to vector<16xf32>
        %mul3A_1076 = arith.mulf %get3A_1073, %mul3A_1075 : vector<16xf32>
        tpu.vector_store_idx %arg11[%add3A_1070, %add3A_1056], %mul3A_1076 : memref<32x257xf32, #tpu.memory_space<vmem>>[vector<16xi32>, vector<16xi32>], vector<16xf32>,
        %scan3A_1077 = arith.constant 2 : i32
        %scan3A_1078 = arith.addi %scan3A_1021, %scan3A_1077 : i32
        %mul3A_1079 = arith.constant 1 : i32
        %mul3A_1080 = arith.muli %scan3A_1078, %mul3A_1079 : i32
        %add3A_1081 = arith.constant 0 : i32
        %add3A_1082 = arith.addi %add3A_1081, %mul3A_1080 : i32
        %broadcast_in_dim3A_1083 = arith.constant 0 : i32
        %broadcast_in_dim3A_1084 = vector.broadcast %broadcast_in_dim3A_1083 : i32 to vector<16xi32>
        %add3A_1085 = vector.broadcast %add3A_1082 : i32 to vector<16xi32>
        %add3A_1086 = arith.addi %broadcast_in_dim3A_1084, %add3A_1085 : vector<16xi32>
        %iota3A_1087 = tpu.iota {dimensions = array<i32: 0>} : vector<16xi32>
        %add3A_1088 = arith.constant 0 : i32
        %add3A_1089 = vector.broadcast %add3A_1088 : i32 to vector<16xi32>
        %add3A_1090 = arith.addi %iota3A_1087, %add3A_1089 : vector<16xi32>
        %get3A_1091 = arith.index_cast %add3A_1082 : i32 to index
        %get3A_1092 = arith.constant 0 : index
        %get3A_1093 = tpu.vector_load %arg6[%get3A_1091, %get3A_1092] {strides = array<i32>} : memref<256x32xf32, #tpu.memory_space<vmem>>, vector<16xf32>,
        %mul3A_1094 = arith.constant 5.65685415 : f32
        %mul3A_1095 = vector.broadcast %mul3A_1094 : f32 to vector<16xf32>
        %mul3A_1096 = arith.mulf %get3A_1093, %mul3A_1095 : vector<16xf32>
        tpu.vector_store_idx %arg11[%add3A_1090, %add3A_1086], %mul3A_1096 : memref<32x257xf32, #tpu.memory_space<vmem>>[vector<16xi32>, vector<16xi32>], vector<16xf32>,
        %iota3A_1097 = tpu.iota {dimensions = array<i32: 0>} : vector<16xi32>
        %add3A_1098 = arith.constant 16 : i32
        %add3A_1099 = vector.broadcast %add3A_1098 : i32 to vector<16xi32>
        %add3A_1100 = arith.addi %iota3A_1097, %add3A_1099 : vector<16xi32>
        %get3A_1101 = arith.index_cast %add3A_1082 : i32 to index
        %get3A_1102 = arith.constant 16 : index
        %get3A_1103 = tpu.vector_load %arg6[%get3A_1101, %get3A_1102] {strides = array<i32>} : memref<256x32xf32, #tpu.memory_space<vmem>>, vector<16xf32>,
        %mul3A_1104 = arith.constant 5.65685415 : f32
        %mul3A_1105 = vector.broadcast %mul3A_1104 : f32 to vector<16xf32>
        %mul3A_1106 = arith.mulf %get3A_1103, %mul3A_1105 : vector<16xf32>
        tpu.vector_store_idx %arg11[%add3A_1100, %add3A_1086], %mul3A_1106 : memref<32x257xf32, #tpu.memory_space<vmem>>[vector<16xi32>, vector<16xi32>], vector<16xf32>,
        %scan3A_1107 = arith.constant 3 : i32
        %scan3A_1108 = arith.addi %scan3A_1021, %scan3A_1107 : i32
        %mul3A_1109 = arith.constant 1 : i32
        %mul3A_1110 = arith.muli %scan3A_1108, %mul3A_1109 : i32
        %add3A_1111 = arith.constant 0 : i32
        %add3A_1112 = arith.addi %add3A_1111, %mul3A_1110 : i32
        %broadcast_in_dim3A_1113 = arith.constant 0 : i32
        %broadcast_in_dim3A_1114 = vector.broadcast %broadcast_in_dim3A_1113 : i32 to vector<16xi32>
        %add3A_1115 = vector.broadcast %add3A_1112 : i32 to vector<16xi32>
        %add3A_1116 = arith.addi %broadcast_in_dim3A_1114, %add3A_1115 : vector<16xi32>
        %iota3A_1117 = tpu.iota {dimensions = array<i32: 0>} : vector<16xi32>
        %add3A_1118 = arith.constant 0 : i32
        %add3A_1119 = vector.broadcast %add3A_1118 : i32 to vector<16xi32>
        %add3A_1120 = arith.addi %iota3A_1117, %add3A_1119 : vector<16xi32>
        %get3A_1121 = arith.index_cast %add3A_1112 : i32 to index
        %get3A_1122 = arith.constant 0 : index
        %get3A_1123 = tpu.vector_load %arg6[%get3A_1121, %get3A_1122] {strides = array<i32>} : memref<256x32xf32, #tpu.memory_space<vmem>>, vector<16xf32>,
        %mul3A_1124 = arith.constant 5.65685415 : f32
        %mul3A_1125 = vector.broadcast %mul3A_1124 : f32 to vector<16xf32>
        %mul3A_1126 = arith.mulf %get3A_1123, %mul3A_1125 : vector<16xf32>
        tpu.vector_store_idx %arg11[%add3A_1120, %add3A_1116], %mul3A_1126 : memref<32x257xf32, #tpu.memory_space<vmem>>[vector<16xi32>, vector<16xi32>], vector<16xf32>,
        %iota3A_1127 = tpu.iota {dimensions = array<i32: 0>} : vector<16xi32>
        %add3A_1128 = arith.constant 16 : i32
        %add3A_1129 = vector.broadcast %add3A_1128 : i32 to vector<16xi32>
        %add3A_1130 = arith.addi %iota3A_1127, %add3A_1129 : vector<16xi32>
        %get3A_1131 = arith.index_cast %add3A_1112 : i32 to index
        %get3A_1132 = arith.constant 16 : index
        %get3A_1133 = tpu.vector_load %arg6[%get3A_1131, %get3A_1132] {strides = array<i32>} : memref<256x32xf32, #tpu.memory_space<vmem>>, vector<16xf32>,
        %mul3A_1134 = arith.constant 5.65685415 : f32
        %mul3A_1135 = vector.broadcast %mul3A_1134 : f32 to vector<16xf32>
        %mul3A_1136 = arith.mulf %get3A_1133, %mul3A_1135 : vector<16xf32>
        tpu.vector_store_idx %arg11[%add3A_1130, %add3A_1116], %mul3A_1136 : memref<32x257xf32, #tpu.memory_space<vmem>>[vector<16xi32>, vector<16xi32>], vector<16xf32>,
      }
      %scan3A_711 = arith.constant 256 : i32
      %lt3A_712 = arith.constant 19 : i32
      %lt3A_713 = arith.cmpi slt, %add3A_608, %lt3A_712 : i32
      %convert_element_type3A_714 = arith.extui %lt3A_713 : i1 to i32
      %cond3A_715 = arith.constant 0 : i32
      %cond3A_716 = arith.cmpi ne, %convert_element_type3A_714, %cond3A_715 : i32
      scf.if %cond3A_716 {
        %add3A_1021 = arith.constant 5 : i32
        %add3A_1022 = arith.addi %add3A_693, %add3A_1021 : i32
        %jit3A_1023 = arith.constant 64 : i32
        %div3A_1024 = arith.divsi %add3A_1022, %jit3A_1023 : i32
        %sign3A_1025 = arith.constant 0 : i32
        %sign3A_1026 = arith.cmpi sgt, %add3A_1022, %sign3A_1025 : i32
        %sign3A_1027 = arith.extui %sign3A_1026 : i1 to i32
        %sign3A_1028 = arith.constant 0 : i32
        %sign3A_1029 = arith.cmpi slt, %add3A_1022, %sign3A_1028 : i32
        %sign3A_1030 = arith.extui %sign3A_1029 : i1 to i32
        %sign3A_1031 = arith.subi %sign3A_1027, %sign3A_1030 : i32
        %sign3A_1032 = arith.constant 0 : i32
        %sign3A_1033 = arith.cmpi sgt, %jit3A_1023, %sign3A_1032 : i32
        %sign3A_1034 = arith.extui %sign3A_1033 : i1 to i32
        %sign3A_1035 = arith.constant 0 : i32
        %sign3A_1036 = arith.cmpi slt, %jit3A_1023, %sign3A_1035 : i32
        %sign3A_1037 = arith.extui %sign3A_1036 : i1 to i32
        %sign3A_1038 = arith.subi %sign3A_1034, %sign3A_1037 : i32
        %ne3A_1039 = arith.cmpi ne, %sign3A_1031, %sign3A_1038 : i32
        %rem3A_1040 = arith.remsi %add3A_1022, %jit3A_1023 : i32
        %ne3A_1041 = arith.constant 0 : i32
        %ne3A_1042 = arith.cmpi ne, %rem3A_1040, %ne3A_1041 : i32
        %and3A_1043 = arith.andi %ne3A_1039, %ne3A_1042 : i1
        %sub3A_1044 = arith.constant 1 : i32
        %sub3A_1045 = arith.subi %div3A_1024, %sub3A_1044 : i32
        %select_n3A_1046 = arith.select %and3A_1043, %sub3A_1045, %div3A_1024 : i32
        %jit3A_1047 = arith.constant 64 : i32
        %eq3A_1048 = arith.constant 0 : i32
        %eq3A_1049 = arith.cmpi eq, %jit3A_1047, %eq3A_1048 : i32
        %jit3A_1050 = arith.constant 1 : i32
        %select_n3A_1051 = arith.select %eq3A_1049, %jit3A_1050, %jit3A_1047 : i32
        %rem3A_1052 = arith.remsi %add3A_1022, %select_n3A_1051 : i32
        %ne3A_1053 = arith.constant 0 : i32
        %ne3A_1054 = arith.cmpi ne, %rem3A_1052, %ne3A_1053 : i32
        %lt3A_1055 = arith.constant 0 : i32
        %lt3A_1056 = arith.cmpi slt, %rem3A_1052, %lt3A_1055 : i32
        %lt3A_1057 = arith.constant 0 : i32
        %lt3A_1058 = arith.cmpi slt, %select_n3A_1051, %lt3A_1057 : i32
        %ne3A_1059 = arith.xori %lt3A_1056, %lt3A_1058 : i1
        %and3A_1060 = arith.andi %ne3A_1059, %ne3A_1054 : i1
        %add3A_1061 = arith.addi %rem3A_1052, %select_n3A_1051 : i32
        %select_n3A_1062 = arith.select %and3A_1060, %add3A_1061, %rem3A_1052 : i32
        %mul3A_1063 = arith.constant 256 : i32
        %mul3A_1064 = arith.muli %select_n3A_1062, %mul3A_1063 : i32
        %multiple_of3A_1065 = tpu.assume_multiple %mul3A_1064, 8 : i32
        %dma_wait3A_1066 = tpu.memref_slice %arg2[%select_n3A_1046, %multiple_of3A_1065] : memref<50x16384xi32, #tpu.memory_space<hbm>> -> memref<1x256xi32, #tpu.memory_space<hbm>>
        %dma_wait3A_1067 = tpu.memref_squeeze %dma_wait3A_1066 : memref<1x256xi32, #tpu.memory_space<hbm>> -> memref<256xi32, #tpu.memory_space<hbm>>
        %dma_wait3A_1068 = tpu.memref_slice %arg2[%select_n3A_1046, %multiple_of3A_1065] : memref<50x16384xi32, #tpu.memory_space<hbm>> -> memref<1x256xi32, #tpu.memory_space<hbm>>
        %dma_wait3A_1069 = tpu.memref_squeeze %dma_wait3A_1068 : memref<1x256xi32, #tpu.memory_space<hbm>> -> memref<256xi32, #tpu.memory_space<hbm>>
        tpu.wait_dma2 semaphore(%arg31 : memref<!tpu.dma_semaphore, #tpu.memory_space<semaphore_mem>>) src(%dma_wait3A_1069 : memref<256xi32, #tpu.memory_space<hbm>>) dst(%arg16 : memref<256xi32, #tpu.memory_space<vmem>>)
        %scan3A_1070 = arith.constant 0 : i32
        %scan3A_1071 = arith.constant 16 : i32
        %scan3A_1072 = arith.addi %scan3A_1070, %scan3A_1071 : i32
        %scan3A_1073 = arith.constant 1 : i32
        scf.for %scan3A_1078 = %scan3A_1070 to %scan3A_1072 step %scan3A_1073  : i32 {
          %mul3A_1079 = arith.constant 1 : i32
          %mul3A_1080 = arith.muli %scan3A_1078, %mul3A_1079 : i32
          %add3A_1081 = arith.constant 0 : i32
          %add3A_1082 = arith.addi %add3A_1081, %mul3A_1080 : i32
          %mul3A_1083 = arith.constant 16 : i32
          %mul3A_1084 = arith.muli %add3A_1082, %mul3A_1083 : i32
          %multiple_of3A_1085 = tpu.assume_multiple %mul3A_1084, 8 : i32
          %get3A = arith.index_cast %multiple_of3A_1085 : i32 to index
          %get3A_1086 = tpu.vector_load %arg16[%get3A] {strides = array<i32>} : memref<256xi32, #tpu.memory_space<vmem>>, vector<16xi32>,
          %mul3A_1087 = arith.constant 4 : i32
          %mul3A_1088 = vector.broadcast %mul3A_1087 : i32 to vector<16xi32>
          %mul3A_1089 = arith.muli %get3A_1086, %mul3A_1088 : vector<16xi32>
          %swap3A = arith.index_cast %multiple_of3A_1085 : i32 to index
          %swap3A_1090 = tpu.vector_load %arg16[%swap3A] {strides = array<i32>} : memref<256xi32, #tpu.memory_space<vmem>>, vector<16xi32>,
          tpu.vector_store %arg16[%swap3A], %mul3A_1089 {strides = array<i32>} : memref<256xi32, #tpu.memory_space<vmem>>, vector<16xi32>,
        }
        %scan3A_1074 = arith.constant 16 : i32
        %dma_start3A_1075 = arith.constant 0 : i32
        %dma_start3A_1076 = arith.constant 0 : i32
        %dma_start3A_1077 = tpu.memref_slice %arg3[%dma_start3A_1075, %dma_start3A_1076] : memref<4000000x32xf32, #tpu.memory_space<hbm>> -> memref<4000000x32xf32, #tpu.memory_space<hbm>>
        tpu.enqueue_indirect_dma source(%dma_start3A_1077 : memref<4000000x32xf32, #tpu.memory_space<hbm>>) target(%arg6 : memref<256x32xf32, #tpu.memory_space<vmem>>) offsets(%arg16 : memref<256xi32, #tpu.memory_space<vmem>>) semaphore(%arg21 : memref<!tpu.dma_semaphore, #tpu.memory_space<semaphore_mem>>)
      } else {
      }
      %jit3A_717 = arith.constant 64 : i32
      %div3A_718 = arith.divsi %add3A_693, %jit3A_717 : i32
      %sign3A_719 = arith.constant 0 : i32
      %sign3A_720 = arith.cmpi sgt, %add3A_693, %sign3A_719 : i32
      %sign3A_721 = arith.extui %sign3A_720 : i1 to i32
      %sign3A_722 = arith.constant 0 : i32
      %sign3A_723 = arith.cmpi slt, %add3A_693, %sign3A_722 : i32
      %sign3A_724 = arith.extui %sign3A_723 : i1 to i32
      %sign3A_725 = arith.subi %sign3A_721, %sign3A_724 : i32
      %sign3A_726 = arith.constant 0 : i32
      %sign3A_727 = arith.cmpi sgt, %jit3A_717, %sign3A_726 : i32
      %sign3A_728 = arith.extui %sign3A_727 : i1 to i32
      %sign3A_729 = arith.constant 0 : i32
      %sign3A_730 = arith.cmpi slt, %jit3A_717, %sign3A_729 : i32
      %sign3A_731 = arith.extui %sign3A_730 : i1 to i32
      %sign3A_732 = arith.subi %sign3A_728, %sign3A_731 : i32
      %ne3A_733 = arith.cmpi ne, %sign3A_725, %sign3A_732 : i32
      %rem3A_734 = arith.remsi %add3A_693, %jit3A_717 : i32
      %ne3A_735 = arith.constant 0 : i32
      %ne3A_736 = arith.cmpi ne, %rem3A_734, %ne3A_735 : i32
      %and3A_737 = arith.andi %ne3A_733, %ne3A_736 : i1
      %sub3A_738 = arith.constant 1 : i32
      %sub3A_739 = arith.subi %div3A_718, %sub3A_738 : i32
      %select_n3A_740 = arith.select %and3A_737, %sub3A_739, %div3A_718 : i32
      %jit3A_741 = arith.constant 64 : i32
      %eq3A_742 = arith.constant 0 : i32
      %eq3A_743 = arith.cmpi eq, %jit3A_741, %eq3A_742 : i32
      %jit3A_744 = arith.constant 1 : i32
      %select_n3A_745 = arith.select %eq3A_743, %jit3A_744, %jit3A_741 : i32
      %rem3A_746 = arith.remsi %add3A_693, %select_n3A_745 : i32
      %ne3A_747 = arith.constant 0 : i32
      %ne3A_748 = arith.cmpi ne, %rem3A_746, %ne3A_747 : i32
      %lt3A_749 = arith.constant 0 : i32
      %lt3A_750 = arith.cmpi slt, %rem3A_746, %lt3A_749 : i32
      %lt3A_751 = arith.constant 0 : i32
      %lt3A_752 = arith.cmpi slt, %select_n3A_745, %lt3A_751 : i32
      %ne3A_753 = arith.xori %lt3A_750, %lt3A_752 : i1
      %and3A_754 = arith.andi %ne3A_753, %ne3A_748 : i1
      %add3A_755 = arith.addi %rem3A_746, %select_n3A_745 : i32
      %select_n3A_756 = arith.select %and3A_754, %add3A_755, %rem3A_746 : i32
      %mul3A_757 = arith.constant 256 : i32
      %mul3A_758 = arith.muli %select_n3A_756, %mul3A_757 : i32
      %multiple_of3A_759 = tpu.assume_multiple %mul3A_758, 8 : i32
      %dma_start3A_760 = arith.constant 0 : i32
      %dma_start3A_761 = arith.constant 0 : i32
      %dma_start3A_762 = tpu.memref_slice %arg11[%dma_start3A_760, %dma_start3A_761] : memref<32x257xf32, #tpu.memory_space<vmem>> -> memref<32x256xf32, #tpu.memory_space<vmem>>
      %dma_start3A_763 = arith.constant 0 : i32
      %dma_start3A_764 = tpu.memref_slice %arg4[%select_n3A_740, %dma_start3A_763, %multiple_of3A_759] : memref<50x32x16384xf32, #tpu.memory_space<hbm>> -> memref<1x32x256xf32, #tpu.memory_space<hbm>>
      %dma_start3A_765 = tpu.memref_squeeze %dma_start3A_764 : memref<1x32x256xf32, #tpu.memory_space<hbm>> -> memref<32x256xf32, #tpu.memory_space<hbm>>
      %dma_start3A_766 = arith.constant 0 : i32
      %dma_start3A_767 = tpu.memref_slice %arg4[%select_n3A_740, %dma_start3A_766, %multiple_of3A_759] : memref<50x32x16384xf32, #tpu.memory_space<hbm>> -> memref<1x32x256xf32, #tpu.memory_space<hbm>>
      %dma_start3A_768 = tpu.memref_squeeze %dma_start3A_767 : memref<1x32x256xf32, #tpu.memory_space<hbm>> -> memref<32x256xf32, #tpu.memory_space<hbm>>
      %dma_start3A_769 = arith.constant 0 : i32
      %dma_start3A_770 = arith.constant 0 : i32
      %dma_start3A_771 = tpu.memref_slice %arg11[%dma_start3A_769, %dma_start3A_770] : memref<32x257xf32, #tpu.memory_space<vmem>> -> memref<32x256xf32, #tpu.memory_space<vmem>>
      tpu.enqueue_dma source(%dma_start3A_771 : memref<32x256xf32, #tpu.memory_space<vmem>>) target(%dma_start3A_768 : memref<32x256xf32, #tpu.memory_space<hbm>>) target_semaphore(%arg26 : memref<!tpu.dma_semaphore, #tpu.memory_space<semaphore_mem>>)
      %mul3A_772 = arith.constant 5 : i32
      %mul3A_773 = arith.muli %add3A_608, %mul3A_772 : i32
      %add3A_774 = arith.addi %mul3A_2, %mul3A_773 : i32
      %add3A_775 = arith.constant 2 : i32
      %add3A_776 = arith.addi %add3A_774, %add3A_775 : i32
      %dma_wait3A_777 = arith.constant 0 : i32
      %dma_wait3A_778 = arith.constant 0 : i32
      %dma_wait3A_779 = tpu.memref_slice %arg3[%dma_wait3A_777, %dma_wait3A_778] : memref<4000000x32xf32, #tpu.memory_space<hbm>> -> memref<4000000x32xf32, #tpu.memory_space<hbm>>
      tpu.wait_indirect_dma semaphore(%arg22 : memref<!tpu.dma_semaphore, #tpu.memory_space<semaphore_mem>>) src(%dma_wait3A_779 : memref<4000000x32xf32, #tpu.memory_space<hbm>>) dst(%arg7 : memref<256x32xf32, #tpu.memory_space<vmem>>)
      %gt3A_780 = arith.constant 0 : i32
      %gt3A_781 = arith.cmpi sgt, %add3A_608, %gt3A_780 : i32
      %convert_element_type3A_782 = arith.extui %gt3A_781 : i1 to i32
      %cond3A_783 = arith.constant 0 : i32
      %cond3A_784 = arith.cmpi ne, %convert_element_type3A_782, %cond3A_783 : i32
      scf.if %cond3A_784 {
        %sub3A_1021 = arith.constant 5 : i32
        %sub3A_1022 = arith.subi %add3A_776, %sub3A_1021 : i32
        %jit3A_1023 = arith.constant 64 : i32
        %div3A_1024 = arith.divsi %sub3A_1022, %jit3A_1023 : i32
        %sign3A_1025 = arith.constant 0 : i32
        %sign3A_1026 = arith.cmpi sgt, %sub3A_1022, %sign3A_1025 : i32
        %sign3A_1027 = arith.extui %sign3A_1026 : i1 to i32
        %sign3A_1028 = arith.constant 0 : i32
        %sign3A_1029 = arith.cmpi slt, %sub3A_1022, %sign3A_1028 : i32
        %sign3A_1030 = arith.extui %sign3A_1029 : i1 to i32
        %sign3A_1031 = arith.subi %sign3A_1027, %sign3A_1030 : i32
        %sign3A_1032 = arith.constant 0 : i32
        %sign3A_1033 = arith.cmpi sgt, %jit3A_1023, %sign3A_1032 : i32
        %sign3A_1034 = arith.extui %sign3A_1033 : i1 to i32
        %sign3A_1035 = arith.constant 0 : i32
        %sign3A_1036 = arith.cmpi slt, %jit3A_1023, %sign3A_1035 : i32
        %sign3A_1037 = arith.extui %sign3A_1036 : i1 to i32
        %sign3A_1038 = arith.subi %sign3A_1034, %sign3A_1037 : i32
        %ne3A_1039 = arith.cmpi ne, %sign3A_1031, %sign3A_1038 : i32
        %rem3A_1040 = arith.remsi %sub3A_1022, %jit3A_1023 : i32
        %ne3A_1041 = arith.constant 0 : i32
        %ne3A_1042 = arith.cmpi ne, %rem3A_1040, %ne3A_1041 : i32
        %and3A_1043 = arith.andi %ne3A_1039, %ne3A_1042 : i1
        %sub3A_1044 = arith.constant 1 : i32
        %sub3A_1045 = arith.subi %div3A_1024, %sub3A_1044 : i32
        %select_n3A_1046 = arith.select %and3A_1043, %sub3A_1045, %div3A_1024 : i32
        %jit3A_1047 = arith.constant 64 : i32
        %eq3A_1048 = arith.constant 0 : i32
        %eq3A_1049 = arith.cmpi eq, %jit3A_1047, %eq3A_1048 : i32
        %jit3A_1050 = arith.constant 1 : i32
        %select_n3A_1051 = arith.select %eq3A_1049, %jit3A_1050, %jit3A_1047 : i32
        %rem3A_1052 = arith.remsi %sub3A_1022, %select_n3A_1051 : i32
        %ne3A_1053 = arith.constant 0 : i32
        %ne3A_1054 = arith.cmpi ne, %rem3A_1052, %ne3A_1053 : i32
        %lt3A_1055 = arith.constant 0 : i32
        %lt3A_1056 = arith.cmpi slt, %rem3A_1052, %lt3A_1055 : i32
        %lt3A_1057 = arith.constant 0 : i32
        %lt3A_1058 = arith.cmpi slt, %select_n3A_1051, %lt3A_1057 : i32
        %ne3A_1059 = arith.xori %lt3A_1056, %lt3A_1058 : i1
        %and3A_1060 = arith.andi %ne3A_1059, %ne3A_1054 : i1
        %add3A_1061 = arith.addi %rem3A_1052, %select_n3A_1051 : i32
        %select_n3A_1062 = arith.select %and3A_1060, %add3A_1061, %rem3A_1052 : i32
        %mul3A_1063 = arith.constant 256 : i32
        %mul3A_1064 = arith.muli %select_n3A_1062, %mul3A_1063 : i32
        %multiple_of3A_1065 = tpu.assume_multiple %mul3A_1064, 8 : i32
        %dma_wait3A_1066 = arith.constant 0 : i32
        %dma_wait3A_1067 = arith.constant 0 : i32
        %dma_wait3A_1068 = tpu.memref_slice %arg12[%dma_wait3A_1066, %dma_wait3A_1067] : memref<32x257xf32, #tpu.memory_space<vmem>> -> memref<32x256xf32, #tpu.memory_space<vmem>>
        %dma_wait3A_1069 = arith.constant 0 : i32
        %dma_wait3A_1070 = tpu.memref_slice %arg4[%select_n3A_1046, %dma_wait3A_1069, %multiple_of3A_1065] : memref<50x32x16384xf32, #tpu.memory_space<hbm>> -> memref<1x32x256xf32, #tpu.memory_space<hbm>>
        %dma_wait3A_1071 = tpu.memref_squeeze %dma_wait3A_1070 : memref<1x32x256xf32, #tpu.memory_space<hbm>> -> memref<32x256xf32, #tpu.memory_space<hbm>>
        %dma_wait3A_1072 = arith.constant 0 : i32
        %dma_wait3A_1073 = tpu.memref_slice %arg4[%select_n3A_1046, %dma_wait3A_1072, %multiple_of3A_1065] : memref<50x32x16384xf32, #tpu.memory_space<hbm>> -> memref<1x32x256xf32, #tpu.memory_space<hbm>>
        %dma_wait3A_1074 = tpu.memref_squeeze %dma_wait3A_1073 : memref<1x32x256xf32, #tpu.memory_space<hbm>> -> memref<32x256xf32, #tpu.memory_space<hbm>>
        %dma_wait3A_1075 = arith.constant 0 : i32
        %dma_wait3A_1076 = arith.constant 0 : i32
        %dma_wait3A_1077 = tpu.memref_slice %arg12[%dma_wait3A_1075, %dma_wait3A_1076] : memref<32x257xf32, #tpu.memory_space<vmem>> -> memref<32x256xf32, #tpu.memory_space<vmem>>
        tpu.wait_dma2 semaphore(%arg27 : memref<!tpu.dma_semaphore, #tpu.memory_space<semaphore_mem>>) src(%dma_wait3A_1077 : memref<32x256xf32, #tpu.memory_space<vmem>>) dst(%dma_wait3A_1074 : memref<32x256xf32, #tpu.memory_space<hbm>>)
      } else {
      }
      %lt3A_785 = arith.constant 19 : i32
      %lt3A_786 = arith.cmpi slt, %add3A_608, %lt3A_785 : i32
      %convert_element_type3A_787 = arith.extui %lt3A_786 : i1 to i32
      %cond3A_788 = arith.constant 0 : i32
      %cond3A_789 = arith.cmpi ne, %convert_element_type3A_787, %cond3A_788 : i32
      scf.if %cond3A_789 {
        %add3A_1021 = arith.constant 5 : i32
        %add3A_1022 = arith.addi %add3A_776, %add3A_1021 : i32
        %jit3A_1023 = arith.constant 64 : i32
        %div3A_1024 = arith.divsi %add3A_1022, %jit3A_1023 : i32
        %sign3A_1025 = arith.constant 0 : i32
        %sign3A_1026 = arith.cmpi sgt, %add3A_1022, %sign3A_1025 : i32
        %sign3A_1027 = arith.extui %sign3A_1026 : i1 to i32
        %sign3A_1028 = arith.constant 0 : i32
        %sign3A_1029 = arith.cmpi slt, %add3A_1022, %sign3A_1028 : i32
        %sign3A_1030 = arith.extui %sign3A_1029 : i1 to i32
        %sign3A_1031 = arith.subi %sign3A_1027, %sign3A_1030 : i32
        %sign3A_1032 = arith.constant 0 : i32
        %sign3A_1033 = arith.cmpi sgt, %jit3A_1023, %sign3A_1032 : i32
        %sign3A_1034 = arith.extui %sign3A_1033 : i1 to i32
        %sign3A_1035 = arith.constant 0 : i32
        %sign3A_1036 = arith.cmpi slt, %jit3A_1023, %sign3A_1035 : i32
        %sign3A_1037 = arith.extui %sign3A_1036 : i1 to i32
        %sign3A_1038 = arith.subi %sign3A_1034, %sign3A_1037 : i32
        %ne3A_1039 = arith.cmpi ne, %sign3A_1031, %sign3A_1038 : i32
        %rem3A_1040 = arith.remsi %add3A_1022, %jit3A_1023 : i32
        %ne3A_1041 = arith.constant 0 : i32
        %ne3A_1042 = arith.cmpi ne, %rem3A_1040, %ne3A_1041 : i32
        %and3A_1043 = arith.andi %ne3A_1039, %ne3A_1042 : i1
        %sub3A_1044 = arith.constant 1 : i32
        %sub3A_1045 = arith.subi %div3A_1024, %sub3A_1044 : i32
        %select_n3A_1046 = arith.select %and3A_1043, %sub3A_1045, %div3A_1024 : i32
        %jit3A_1047 = arith.constant 64 : i32
        %eq3A_1048 = arith.constant 0 : i32
        %eq3A_1049 = arith.cmpi eq, %jit3A_1047, %eq3A_1048 : i32
        %jit3A_1050 = arith.constant 1 : i32
        %select_n3A_1051 = arith.select %eq3A_1049, %jit3A_1050, %jit3A_1047 : i32
        %rem3A_1052 = arith.remsi %add3A_1022, %select_n3A_1051 : i32
        %ne3A_1053 = arith.constant 0 : i32
        %ne3A_1054 = arith.cmpi ne, %rem3A_1052, %ne3A_1053 : i32
        %lt3A_1055 = arith.constant 0 : i32
        %lt3A_1056 = arith.cmpi slt, %rem3A_1052, %lt3A_1055 : i32
        %lt3A_1057 = arith.constant 0 : i32
        %lt3A_1058 = arith.cmpi slt, %select_n3A_1051, %lt3A_1057 : i32
        %ne3A_1059 = arith.xori %lt3A_1056, %lt3A_1058 : i1
        %and3A_1060 = arith.andi %ne3A_1059, %ne3A_1054 : i1
        %add3A_1061 = arith.addi %rem3A_1052, %select_n3A_1051 : i32
        %select_n3A_1062 = arith.select %and3A_1060, %add3A_1061, %rem3A_1052 : i32
        %mul3A_1063 = arith.constant 256 : i32
        %mul3A_1064 = arith.muli %select_n3A_1062, %mul3A_1063 : i32
        %multiple_of3A_1065 = tpu.assume_multiple %mul3A_1064, 8 : i32
        %dma_start3A_1066 = tpu.memref_slice %arg2[%select_n3A_1046, %multiple_of3A_1065] : memref<50x16384xi32, #tpu.memory_space<hbm>> -> memref<1x256xi32, #tpu.memory_space<hbm>>
        %dma_start3A_1067 = tpu.memref_squeeze %dma_start3A_1066 : memref<1x256xi32, #tpu.memory_space<hbm>> -> memref<256xi32, #tpu.memory_space<hbm>>
        %dma_start3A_1068 = tpu.memref_slice %arg2[%select_n3A_1046, %multiple_of3A_1065] : memref<50x16384xi32, #tpu.memory_space<hbm>> -> memref<1x256xi32, #tpu.memory_space<hbm>>
        %dma_start3A_1069 = tpu.memref_squeeze %dma_start3A_1068 : memref<1x256xi32, #tpu.memory_space<hbm>> -> memref<256xi32, #tpu.memory_space<hbm>>
        tpu.enqueue_dma source(%dma_start3A_1069 : memref<256xi32, #tpu.memory_space<hbm>>) target(%arg17 : memref<256xi32, #tpu.memory_space<vmem>>) target_semaphore(%arg32 : memref<!tpu.dma_semaphore, #tpu.memory_space<semaphore_mem>>)
      } else {
      }
      %scan3A_790 = arith.constant 0 : i32
      %scan3A_791 = arith.constant 256 : i32
      %scan3A_792 = arith.addi %scan3A_790, %scan3A_791 : i32
      %scan3A_793 = arith.constant 4 : i32
      scf.for %scan3A_1021 = %scan3A_790 to %scan3A_792 step %scan3A_793  : i32 {
        %mul3A_1022 = arith.constant 1 : i32
        %mul3A_1023 = arith.muli %scan3A_1021, %mul3A_1022 : i32
        %add3A_1024 = arith.constant 0 : i32
        %add3A_1025 = arith.addi %add3A_1024, %mul3A_1023 : i32
        %broadcast_in_dim3A = arith.constant 0 : i32
        %broadcast_in_dim3A_1026 = vector.broadcast %broadcast_in_dim3A : i32 to vector<16xi32>
        %add3A_1027 = vector.broadcast %add3A_1025 : i32 to vector<16xi32>
        %add3A_1028 = arith.addi %broadcast_in_dim3A_1026, %add3A_1027 : vector<16xi32>
        %iota3A = tpu.iota {dimensions = array<i32: 0>} : vector<16xi32>
        %add3A_1029 = arith.constant 0 : i32
        %add3A_1030 = vector.broadcast %add3A_1029 : i32 to vector<16xi32>
        %add3A_1031 = arith.addi %iota3A, %add3A_1030 : vector<16xi32>
        %get3A = arith.index_cast %add3A_1025 : i32 to index
        %get3A_1032 = arith.constant 0 : index
        %get3A_1033 = tpu.vector_load %arg7[%get3A, %get3A_1032] {strides = array<i32>} : memref<256x32xf32, #tpu.memory_space<vmem>>, vector<16xf32>,
        %mul3A_1034 = arith.constant 5.65685415 : f32
        %mul3A_1035 = vector.broadcast %mul3A_1034 : f32 to vector<16xf32>
        %mul3A_1036 = arith.mulf %get3A_1033, %mul3A_1035 : vector<16xf32>
        tpu.vector_store_idx %arg12[%add3A_1031, %add3A_1028], %mul3A_1036 : memref<32x257xf32, #tpu.memory_space<vmem>>[vector<16xi32>, vector<16xi32>], vector<16xf32>,
        %iota3A_1037 = tpu.iota {dimensions = array<i32: 0>} : vector<16xi32>
        %add3A_1038 = arith.constant 16 : i32
        %add3A_1039 = vector.broadcast %add3A_1038 : i32 to vector<16xi32>
        %add3A_1040 = arith.addi %iota3A_1037, %add3A_1039 : vector<16xi32>
        %get3A_1041 = arith.index_cast %add3A_1025 : i32 to index
        %get3A_1042 = arith.constant 16 : index
        %get3A_1043 = tpu.vector_load %arg7[%get3A_1041, %get3A_1042] {strides = array<i32>} : memref<256x32xf32, #tpu.memory_space<vmem>>, vector<16xf32>,
        %mul3A_1044 = arith.constant 5.65685415 : f32
        %mul3A_1045 = vector.broadcast %mul3A_1044 : f32 to vector<16xf32>
        %mul3A_1046 = arith.mulf %get3A_1043, %mul3A_1045 : vector<16xf32>
        tpu.vector_store_idx %arg12[%add3A_1040, %add3A_1028], %mul3A_1046 : memref<32x257xf32, #tpu.memory_space<vmem>>[vector<16xi32>, vector<16xi32>], vector<16xf32>,
        %scan3A_1047 = arith.constant 1 : i32
        %scan3A_1048 = arith.addi %scan3A_1021, %scan3A_1047 : i32
        %mul3A_1049 = arith.constant 1 : i32
        %mul3A_1050 = arith.muli %scan3A_1048, %mul3A_1049 : i32
        %add3A_1051 = arith.constant 0 : i32
        %add3A_1052 = arith.addi %add3A_1051, %mul3A_1050 : i32
        %broadcast_in_dim3A_1053 = arith.constant 0 : i32
        %broadcast_in_dim3A_1054 = vector.broadcast %broadcast_in_dim3A_1053 : i32 to vector<16xi32>
        %add3A_1055 = vector.broadcast %add3A_1052 : i32 to vector<16xi32>
        %add3A_1056 = arith.addi %broadcast_in_dim3A_1054, %add3A_1055 : vector<16xi32>
        %iota3A_1057 = tpu.iota {dimensions = array<i32: 0>} : vector<16xi32>
        %add3A_1058 = arith.constant 0 : i32
        %add3A_1059 = vector.broadcast %add3A_1058 : i32 to vector<16xi32>
        %add3A_1060 = arith.addi %iota3A_1057, %add3A_1059 : vector<16xi32>
        %get3A_1061 = arith.index_cast %add3A_1052 : i32 to index
        %get3A_1062 = arith.constant 0 : index
        %get3A_1063 = tpu.vector_load %arg7[%get3A_1061, %get3A_1062] {strides = array<i32>} : memref<256x32xf32, #tpu.memory_space<vmem>>, vector<16xf32>,
        %mul3A_1064 = arith.constant 5.65685415 : f32
        %mul3A_1065 = vector.broadcast %mul3A_1064 : f32 to vector<16xf32>
        %mul3A_1066 = arith.mulf %get3A_1063, %mul3A_1065 : vector<16xf32>
        tpu.vector_store_idx %arg12[%add3A_1060, %add3A_1056], %mul3A_1066 : memref<32x257xf32, #tpu.memory_space<vmem>>[vector<16xi32>, vector<16xi32>], vector<16xf32>,
        %iota3A_1067 = tpu.iota {dimensions = array<i32: 0>} : vector<16xi32>
        %add3A_1068 = arith.constant 16 : i32
        %add3A_1069 = vector.broadcast %add3A_1068 : i32 to vector<16xi32>
        %add3A_1070 = arith.addi %iota3A_1067, %add3A_1069 : vector<16xi32>
        %get3A_1071 = arith.index_cast %add3A_1052 : i32 to index
        %get3A_1072 = arith.constant 16 : index
        %get3A_1073 = tpu.vector_load %arg7[%get3A_1071, %get3A_1072] {strides = array<i32>} : memref<256x32xf32, #tpu.memory_space<vmem>>, vector<16xf32>,
        %mul3A_1074 = arith.constant 5.65685415 : f32
        %mul3A_1075 = vector.broadcast %mul3A_1074 : f32 to vector<16xf32>
        %mul3A_1076 = arith.mulf %get3A_1073, %mul3A_1075 : vector<16xf32>
        tpu.vector_store_idx %arg12[%add3A_1070, %add3A_1056], %mul3A_1076 : memref<32x257xf32, #tpu.memory_space<vmem>>[vector<16xi32>, vector<16xi32>], vector<16xf32>,
        %scan3A_1077 = arith.constant 2 : i32
        %scan3A_1078 = arith.addi %scan3A_1021, %scan3A_1077 : i32
        %mul3A_1079 = arith.constant 1 : i32
        %mul3A_1080 = arith.muli %scan3A_1078, %mul3A_1079 : i32
        %add3A_1081 = arith.constant 0 : i32
        %add3A_1082 = arith.addi %add3A_1081, %mul3A_1080 : i32
        %broadcast_in_dim3A_1083 = arith.constant 0 : i32
        %broadcast_in_dim3A_1084 = vector.broadcast %broadcast_in_dim3A_1083 : i32 to vector<16xi32>
        %add3A_1085 = vector.broadcast %add3A_1082 : i32 to vector<16xi32>
        %add3A_1086 = arith.addi %broadcast_in_dim3A_1084, %add3A_1085 : vector<16xi32>
        %iota3A_1087 = tpu.iota {dimensions = array<i32: 0>} : vector<16xi32>
        %add3A_1088 = arith.constant 0 : i32
        %add3A_1089 = vector.broadcast %add3A_1088 : i32 to vector<16xi32>
        %add3A_1090 = arith.addi %iota3A_1087, %add3A_1089 : vector<16xi32>
        %get3A_1091 = arith.index_cast %add3A_1082 : i32 to index
        %get3A_1092 = arith.constant 0 : index
        %get3A_1093 = tpu.vector_load %arg7[%get3A_1091, %get3A_1092] {strides = array<i32>} : memref<256x32xf32, #tpu.memory_space<vmem>>, vector<16xf32>,
        %mul3A_1094 = arith.constant 5.65685415 : f32
        %mul3A_1095 = vector.broadcast %mul3A_1094 : f32 to vector<16xf32>
        %mul3A_1096 = arith.mulf %get3A_1093, %mul3A_1095 : vector<16xf32>
        tpu.vector_store_idx %arg12[%add3A_1090, %add3A_1086], %mul3A_1096 : memref<32x257xf32, #tpu.memory_space<vmem>>[vector<16xi32>, vector<16xi32>], vector<16xf32>,
        %iota3A_1097 = tpu.iota {dimensions = array<i32: 0>} : vector<16xi32>
        %add3A_1098 = arith.constant 16 : i32
        %add3A_1099 = vector.broadcast %add3A_1098 : i32 to vector<16xi32>
        %add3A_1100 = arith.addi %iota3A_1097, %add3A_1099 : vector<16xi32>
        %get3A_1101 = arith.index_cast %add3A_1082 : i32 to index
        %get3A_1102 = arith.constant 16 : index
        %get3A_1103 = tpu.vector_load %arg7[%get3A_1101, %get3A_1102] {strides = array<i32>} : memref<256x32xf32, #tpu.memory_space<vmem>>, vector<16xf32>,
        %mul3A_1104 = arith.constant 5.65685415 : f32
        %mul3A_1105 = vector.broadcast %mul3A_1104 : f32 to vector<16xf32>
        %mul3A_1106 = arith.mulf %get3A_1103, %mul3A_1105 : vector<16xf32>
        tpu.vector_store_idx %arg12[%add3A_1100, %add3A_1086], %mul3A_1106 : memref<32x257xf32, #tpu.memory_space<vmem>>[vector<16xi32>, vector<16xi32>], vector<16xf32>,
        %scan3A_1107 = arith.constant 3 : i32
        %scan3A_1108 = arith.addi %scan3A_1021, %scan3A_1107 : i32
        %mul3A_1109 = arith.constant 1 : i32
        %mul3A_1110 = arith.muli %scan3A_1108, %mul3A_1109 : i32
        %add3A_1111 = arith.constant 0 : i32
        %add3A_1112 = arith.addi %add3A_1111, %mul3A_1110 : i32
        %broadcast_in_dim3A_1113 = arith.constant 0 : i32
        %broadcast_in_dim3A_1114 = vector.broadcast %broadcast_in_dim3A_1113 : i32 to vector<16xi32>
        %add3A_1115 = vector.broadcast %add3A_1112 : i32 to vector<16xi32>
        %add3A_1116 = arith.addi %broadcast_in_dim3A_1114, %add3A_1115 : vector<16xi32>
        %iota3A_1117 = tpu.iota {dimensions = array<i32: 0>} : vector<16xi32>
        %add3A_1118 = arith.constant 0 : i32
        %add3A_1119 = vector.broadcast %add3A_1118 : i32 to vector<16xi32>
        %add3A_1120 = arith.addi %iota3A_1117, %add3A_1119 : vector<16xi32>
        %get3A_1121 = arith.index_cast %add3A_1112 : i32 to index
        %get3A_1122 = arith.constant 0 : index
        %get3A_1123 = tpu.vector_load %arg7[%get3A_1121, %get3A_1122] {strides = array<i32>} : memref<256x32xf32, #tpu.memory_space<vmem>>, vector<16xf32>,
        %mul3A_1124 = arith.constant 5.65685415 : f32
        %mul3A_1125 = vector.broadcast %mul3A_1124 : f32 to vector<16xf32>
        %mul3A_1126 = arith.mulf %get3A_1123, %mul3A_1125 : vector<16xf32>
        tpu.vector_store_idx %arg12[%add3A_1120, %add3A_1116], %mul3A_1126 : memref<32x257xf32, #tpu.memory_space<vmem>>[vector<16xi32>, vector<16xi32>], vector<16xf32>,
        %iota3A_1127 = tpu.iota {dimensions = array<i32: 0>} : vector<16xi32>
        %add3A_1128 = arith.constant 16 : i32
        %add3A_1129 = vector.broadcast %add3A_1128 : i32 to vector<16xi32>
        %add3A_1130 = arith.addi %iota3A_1127, %add3A_1129 : vector<16xi32>
        %get3A_1131 = arith.index_cast %add3A_1112 : i32 to index
        %get3A_1132 = arith.constant 16 : index
        %get3A_1133 = tpu.vector_load %arg7[%get3A_1131, %get3A_1132] {strides = array<i32>} : memref<256x32xf32, #tpu.memory_space<vmem>>, vector<16xf32>,
        %mul3A_1134 = arith.constant 5.65685415 : f32
        %mul3A_1135 = vector.broadcast %mul3A_1134 : f32 to vector<16xf32>
        %mul3A_1136 = arith.mulf %get3A_1133, %mul3A_1135 : vector<16xf32>
        tpu.vector_store_idx %arg12[%add3A_1130, %add3A_1116], %mul3A_1136 : memref<32x257xf32, #tpu.memory_space<vmem>>[vector<16xi32>, vector<16xi32>], vector<16xf32>,
      }
      %scan3A_794 = arith.constant 256 : i32
      %lt3A_795 = arith.constant 19 : i32
      %lt3A_796 = arith.cmpi slt, %add3A_608, %lt3A_795 : i32
      %convert_element_type3A_797 = arith.extui %lt3A_796 : i1 to i32
      %cond3A_798 = arith.constant 0 : i32
      %cond3A_799 = arith.cmpi ne, %convert_element_type3A_797, %cond3A_798 : i32
      scf.if %cond3A_799 {
        %add3A_1021 = arith.constant 5 : i32
        %add3A_1022 = arith.addi %add3A_776, %add3A_1021 : i32
        %jit3A_1023 = arith.constant 64 : i32
        %div3A_1024 = arith.divsi %add3A_1022, %jit3A_1023 : i32
        %sign3A_1025 = arith.constant 0 : i32
        %sign3A_1026 = arith.cmpi sgt, %add3A_1022, %sign3A_1025 : i32
        %sign3A_1027 = arith.extui %sign3A_1026 : i1 to i32
        %sign3A_1028 = arith.constant 0 : i32
        %sign3A_1029 = arith.cmpi slt, %add3A_1022, %sign3A_1028 : i32
        %sign3A_1030 = arith.extui %sign3A_1029 : i1 to i32
        %sign3A_1031 = arith.subi %sign3A_1027, %sign3A_1030 : i32
        %sign3A_1032 = arith.constant 0 : i32
        %sign3A_1033 = arith.cmpi sgt, %jit3A_1023, %sign3A_1032 : i32
        %sign3A_1034 = arith.extui %sign3A_1033 : i1 to i32
        %sign3A_1035 = arith.constant 0 : i32
        %sign3A_1036 = arith.cmpi slt, %jit3A_1023, %sign3A_1035 : i32
        %sign3A_1037 = arith.extui %sign3A_1036 : i1 to i32
        %sign3A_1038 = arith.subi %sign3A_1034, %sign3A_1037 : i32
        %ne3A_1039 = arith.cmpi ne, %sign3A_1031, %sign3A_1038 : i32
        %rem3A_1040 = arith.remsi %add3A_1022, %jit3A_1023 : i32
        %ne3A_1041 = arith.constant 0 : i32
        %ne3A_1042 = arith.cmpi ne, %rem3A_1040, %ne3A_1041 : i32
        %and3A_1043 = arith.andi %ne3A_1039, %ne3A_1042 : i1
        %sub3A_1044 = arith.constant 1 : i32
        %sub3A_1045 = arith.subi %div3A_1024, %sub3A_1044 : i32
        %select_n3A_1046 = arith.select %and3A_1043, %sub3A_1045, %div3A_1024 : i32
        %jit3A_1047 = arith.constant 64 : i32
        %eq3A_1048 = arith.constant 0 : i32
        %eq3A_1049 = arith.cmpi eq, %jit3A_1047, %eq3A_1048 : i32
        %jit3A_1050 = arith.constant 1 : i32
        %select_n3A_1051 = arith.select %eq3A_1049, %jit3A_1050, %jit3A_1047 : i32
        %rem3A_1052 = arith.remsi %add3A_1022, %select_n3A_1051 : i32
        %ne3A_1053 = arith.constant 0 : i32
        %ne3A_1054 = arith.cmpi ne, %rem3A_1052, %ne3A_1053 : i32
        %lt3A_1055 = arith.constant 0 : i32
        %lt3A_1056 = arith.cmpi slt, %rem3A_1052, %lt3A_1055 : i32
        %lt3A_1057 = arith.constant 0 : i32
        %lt3A_1058 = arith.cmpi slt, %select_n3A_1051, %lt3A_1057 : i32
        %ne3A_1059 = arith.xori %lt3A_1056, %lt3A_1058 : i1
        %and3A_1060 = arith.andi %ne3A_1059, %ne3A_1054 : i1
        %add3A_1061 = arith.addi %rem3A_1052, %select_n3A_1051 : i32
        %select_n3A_1062 = arith.select %and3A_1060, %add3A_1061, %rem3A_1052 : i32
        %mul3A_1063 = arith.constant 256 : i32
        %mul3A_1064 = arith.muli %select_n3A_1062, %mul3A_1063 : i32
        %multiple_of3A_1065 = tpu.assume_multiple %mul3A_1064, 8 : i32
        %dma_wait3A_1066 = tpu.memref_slice %arg2[%select_n3A_1046, %multiple_of3A_1065] : memref<50x16384xi32, #tpu.memory_space<hbm>> -> memref<1x256xi32, #tpu.memory_space<hbm>>
        %dma_wait3A_1067 = tpu.memref_squeeze %dma_wait3A_1066 : memref<1x256xi32, #tpu.memory_space<hbm>> -> memref<256xi32, #tpu.memory_space<hbm>>
        %dma_wait3A_1068 = tpu.memref_slice %arg2[%select_n3A_1046, %multiple_of3A_1065] : memref<50x16384xi32, #tpu.memory_space<hbm>> -> memref<1x256xi32, #tpu.memory_space<hbm>>
        %dma_wait3A_1069 = tpu.memref_squeeze %dma_wait3A_1068 : memref<1x256xi32, #tpu.memory_space<hbm>> -> memref<256xi32, #tpu.memory_space<hbm>>
        tpu.wait_dma2 semaphore(%arg32 : memref<!tpu.dma_semaphore, #tpu.memory_space<semaphore_mem>>) src(%dma_wait3A_1069 : memref<256xi32, #tpu.memory_space<hbm>>) dst(%arg17 : memref<256xi32, #tpu.memory_space<vmem>>)
        %scan3A_1070 = arith.constant 0 : i32
        %scan3A_1071 = arith.constant 16 : i32
        %scan3A_1072 = arith.addi %scan3A_1070, %scan3A_1071 : i32
        %scan3A_1073 = arith.constant 1 : i32
        scf.for %scan3A_1078 = %scan3A_1070 to %scan3A_1072 step %scan3A_1073  : i32 {
          %mul3A_1079 = arith.constant 1 : i32
          %mul3A_1080 = arith.muli %scan3A_1078, %mul3A_1079 : i32
          %add3A_1081 = arith.constant 0 : i32
          %add3A_1082 = arith.addi %add3A_1081, %mul3A_1080 : i32
          %mul3A_1083 = arith.constant 16 : i32
          %mul3A_1084 = arith.muli %add3A_1082, %mul3A_1083 : i32
          %multiple_of3A_1085 = tpu.assume_multiple %mul3A_1084, 8 : i32
          %get3A = arith.index_cast %multiple_of3A_1085 : i32 to index
          %get3A_1086 = tpu.vector_load %arg17[%get3A] {strides = array<i32>} : memref<256xi32, #tpu.memory_space<vmem>>, vector<16xi32>,
          %mul3A_1087 = arith.constant 4 : i32
          %mul3A_1088 = vector.broadcast %mul3A_1087 : i32 to vector<16xi32>
          %mul3A_1089 = arith.muli %get3A_1086, %mul3A_1088 : vector<16xi32>
          %swap3A = arith.index_cast %multiple_of3A_1085 : i32 to index
          %swap3A_1090 = tpu.vector_load %arg17[%swap3A] {strides = array<i32>} : memref<256xi32, #tpu.memory_space<vmem>>, vector<16xi32>,
          tpu.vector_store %arg17[%swap3A], %mul3A_1089 {strides = array<i32>} : memref<256xi32, #tpu.memory_space<vmem>>, vector<16xi32>,
        }
        %scan3A_1074 = arith.constant 16 : i32
        %dma_start3A_1075 = arith.constant 0 : i32
        %dma_start3A_1076 = arith.constant 0 : i32
        %dma_start3A_1077 = tpu.memref_slice %arg3[%dma_start3A_1075, %dma_start3A_1076] : memref<4000000x32xf32, #tpu.memory_space<hbm>> -> memref<4000000x32xf32, #tpu.memory_space<hbm>>
        tpu.enqueue_indirect_dma source(%dma_start3A_1077 : memref<4000000x32xf32, #tpu.memory_space<hbm>>) target(%arg7 : memref<256x32xf32, #tpu.memory_space<vmem>>) offsets(%arg17 : memref<256xi32, #tpu.memory_space<vmem>>) semaphore(%arg22 : memref<!tpu.dma_semaphore, #tpu.memory_space<semaphore_mem>>)
      } else {
      }
      %jit3A_800 = arith.constant 64 : i32
      %div3A_801 = arith.divsi %add3A_776, %jit3A_800 : i32
      %sign3A_802 = arith.constant 0 : i32
      %sign3A_803 = arith.cmpi sgt, %add3A_776, %sign3A_802 : i32
      %sign3A_804 = arith.extui %sign3A_803 : i1 to i32
      %sign3A_805 = arith.constant 0 : i32
      %sign3A_806 = arith.cmpi slt, %add3A_776, %sign3A_805 : i32
      %sign3A_807 = arith.extui %sign3A_806 : i1 to i32
      %sign3A_808 = arith.subi %sign3A_804, %sign3A_807 : i32
      %sign3A_809 = arith.constant 0 : i32
      %sign3A_810 = arith.cmpi sgt, %jit3A_800, %sign3A_809 : i32
      %sign3A_811 = arith.extui %sign3A_810 : i1 to i32
      %sign3A_812 = arith.constant 0 : i32
      %sign3A_813 = arith.cmpi slt, %jit3A_800, %sign3A_812 : i32
      %sign3A_814 = arith.extui %sign3A_813 : i1 to i32
      %sign3A_815 = arith.subi %sign3A_811, %sign3A_814 : i32
      %ne3A_816 = arith.cmpi ne, %sign3A_808, %sign3A_815 : i32
      %rem3A_817 = arith.remsi %add3A_776, %jit3A_800 : i32
      %ne3A_818 = arith.constant 0 : i32
      %ne3A_819 = arith.cmpi ne, %rem3A_817, %ne3A_818 : i32
      %and3A_820 = arith.andi %ne3A_816, %ne3A_819 : i1
      %sub3A_821 = arith.constant 1 : i32
      %sub3A_822 = arith.subi %div3A_801, %sub3A_821 : i32
      %select_n3A_823 = arith.select %and3A_820, %sub3A_822, %div3A_801 : i32
      %jit3A_824 = arith.constant 64 : i32
      %eq3A_825 = arith.constant 0 : i32
      %eq3A_826 = arith.cmpi eq, %jit3A_824, %eq3A_825 : i32
      %jit3A_827 = arith.constant 1 : i32
      %select_n3A_828 = arith.select %eq3A_826, %jit3A_827, %jit3A_824 : i32
      %rem3A_829 = arith.remsi %add3A_776, %select_n3A_828 : i32
      %ne3A_830 = arith.constant 0 : i32
      %ne3A_831 = arith.cmpi ne, %rem3A_829, %ne3A_830 : i32
      %lt3A_832 = arith.constant 0 : i32
      %lt3A_833 = arith.cmpi slt, %rem3A_829, %lt3A_832 : i32
      %lt3A_834 = arith.constant 0 : i32
      %lt3A_835 = arith.cmpi slt, %select_n3A_828, %lt3A_834 : i32
      %ne3A_836 = arith.xori %lt3A_833, %lt3A_835 : i1
      %and3A_837 = arith.andi %ne3A_836, %ne3A_831 : i1
      %add3A_838 = arith.addi %rem3A_829, %select_n3A_828 : i32
      %select_n3A_839 = arith.select %and3A_837, %add3A_838, %rem3A_829 : i32
      %mul3A_840 = arith.constant 256 : i32
      %mul3A_841 = arith.muli %select_n3A_839, %mul3A_840 : i32
      %multiple_of3A_842 = tpu.assume_multiple %mul3A_841, 8 : i32
      %dma_start3A_843 = arith.constant 0 : i32
      %dma_start3A_844 = arith.constant 0 : i32
      %dma_start3A_845 = tpu.memref_slice %arg12[%dma_start3A_843, %dma_start3A_844] : memref<32x257xf32, #tpu.memory_space<vmem>> -> memref<32x256xf32, #tpu.memory_space<vmem>>
      %dma_start3A_846 = arith.constant 0 : i32
      %dma_start3A_847 = tpu.memref_slice %arg4[%select_n3A_823, %dma_start3A_846, %multiple_of3A_842] : memref<50x32x16384xf32, #tpu.memory_space<hbm>> -> memref<1x32x256xf32, #tpu.memory_space<hbm>>
      %dma_start3A_848 = tpu.memref_squeeze %dma_start3A_847 : memref<1x32x256xf32, #tpu.memory_space<hbm>> -> memref<32x256xf32, #tpu.memory_space<hbm>>
      %dma_start3A_849 = arith.constant 0 : i32
      %dma_start3A_850 = tpu.memref_slice %arg4[%select_n3A_823, %dma_start3A_849, %multiple_of3A_842] : memref<50x32x16384xf32, #tpu.memory_space<hbm>> -> memref<1x32x256xf32, #tpu.memory_space<hbm>>
      %dma_start3A_851 = tpu.memref_squeeze %dma_start3A_850 : memref<1x32x256xf32, #tpu.memory_space<hbm>> -> memref<32x256xf32, #tpu.memory_space<hbm>>
      %dma_start3A_852 = arith.constant 0 : i32
      %dma_start3A_853 = arith.constant 0 : i32
      %dma_start3A_854 = tpu.memref_slice %arg12[%dma_start3A_852, %dma_start3A_853] : memref<32x257xf32, #tpu.memory_space<vmem>> -> memref<32x256xf32, #tpu.memory_space<vmem>>
      tpu.enqueue_dma source(%dma_start3A_854 : memref<32x256xf32, #tpu.memory_space<vmem>>) target(%dma_start3A_851 : memref<32x256xf32, #tpu.memory_space<hbm>>) target_semaphore(%arg27 : memref<!tpu.dma_semaphore, #tpu.memory_space<semaphore_mem>>)
      %mul3A_855 = arith.constant 5 : i32
      %mul3A_856 = arith.muli %add3A_608, %mul3A_855 : i32
      %add3A_857 = arith.addi %mul3A_2, %mul3A_856 : i32
      %add3A_858 = arith.constant 3 : i32
      %add3A_859 = arith.addi %add3A_857, %add3A_858 : i32
      %dma_wait3A_860 = arith.constant 0 : i32
      %dma_wait3A_861 = arith.constant 0 : i32
      %dma_wait3A_862 = tpu.memref_slice %arg3[%dma_wait3A_860, %dma_wait3A_861] : memref<4000000x32xf32, #tpu.memory_space<hbm>> -> memref<4000000x32xf32, #tpu.memory_space<hbm>>
      tpu.wait_indirect_dma semaphore(%arg23 : memref<!tpu.dma_semaphore, #tpu.memory_space<semaphore_mem>>) src(%dma_wait3A_862 : memref<4000000x32xf32, #tpu.memory_space<hbm>>) dst(%arg8 : memref<256x32xf32, #tpu.memory_space<vmem>>)
      %gt3A_863 = arith.constant 0 : i32
      %gt3A_864 = arith.cmpi sgt, %add3A_608, %gt3A_863 : i32
      %convert_element_type3A_865 = arith.extui %gt3A_864 : i1 to i32
      %cond3A_866 = arith.constant 0 : i32
      %cond3A_867 = arith.cmpi ne, %convert_element_type3A_865, %cond3A_866 : i32
      scf.if %cond3A_867 {
        %sub3A_1021 = arith.constant 5 : i32
        %sub3A_1022 = arith.subi %add3A_859, %sub3A_1021 : i32
        %jit3A_1023 = arith.constant 64 : i32
        %div3A_1024 = arith.divsi %sub3A_1022, %jit3A_1023 : i32
        %sign3A_1025 = arith.constant 0 : i32
        %sign3A_1026 = arith.cmpi sgt, %sub3A_1022, %sign3A_1025 : i32
        %sign3A_1027 = arith.extui %sign3A_1026 : i1 to i32
        %sign3A_1028 = arith.constant 0 : i32
        %sign3A_1029 = arith.cmpi slt, %sub3A_1022, %sign3A_1028 : i32
        %sign3A_1030 = arith.extui %sign3A_1029 : i1 to i32
        %sign3A_1031 = arith.subi %sign3A_1027, %sign3A_1030 : i32
        %sign3A_1032 = arith.constant 0 : i32
        %sign3A_1033 = arith.cmpi sgt, %jit3A_1023, %sign3A_1032 : i32
        %sign3A_1034 = arith.extui %sign3A_1033 : i1 to i32
        %sign3A_1035 = arith.constant 0 : i32
        %sign3A_1036 = arith.cmpi slt, %jit3A_1023, %sign3A_1035 : i32
        %sign3A_1037 = arith.extui %sign3A_1036 : i1 to i32
        %sign3A_1038 = arith.subi %sign3A_1034, %sign3A_1037 : i32
        %ne3A_1039 = arith.cmpi ne, %sign3A_1031, %sign3A_1038 : i32
        %rem3A_1040 = arith.remsi %sub3A_1022, %jit3A_1023 : i32
        %ne3A_1041 = arith.constant 0 : i32
        %ne3A_1042 = arith.cmpi ne, %rem3A_1040, %ne3A_1041 : i32
        %and3A_1043 = arith.andi %ne3A_1039, %ne3A_1042 : i1
        %sub3A_1044 = arith.constant 1 : i32
        %sub3A_1045 = arith.subi %div3A_1024, %sub3A_1044 : i32
        %select_n3A_1046 = arith.select %and3A_1043, %sub3A_1045, %div3A_1024 : i32
        %jit3A_1047 = arith.constant 64 : i32
        %eq3A_1048 = arith.constant 0 : i32
        %eq3A_1049 = arith.cmpi eq, %jit3A_1047, %eq3A_1048 : i32
        %jit3A_1050 = arith.constant 1 : i32
        %select_n3A_1051 = arith.select %eq3A_1049, %jit3A_1050, %jit3A_1047 : i32
        %rem3A_1052 = arith.remsi %sub3A_1022, %select_n3A_1051 : i32
        %ne3A_1053 = arith.constant 0 : i32
        %ne3A_1054 = arith.cmpi ne, %rem3A_1052, %ne3A_1053 : i32
        %lt3A_1055 = arith.constant 0 : i32
        %lt3A_1056 = arith.cmpi slt, %rem3A_1052, %lt3A_1055 : i32
        %lt3A_1057 = arith.constant 0 : i32
        %lt3A_1058 = arith.cmpi slt, %select_n3A_1051, %lt3A_1057 : i32
        %ne3A_1059 = arith.xori %lt3A_1056, %lt3A_1058 : i1
        %and3A_1060 = arith.andi %ne3A_1059, %ne3A_1054 : i1
        %add3A_1061 = arith.addi %rem3A_1052, %select_n3A_1051 : i32
        %select_n3A_1062 = arith.select %and3A_1060, %add3A_1061, %rem3A_1052 : i32
        %mul3A_1063 = arith.constant 256 : i32
        %mul3A_1064 = arith.muli %select_n3A_1062, %mul3A_1063 : i32
        %multiple_of3A_1065 = tpu.assume_multiple %mul3A_1064, 8 : i32
        %dma_wait3A_1066 = arith.constant 0 : i32
        %dma_wait3A_1067 = arith.constant 0 : i32
        %dma_wait3A_1068 = tpu.memref_slice %arg13[%dma_wait3A_1066, %dma_wait3A_1067] : memref<32x257xf32, #tpu.memory_space<vmem>> -> memref<32x256xf32, #tpu.memory_space<vmem>>
        %dma_wait3A_1069 = arith.constant 0 : i32
        %dma_wait3A_1070 = tpu.memref_slice %arg4[%select_n3A_1046, %dma_wait3A_1069, %multiple_of3A_1065] : memref<50x32x16384xf32, #tpu.memory_space<hbm>> -> memref<1x32x256xf32, #tpu.memory_space<hbm>>
        %dma_wait3A_1071 = tpu.memref_squeeze %dma_wait3A_1070 : memref<1x32x256xf32, #tpu.memory_space<hbm>> -> memref<32x256xf32, #tpu.memory_space<hbm>>
        %dma_wait3A_1072 = arith.constant 0 : i32
        %dma_wait3A_1073 = tpu.memref_slice %arg4[%select_n3A_1046, %dma_wait3A_1072, %multiple_of3A_1065] : memref<50x32x16384xf32, #tpu.memory_space<hbm>> -> memref<1x32x256xf32, #tpu.memory_space<hbm>>
        %dma_wait3A_1074 = tpu.memref_squeeze %dma_wait3A_1073 : memref<1x32x256xf32, #tpu.memory_space<hbm>> -> memref<32x256xf32, #tpu.memory_space<hbm>>
        %dma_wait3A_1075 = arith.constant 0 : i32
        %dma_wait3A_1076 = arith.constant 0 : i32
        %dma_wait3A_1077 = tpu.memref_slice %arg13[%dma_wait3A_1075, %dma_wait3A_1076] : memref<32x257xf32, #tpu.memory_space<vmem>> -> memref<32x256xf32, #tpu.memory_space<vmem>>
        tpu.wait_dma2 semaphore(%arg28 : memref<!tpu.dma_semaphore, #tpu.memory_space<semaphore_mem>>) src(%dma_wait3A_1077 : memref<32x256xf32, #tpu.memory_space<vmem>>) dst(%dma_wait3A_1074 : memref<32x256xf32, #tpu.memory_space<hbm>>)
      } else {
      }
      %lt3A_868 = arith.constant 19 : i32
      %lt3A_869 = arith.cmpi slt, %add3A_608, %lt3A_868 : i32
      %convert_element_type3A_870 = arith.extui %lt3A_869 : i1 to i32
      %cond3A_871 = arith.constant 0 : i32
      %cond3A_872 = arith.cmpi ne, %convert_element_type3A_870, %cond3A_871 : i32
      scf.if %cond3A_872 {
        %add3A_1021 = arith.constant 5 : i32
        %add3A_1022 = arith.addi %add3A_859, %add3A_1021 : i32
        %jit3A_1023 = arith.constant 64 : i32
        %div3A_1024 = arith.divsi %add3A_1022, %jit3A_1023 : i32
        %sign3A_1025 = arith.constant 0 : i32
        %sign3A_1026 = arith.cmpi sgt, %add3A_1022, %sign3A_1025 : i32
        %sign3A_1027 = arith.extui %sign3A_1026 : i1 to i32
        %sign3A_1028 = arith.constant 0 : i32
        %sign3A_1029 = arith.cmpi slt, %add3A_1022, %sign3A_1028 : i32
        %sign3A_1030 = arith.extui %sign3A_1029 : i1 to i32
        %sign3A_1031 = arith.subi %sign3A_1027, %sign3A_1030 : i32
        %sign3A_1032 = arith.constant 0 : i32
        %sign3A_1033 = arith.cmpi sgt, %jit3A_1023, %sign3A_1032 : i32
        %sign3A_1034 = arith.extui %sign3A_1033 : i1 to i32
        %sign3A_1035 = arith.constant 0 : i32
        %sign3A_1036 = arith.cmpi slt, %jit3A_1023, %sign3A_1035 : i32
        %sign3A_1037 = arith.extui %sign3A_1036 : i1 to i32
        %sign3A_1038 = arith.subi %sign3A_1034, %sign3A_1037 : i32
        %ne3A_1039 = arith.cmpi ne, %sign3A_1031, %sign3A_1038 : i32
        %rem3A_1040 = arith.remsi %add3A_1022, %jit3A_1023 : i32
        %ne3A_1041 = arith.constant 0 : i32
        %ne3A_1042 = arith.cmpi ne, %rem3A_1040, %ne3A_1041 : i32
        %and3A_1043 = arith.andi %ne3A_1039, %ne3A_1042 : i1
        %sub3A_1044 = arith.constant 1 : i32
        %sub3A_1045 = arith.subi %div3A_1024, %sub3A_1044 : i32
        %select_n3A_1046 = arith.select %and3A_1043, %sub3A_1045, %div3A_1024 : i32
        %jit3A_1047 = arith.constant 64 : i32
        %eq3A_1048 = arith.constant 0 : i32
        %eq3A_1049 = arith.cmpi eq, %jit3A_1047, %eq3A_1048 : i32
        %jit3A_1050 = arith.constant 1 : i32
        %select_n3A_1051 = arith.select %eq3A_1049, %jit3A_1050, %jit3A_1047 : i32
        %rem3A_1052 = arith.remsi %add3A_1022, %select_n3A_1051 : i32
        %ne3A_1053 = arith.constant 0 : i32
        %ne3A_1054 = arith.cmpi ne, %rem3A_1052, %ne3A_1053 : i32
        %lt3A_1055 = arith.constant 0 : i32
        %lt3A_1056 = arith.cmpi slt, %rem3A_1052, %lt3A_1055 : i32
        %lt3A_1057 = arith.constant 0 : i32
        %lt3A_1058 = arith.cmpi slt, %select_n3A_1051, %lt3A_1057 : i32
        %ne3A_1059 = arith.xori %lt3A_1056, %lt3A_1058 : i1
        %and3A_1060 = arith.andi %ne3A_1059, %ne3A_1054 : i1
        %add3A_1061 = arith.addi %rem3A_1052, %select_n3A_1051 : i32
        %select_n3A_1062 = arith.select %and3A_1060, %add3A_1061, %rem3A_1052 : i32
        %mul3A_1063 = arith.constant 256 : i32
        %mul3A_1064 = arith.muli %select_n3A_1062, %mul3A_1063 : i32
        %multiple_of3A_1065 = tpu.assume_multiple %mul3A_1064, 8 : i32
        %dma_start3A_1066 = tpu.memref_slice %arg2[%select_n3A_1046, %multiple_of3A_1065] : memref<50x16384xi32, #tpu.memory_space<hbm>> -> memref<1x256xi32, #tpu.memory_space<hbm>>
        %dma_start3A_1067 = tpu.memref_squeeze %dma_start3A_1066 : memref<1x256xi32, #tpu.memory_space<hbm>> -> memref<256xi32, #tpu.memory_space<hbm>>
        %dma_start3A_1068 = tpu.memref_slice %arg2[%select_n3A_1046, %multiple_of3A_1065] : memref<50x16384xi32, #tpu.memory_space<hbm>> -> memref<1x256xi32, #tpu.memory_space<hbm>>
        %dma_start3A_1069 = tpu.memref_squeeze %dma_start3A_1068 : memref<1x256xi32, #tpu.memory_space<hbm>> -> memref<256xi32, #tpu.memory_space<hbm>>
        tpu.enqueue_dma source(%dma_start3A_1069 : memref<256xi32, #tpu.memory_space<hbm>>) target(%arg18 : memref<256xi32, #tpu.memory_space<vmem>>) target_semaphore(%arg33 : memref<!tpu.dma_semaphore, #tpu.memory_space<semaphore_mem>>)
      } else {
      }
      %scan3A_873 = arith.constant 0 : i32
      %scan3A_874 = arith.constant 256 : i32
      %scan3A_875 = arith.addi %scan3A_873, %scan3A_874 : i32
      %scan3A_876 = arith.constant 4 : i32
      scf.for %scan3A_1021 = %scan3A_873 to %scan3A_875 step %scan3A_876  : i32 {
        %mul3A_1022 = arith.constant 1 : i32
        %mul3A_1023 = arith.muli %scan3A_1021, %mul3A_1022 : i32
        %add3A_1024 = arith.constant 0 : i32
        %add3A_1025 = arith.addi %add3A_1024, %mul3A_1023 : i32
        %broadcast_in_dim3A = arith.constant 0 : i32
        %broadcast_in_dim3A_1026 = vector.broadcast %broadcast_in_dim3A : i32 to vector<16xi32>
        %add3A_1027 = vector.broadcast %add3A_1025 : i32 to vector<16xi32>
        %add3A_1028 = arith.addi %broadcast_in_dim3A_1026, %add3A_1027 : vector<16xi32>
        %iota3A = tpu.iota {dimensions = array<i32: 0>} : vector<16xi32>
        %add3A_1029 = arith.constant 0 : i32
        %add3A_1030 = vector.broadcast %add3A_1029 : i32 to vector<16xi32>
        %add3A_1031 = arith.addi %iota3A, %add3A_1030 : vector<16xi32>
        %get3A = arith.index_cast %add3A_1025 : i32 to index
        %get3A_1032 = arith.constant 0 : index
        %get3A_1033 = tpu.vector_load %arg8[%get3A, %get3A_1032] {strides = array<i32>} : memref<256x32xf32, #tpu.memory_space<vmem>>, vector<16xf32>,
        %mul3A_1034 = arith.constant 5.65685415 : f32
        %mul3A_1035 = vector.broadcast %mul3A_1034 : f32 to vector<16xf32>
        %mul3A_1036 = arith.mulf %get3A_1033, %mul3A_1035 : vector<16xf32>
        tpu.vector_store_idx %arg13[%add3A_1031, %add3A_1028], %mul3A_1036 : memref<32x257xf32, #tpu.memory_space<vmem>>[vector<16xi32>, vector<16xi32>], vector<16xf32>,
        %iota3A_1037 = tpu.iota {dimensions = array<i32: 0>} : vector<16xi32>
        %add3A_1038 = arith.constant 16 : i32
        %add3A_1039 = vector.broadcast %add3A_1038 : i32 to vector<16xi32>
        %add3A_1040 = arith.addi %iota3A_1037, %add3A_1039 : vector<16xi32>
        %get3A_1041 = arith.index_cast %add3A_1025 : i32 to index
        %get3A_1042 = arith.constant 16 : index
        %get3A_1043 = tpu.vector_load %arg8[%get3A_1041, %get3A_1042] {strides = array<i32>} : memref<256x32xf32, #tpu.memory_space<vmem>>, vector<16xf32>,
        %mul3A_1044 = arith.constant 5.65685415 : f32
        %mul3A_1045 = vector.broadcast %mul3A_1044 : f32 to vector<16xf32>
        %mul3A_1046 = arith.mulf %get3A_1043, %mul3A_1045 : vector<16xf32>
        tpu.vector_store_idx %arg13[%add3A_1040, %add3A_1028], %mul3A_1046 : memref<32x257xf32, #tpu.memory_space<vmem>>[vector<16xi32>, vector<16xi32>], vector<16xf32>,
        %scan3A_1047 = arith.constant 1 : i32
        %scan3A_1048 = arith.addi %scan3A_1021, %scan3A_1047 : i32
        %mul3A_1049 = arith.constant 1 : i32
        %mul3A_1050 = arith.muli %scan3A_1048, %mul3A_1049 : i32
        %add3A_1051 = arith.constant 0 : i32
        %add3A_1052 = arith.addi %add3A_1051, %mul3A_1050 : i32
        %broadcast_in_dim3A_1053 = arith.constant 0 : i32
        %broadcast_in_dim3A_1054 = vector.broadcast %broadcast_in_dim3A_1053 : i32 to vector<16xi32>
        %add3A_1055 = vector.broadcast %add3A_1052 : i32 to vector<16xi32>
        %add3A_1056 = arith.addi %broadcast_in_dim3A_1054, %add3A_1055 : vector<16xi32>
        %iota3A_1057 = tpu.iota {dimensions = array<i32: 0>} : vector<16xi32>
        %add3A_1058 = arith.constant 0 : i32
        %add3A_1059 = vector.broadcast %add3A_1058 : i32 to vector<16xi32>
        %add3A_1060 = arith.addi %iota3A_1057, %add3A_1059 : vector<16xi32>
        %get3A_1061 = arith.index_cast %add3A_1052 : i32 to index
        %get3A_1062 = arith.constant 0 : index
        %get3A_1063 = tpu.vector_load %arg8[%get3A_1061, %get3A_1062] {strides = array<i32>} : memref<256x32xf32, #tpu.memory_space<vmem>>, vector<16xf32>,
        %mul3A_1064 = arith.constant 5.65685415 : f32
        %mul3A_1065 = vector.broadcast %mul3A_1064 : f32 to vector<16xf32>
        %mul3A_1066 = arith.mulf %get3A_1063, %mul3A_1065 : vector<16xf32>
        tpu.vector_store_idx %arg13[%add3A_1060, %add3A_1056], %mul3A_1066 : memref<32x257xf32, #tpu.memory_space<vmem>>[vector<16xi32>, vector<16xi32>], vector<16xf32>,
        %iota3A_1067 = tpu.iota {dimensions = array<i32: 0>} : vector<16xi32>
        %add3A_1068 = arith.constant 16 : i32
        %add3A_1069 = vector.broadcast %add3A_1068 : i32 to vector<16xi32>
        %add3A_1070 = arith.addi %iota3A_1067, %add3A_1069 : vector<16xi32>
        %get3A_1071 = arith.index_cast %add3A_1052 : i32 to index
        %get3A_1072 = arith.constant 16 : index
        %get3A_1073 = tpu.vector_load %arg8[%get3A_1071, %get3A_1072] {strides = array<i32>} : memref<256x32xf32, #tpu.memory_space<vmem>>, vector<16xf32>,
        %mul3A_1074 = arith.constant 5.65685415 : f32
        %mul3A_1075 = vector.broadcast %mul3A_1074 : f32 to vector<16xf32>
        %mul3A_1076 = arith.mulf %get3A_1073, %mul3A_1075 : vector<16xf32>
        tpu.vector_store_idx %arg13[%add3A_1070, %add3A_1056], %mul3A_1076 : memref<32x257xf32, #tpu.memory_space<vmem>>[vector<16xi32>, vector<16xi32>], vector<16xf32>,
        %scan3A_1077 = arith.constant 2 : i32
        %scan3A_1078 = arith.addi %scan3A_1021, %scan3A_1077 : i32
        %mul3A_1079 = arith.constant 1 : i32
        %mul3A_1080 = arith.muli %scan3A_1078, %mul3A_1079 : i32
        %add3A_1081 = arith.constant 0 : i32
        %add3A_1082 = arith.addi %add3A_1081, %mul3A_1080 : i32
        %broadcast_in_dim3A_1083 = arith.constant 0 : i32
        %broadcast_in_dim3A_1084 = vector.broadcast %broadcast_in_dim3A_1083 : i32 to vector<16xi32>
        %add3A_1085 = vector.broadcast %add3A_1082 : i32 to vector<16xi32>
        %add3A_1086 = arith.addi %broadcast_in_dim3A_1084, %add3A_1085 : vector<16xi32>
        %iota3A_1087 = tpu.iota {dimensions = array<i32: 0>} : vector<16xi32>
        %add3A_1088 = arith.constant 0 : i32
        %add3A_1089 = vector.broadcast %add3A_1088 : i32 to vector<16xi32>
        %add3A_1090 = arith.addi %iota3A_1087, %add3A_1089 : vector<16xi32>
        %get3A_1091 = arith.index_cast %add3A_1082 : i32 to index
        %get3A_1092 = arith.constant 0 : index
        %get3A_1093 = tpu.vector_load %arg8[%get3A_1091, %get3A_1092] {strides = array<i32>} : memref<256x32xf32, #tpu.memory_space<vmem>>, vector<16xf32>,
        %mul3A_1094 = arith.constant 5.65685415 : f32
        %mul3A_1095 = vector.broadcast %mul3A_1094 : f32 to vector<16xf32>
        %mul3A_1096 = arith.mulf %get3A_1093, %mul3A_1095 : vector<16xf32>
        tpu.vector_store_idx %arg13[%add3A_1090, %add3A_1086], %mul3A_1096 : memref<32x257xf32, #tpu.memory_space<vmem>>[vector<16xi32>, vector<16xi32>], vector<16xf32>,
        %iota3A_1097 = tpu.iota {dimensions = array<i32: 0>} : vector<16xi32>
        %add3A_1098 = arith.constant 16 : i32
        %add3A_1099 = vector.broadcast %add3A_1098 : i32 to vector<16xi32>
        %add3A_1100 = arith.addi %iota3A_1097, %add3A_1099 : vector<16xi32>
        %get3A_1101 = arith.index_cast %add3A_1082 : i32 to index
        %get3A_1102 = arith.constant 16 : index
        %get3A_1103 = tpu.vector_load %arg8[%get3A_1101, %get3A_1102] {strides = array<i32>} : memref<256x32xf32, #tpu.memory_space<vmem>>, vector<16xf32>,
        %mul3A_1104 = arith.constant 5.65685415 : f32
        %mul3A_1105 = vector.broadcast %mul3A_1104 : f32 to vector<16xf32>
        %mul3A_1106 = arith.mulf %get3A_1103, %mul3A_1105 : vector<16xf32>
        tpu.vector_store_idx %arg13[%add3A_1100, %add3A_1086], %mul3A_1106 : memref<32x257xf32, #tpu.memory_space<vmem>>[vector<16xi32>, vector<16xi32>], vector<16xf32>,
        %scan3A_1107 = arith.constant 3 : i32
        %scan3A_1108 = arith.addi %scan3A_1021, %scan3A_1107 : i32
        %mul3A_1109 = arith.constant 1 : i32
        %mul3A_1110 = arith.muli %scan3A_1108, %mul3A_1109 : i32
        %add3A_1111 = arith.constant 0 : i32
        %add3A_1112 = arith.addi %add3A_1111, %mul3A_1110 : i32
        %broadcast_in_dim3A_1113 = arith.constant 0 : i32
        %broadcast_in_dim3A_1114 = vector.broadcast %broadcast_in_dim3A_1113 : i32 to vector<16xi32>
        %add3A_1115 = vector.broadcast %add3A_1112 : i32 to vector<16xi32>
        %add3A_1116 = arith.addi %broadcast_in_dim3A_1114, %add3A_1115 : vector<16xi32>
        %iota3A_1117 = tpu.iota {dimensions = array<i32: 0>} : vector<16xi32>
        %add3A_1118 = arith.constant 0 : i32
        %add3A_1119 = vector.broadcast %add3A_1118 : i32 to vector<16xi32>
        %add3A_1120 = arith.addi %iota3A_1117, %add3A_1119 : vector<16xi32>
        %get3A_1121 = arith.index_cast %add3A_1112 : i32 to index
        %get3A_1122 = arith.constant 0 : index
        %get3A_1123 = tpu.vector_load %arg8[%get3A_1121, %get3A_1122] {strides = array<i32>} : memref<256x32xf32, #tpu.memory_space<vmem>>, vector<16xf32>,
        %mul3A_1124 = arith.constant 5.65685415 : f32
        %mul3A_1125 = vector.broadcast %mul3A_1124 : f32 to vector<16xf32>
        %mul3A_1126 = arith.mulf %get3A_1123, %mul3A_1125 : vector<16xf32>
        tpu.vector_store_idx %arg13[%add3A_1120, %add3A_1116], %mul3A_1126 : memref<32x257xf32, #tpu.memory_space<vmem>>[vector<16xi32>, vector<16xi32>], vector<16xf32>,
        %iota3A_1127 = tpu.iota {dimensions = array<i32: 0>} : vector<16xi32>
        %add3A_1128 = arith.constant 16 : i32
        %add3A_1129 = vector.broadcast %add3A_1128 : i32 to vector<16xi32>
        %add3A_1130 = arith.addi %iota3A_1127, %add3A_1129 : vector<16xi32>
        %get3A_1131 = arith.index_cast %add3A_1112 : i32 to index
        %get3A_1132 = arith.constant 16 : index
        %get3A_1133 = tpu.vector_load %arg8[%get3A_1131, %get3A_1132] {strides = array<i32>} : memref<256x32xf32, #tpu.memory_space<vmem>>, vector<16xf32>,
        %mul3A_1134 = arith.constant 5.65685415 : f32
        %mul3A_1135 = vector.broadcast %mul3A_1134 : f32 to vector<16xf32>
        %mul3A_1136 = arith.mulf %get3A_1133, %mul3A_1135 : vector<16xf32>
        tpu.vector_store_idx %arg13[%add3A_1130, %add3A_1116], %mul3A_1136 : memref<32x257xf32, #tpu.memory_space<vmem>>[vector<16xi32>, vector<16xi32>], vector<16xf32>,
      }
      %scan3A_877 = arith.constant 256 : i32
      %lt3A_878 = arith.constant 19 : i32
      %lt3A_879 = arith.cmpi slt, %add3A_608, %lt3A_878 : i32
      %convert_element_type3A_880 = arith.extui %lt3A_879 : i1 to i32
      %cond3A_881 = arith.constant 0 : i32
      %cond3A_882 = arith.cmpi ne, %convert_element_type3A_880, %cond3A_881 : i32
      scf.if %cond3A_882 {
        %add3A_1021 = arith.constant 5 : i32
        %add3A_1022 = arith.addi %add3A_859, %add3A_1021 : i32
        %jit3A_1023 = arith.constant 64 : i32
        %div3A_1024 = arith.divsi %add3A_1022, %jit3A_1023 : i32
        %sign3A_1025 = arith.constant 0 : i32
        %sign3A_1026 = arith.cmpi sgt, %add3A_1022, %sign3A_1025 : i32
        %sign3A_1027 = arith.extui %sign3A_1026 : i1 to i32
        %sign3A_1028 = arith.constant 0 : i32
        %sign3A_1029 = arith.cmpi slt, %add3A_1022, %sign3A_1028 : i32
        %sign3A_1030 = arith.extui %sign3A_1029 : i1 to i32
        %sign3A_1031 = arith.subi %sign3A_1027, %sign3A_1030 : i32
        %sign3A_1032 = arith.constant 0 : i32
        %sign3A_1033 = arith.cmpi sgt, %jit3A_1023, %sign3A_1032 : i32
        %sign3A_1034 = arith.extui %sign3A_1033 : i1 to i32
        %sign3A_1035 = arith.constant 0 : i32
        %sign3A_1036 = arith.cmpi slt, %jit3A_1023, %sign3A_1035 : i32
        %sign3A_1037 = arith.extui %sign3A_1036 : i1 to i32
        %sign3A_1038 = arith.subi %sign3A_1034, %sign3A_1037 : i32
        %ne3A_1039 = arith.cmpi ne, %sign3A_1031, %sign3A_1038 : i32
        %rem3A_1040 = arith.remsi %add3A_1022, %jit3A_1023 : i32
        %ne3A_1041 = arith.constant 0 : i32
        %ne3A_1042 = arith.cmpi ne, %rem3A_1040, %ne3A_1041 : i32
        %and3A_1043 = arith.andi %ne3A_1039, %ne3A_1042 : i1
        %sub3A_1044 = arith.constant 1 : i32
        %sub3A_1045 = arith.subi %div3A_1024, %sub3A_1044 : i32
        %select_n3A_1046 = arith.select %and3A_1043, %sub3A_1045, %div3A_1024 : i32
        %jit3A_1047 = arith.constant 64 : i32
        %eq3A_1048 = arith.constant 0 : i32
        %eq3A_1049 = arith.cmpi eq, %jit3A_1047, %eq3A_1048 : i32
        %jit3A_1050 = arith.constant 1 : i32
        %select_n3A_1051 = arith.select %eq3A_1049, %jit3A_1050, %jit3A_1047 : i32
        %rem3A_1052 = arith.remsi %add3A_1022, %select_n3A_1051 : i32
        %ne3A_1053 = arith.constant 0 : i32
        %ne3A_1054 = arith.cmpi ne, %rem3A_1052, %ne3A_1053 : i32
        %lt3A_1055 = arith.constant 0 : i32
        %lt3A_1056 = arith.cmpi slt, %rem3A_1052, %lt3A_1055 : i32
        %lt3A_1057 = arith.constant 0 : i32
        %lt3A_1058 = arith.cmpi slt, %select_n3A_1051, %lt3A_1057 : i32
        %ne3A_1059 = arith.xori %lt3A_1056, %lt3A_1058 : i1
        %and3A_1060 = arith.andi %ne3A_1059, %ne3A_1054 : i1
        %add3A_1061 = arith.addi %rem3A_1052, %select_n3A_1051 : i32
        %select_n3A_1062 = arith.select %and3A_1060, %add3A_1061, %rem3A_1052 : i32
        %mul3A_1063 = arith.constant 256 : i32
        %mul3A_1064 = arith.muli %select_n3A_1062, %mul3A_1063 : i32
        %multiple_of3A_1065 = tpu.assume_multiple %mul3A_1064, 8 : i32
        %dma_wait3A_1066 = tpu.memref_slice %arg2[%select_n3A_1046, %multiple_of3A_1065] : memref<50x16384xi32, #tpu.memory_space<hbm>> -> memref<1x256xi32, #tpu.memory_space<hbm>>
        %dma_wait3A_1067 = tpu.memref_squeeze %dma_wait3A_1066 : memref<1x256xi32, #tpu.memory_space<hbm>> -> memref<256xi32, #tpu.memory_space<hbm>>
        %dma_wait3A_1068 = tpu.memref_slice %arg2[%select_n3A_1046, %multiple_of3A_1065] : memref<50x16384xi32, #tpu.memory_space<hbm>> -> memref<1x256xi32, #tpu.memory_space<hbm>>
        %dma_wait3A_1069 = tpu.memref_squeeze %dma_wait3A_1068 : memref<1x256xi32, #tpu.memory_space<hbm>> -> memref<256xi32, #tpu.memory_space<hbm>>
        tpu.wait_dma2 semaphore(%arg33 : memref<!tpu.dma_semaphore, #tpu.memory_space<semaphore_mem>>) src(%dma_wait3A_1069 : memref<256xi32, #tpu.memory_space<hbm>>) dst(%arg18 : memref<256xi32, #tpu.memory_space<vmem>>)
        %scan3A_1070 = arith.constant 0 : i32
        %scan3A_1071 = arith.constant 16 : i32
        %scan3A_1072 = arith.addi %scan3A_1070, %scan3A_1071 : i32
        %scan3A_1073 = arith.constant 1 : i32
        scf.for %scan3A_1078 = %scan3A_1070 to %scan3A_1072 step %scan3A_1073  : i32 {
          %mul3A_1079 = arith.constant 1 : i32
          %mul3A_1080 = arith.muli %scan3A_1078, %mul3A_1079 : i32
          %add3A_1081 = arith.constant 0 : i32
          %add3A_1082 = arith.addi %add3A_1081, %mul3A_1080 : i32
          %mul3A_1083 = arith.constant 16 : i32
          %mul3A_1084 = arith.muli %add3A_1082, %mul3A_1083 : i32
          %multiple_of3A_1085 = tpu.assume_multiple %mul3A_1084, 8 : i32
          %get3A = arith.index_cast %multiple_of3A_1085 : i32 to index
          %get3A_1086 = tpu.vector_load %arg18[%get3A] {strides = array<i32>} : memref<256xi32, #tpu.memory_space<vmem>>, vector<16xi32>,
          %mul3A_1087 = arith.constant 4 : i32
          %mul3A_1088 = vector.broadcast %mul3A_1087 : i32 to vector<16xi32>
          %mul3A_1089 = arith.muli %get3A_1086, %mul3A_1088 : vector<16xi32>
          %swap3A = arith.index_cast %multiple_of3A_1085 : i32 to index
          %swap3A_1090 = tpu.vector_load %arg18[%swap3A] {strides = array<i32>} : memref<256xi32, #tpu.memory_space<vmem>>, vector<16xi32>,
          tpu.vector_store %arg18[%swap3A], %mul3A_1089 {strides = array<i32>} : memref<256xi32, #tpu.memory_space<vmem>>, vector<16xi32>,
        }
        %scan3A_1074 = arith.constant 16 : i32
        %dma_start3A_1075 = arith.constant 0 : i32
        %dma_start3A_1076 = arith.constant 0 : i32
        %dma_start3A_1077 = tpu.memref_slice %arg3[%dma_start3A_1075, %dma_start3A_1076] : memref<4000000x32xf32, #tpu.memory_space<hbm>> -> memref<4000000x32xf32, #tpu.memory_space<hbm>>
        tpu.enqueue_indirect_dma source(%dma_start3A_1077 : memref<4000000x32xf32, #tpu.memory_space<hbm>>) target(%arg8 : memref<256x32xf32, #tpu.memory_space<vmem>>) offsets(%arg18 : memref<256xi32, #tpu.memory_space<vmem>>) semaphore(%arg23 : memref<!tpu.dma_semaphore, #tpu.memory_space<semaphore_mem>>)
      } else {
      }
      %jit3A_883 = arith.constant 64 : i32
      %div3A_884 = arith.divsi %add3A_859, %jit3A_883 : i32
      %sign3A_885 = arith.constant 0 : i32
      %sign3A_886 = arith.cmpi sgt, %add3A_859, %sign3A_885 : i32
      %sign3A_887 = arith.extui %sign3A_886 : i1 to i32
      %sign3A_888 = arith.constant 0 : i32
      %sign3A_889 = arith.cmpi slt, %add3A_859, %sign3A_888 : i32
      %sign3A_890 = arith.extui %sign3A_889 : i1 to i32
      %sign3A_891 = arith.subi %sign3A_887, %sign3A_890 : i32
      %sign3A_892 = arith.constant 0 : i32
      %sign3A_893 = arith.cmpi sgt, %jit3A_883, %sign3A_892 : i32
      %sign3A_894 = arith.extui %sign3A_893 : i1 to i32
      %sign3A_895 = arith.constant 0 : i32
      %sign3A_896 = arith.cmpi slt, %jit3A_883, %sign3A_895 : i32
      %sign3A_897 = arith.extui %sign3A_896 : i1 to i32
      %sign3A_898 = arith.subi %sign3A_894, %sign3A_897 : i32
      %ne3A_899 = arith.cmpi ne, %sign3A_891, %sign3A_898 : i32
      %rem3A_900 = arith.remsi %add3A_859, %jit3A_883 : i32
      %ne3A_901 = arith.constant 0 : i32
      %ne3A_902 = arith.cmpi ne, %rem3A_900, %ne3A_901 : i32
      %and3A_903 = arith.andi %ne3A_899, %ne3A_902 : i1
      %sub3A_904 = arith.constant 1 : i32
      %sub3A_905 = arith.subi %div3A_884, %sub3A_904 : i32
      %select_n3A_906 = arith.select %and3A_903, %sub3A_905, %div3A_884 : i32
      %jit3A_907 = arith.constant 64 : i32
      %eq3A_908 = arith.constant 0 : i32
      %eq3A_909 = arith.cmpi eq, %jit3A_907, %eq3A_908 : i32
      %jit3A_910 = arith.constant 1 : i32
      %select_n3A_911 = arith.select %eq3A_909, %jit3A_910, %jit3A_907 : i32
      %rem3A_912 = arith.remsi %add3A_859, %select_n3A_911 : i32
      %ne3A_913 = arith.constant 0 : i32
      %ne3A_914 = arith.cmpi ne, %rem3A_912, %ne3A_913 : i32
      %lt3A_915 = arith.constant 0 : i32
      %lt3A_916 = arith.cmpi slt, %rem3A_912, %lt3A_915 : i32
      %lt3A_917 = arith.constant 0 : i32
      %lt3A_918 = arith.cmpi slt, %select_n3A_911, %lt3A_917 : i32
      %ne3A_919 = arith.xori %lt3A_916, %lt3A_918 : i1
      %and3A_920 = arith.andi %ne3A_919, %ne3A_914 : i1
      %add3A_921 = arith.addi %rem3A_912, %select_n3A_911 : i32
      %select_n3A_922 = arith.select %and3A_920, %add3A_921, %rem3A_912 : i32
      %mul3A_923 = arith.constant 256 : i32
      %mul3A_924 = arith.muli %select_n3A_922, %mul3A_923 : i32
      %multiple_of3A_925 = tpu.assume_multiple %mul3A_924, 8 : i32
      %dma_start3A_926 = arith.constant 0 : i32
      %dma_start3A_927 = arith.constant 0 : i32
      %dma_start3A_928 = tpu.memref_slice %arg13[%dma_start3A_926, %dma_start3A_927] : memref<32x257xf32, #tpu.memory_space<vmem>> -> memref<32x256xf32, #tpu.memory_space<vmem>>
      %dma_start3A_929 = arith.constant 0 : i32
      %dma_start3A_930 = tpu.memref_slice %arg4[%select_n3A_906, %dma_start3A_929, %multiple_of3A_925] : memref<50x32x16384xf32, #tpu.memory_space<hbm>> -> memref<1x32x256xf32, #tpu.memory_space<hbm>>
      %dma_start3A_931 = tpu.memref_squeeze %dma_start3A_930 : memref<1x32x256xf32, #tpu.memory_space<hbm>> -> memref<32x256xf32, #tpu.memory_space<hbm>>
      %dma_start3A_932 = arith.constant 0 : i32
      %dma_start3A_933 = tpu.memref_slice %arg4[%select_n3A_906, %dma_start3A_932, %multiple_of3A_925] : memref<50x32x16384xf32, #tpu.memory_space<hbm>> -> memref<1x32x256xf32, #tpu.memory_space<hbm>>
      %dma_start3A_934 = tpu.memref_squeeze %dma_start3A_933 : memref<1x32x256xf32, #tpu.memory_space<hbm>> -> memref<32x256xf32, #tpu.memory_space<hbm>>
      %dma_start3A_935 = arith.constant 0 : i32
      %dma_start3A_936 = arith.constant 0 : i32
      %dma_start3A_937 = tpu.memref_slice %arg13[%dma_start3A_935, %dma_start3A_936] : memref<32x257xf32, #tpu.memory_space<vmem>> -> memref<32x256xf32, #tpu.memory_space<vmem>>
      tpu.enqueue_dma source(%dma_start3A_937 : memref<32x256xf32, #tpu.memory_space<vmem>>) target(%dma_start3A_934 : memref<32x256xf32, #tpu.memory_space<hbm>>) target_semaphore(%arg28 : memref<!tpu.dma_semaphore, #tpu.memory_space<semaphore_mem>>)
      %mul3A_938 = arith.constant 5 : i32
      %mul3A_939 = arith.muli %add3A_608, %mul3A_938 : i32
      %add3A_940 = arith.addi %mul3A_2, %mul3A_939 : i32
      %add3A_941 = arith.constant 4 : i32
      %add3A_942 = arith.addi %add3A_940, %add3A_941 : i32
      %dma_wait3A_943 = arith.constant 0 : i32
      %dma_wait3A_944 = arith.constant 0 : i32
      %dma_wait3A_945 = tpu.memref_slice %arg3[%dma_wait3A_943, %dma_wait3A_944] : memref<4000000x32xf32, #tpu.memory_space<hbm>> -> memref<4000000x32xf32, #tpu.memory_space<hbm>>
      tpu.wait_indirect_dma semaphore(%arg24 : memref<!tpu.dma_semaphore, #tpu.memory_space<semaphore_mem>>) src(%dma_wait3A_945 : memref<4000000x32xf32, #tpu.memory_space<hbm>>) dst(%arg9 : memref<256x32xf32, #tpu.memory_space<vmem>>)
      %gt3A_946 = arith.constant 0 : i32
      %gt3A_947 = arith.cmpi sgt, %add3A_608, %gt3A_946 : i32
      %convert_element_type3A_948 = arith.extui %gt3A_947 : i1 to i32
      %cond3A_949 = arith.constant 0 : i32
      %cond3A_950 = arith.cmpi ne, %convert_element_type3A_948, %cond3A_949 : i32
      scf.if %cond3A_950 {
        %sub3A_1021 = arith.constant 5 : i32
        %sub3A_1022 = arith.subi %add3A_942, %sub3A_1021 : i32
        %jit3A_1023 = arith.constant 64 : i32
        %div3A_1024 = arith.divsi %sub3A_1022, %jit3A_1023 : i32
        %sign3A_1025 = arith.constant 0 : i32
        %sign3A_1026 = arith.cmpi sgt, %sub3A_1022, %sign3A_1025 : i32
        %sign3A_1027 = arith.extui %sign3A_1026 : i1 to i32
        %sign3A_1028 = arith.constant 0 : i32
        %sign3A_1029 = arith.cmpi slt, %sub3A_1022, %sign3A_1028 : i32
        %sign3A_1030 = arith.extui %sign3A_1029 : i1 to i32
        %sign3A_1031 = arith.subi %sign3A_1027, %sign3A_1030 : i32
        %sign3A_1032 = arith.constant 0 : i32
        %sign3A_1033 = arith.cmpi sgt, %jit3A_1023, %sign3A_1032 : i32
        %sign3A_1034 = arith.extui %sign3A_1033 : i1 to i32
        %sign3A_1035 = arith.constant 0 : i32
        %sign3A_1036 = arith.cmpi slt, %jit3A_1023, %sign3A_1035 : i32
        %sign3A_1037 = arith.extui %sign3A_1036 : i1 to i32
        %sign3A_1038 = arith.subi %sign3A_1034, %sign3A_1037 : i32
        %ne3A_1039 = arith.cmpi ne, %sign3A_1031, %sign3A_1038 : i32
        %rem3A_1040 = arith.remsi %sub3A_1022, %jit3A_1023 : i32
        %ne3A_1041 = arith.constant 0 : i32
        %ne3A_1042 = arith.cmpi ne, %rem3A_1040, %ne3A_1041 : i32
        %and3A_1043 = arith.andi %ne3A_1039, %ne3A_1042 : i1
        %sub3A_1044 = arith.constant 1 : i32
        %sub3A_1045 = arith.subi %div3A_1024, %sub3A_1044 : i32
        %select_n3A_1046 = arith.select %and3A_1043, %sub3A_1045, %div3A_1024 : i32
        %jit3A_1047 = arith.constant 64 : i32
        %eq3A_1048 = arith.constant 0 : i32
        %eq3A_1049 = arith.cmpi eq, %jit3A_1047, %eq3A_1048 : i32
        %jit3A_1050 = arith.constant 1 : i32
        %select_n3A_1051 = arith.select %eq3A_1049, %jit3A_1050, %jit3A_1047 : i32
        %rem3A_1052 = arith.remsi %sub3A_1022, %select_n3A_1051 : i32
        %ne3A_1053 = arith.constant 0 : i32
        %ne3A_1054 = arith.cmpi ne, %rem3A_1052, %ne3A_1053 : i32
        %lt3A_1055 = arith.constant 0 : i32
        %lt3A_1056 = arith.cmpi slt, %rem3A_1052, %lt3A_1055 : i32
        %lt3A_1057 = arith.constant 0 : i32
        %lt3A_1058 = arith.cmpi slt, %select_n3A_1051, %lt3A_1057 : i32
        %ne3A_1059 = arith.xori %lt3A_1056, %lt3A_1058 : i1
        %and3A_1060 = arith.andi %ne3A_1059, %ne3A_1054 : i1
        %add3A_1061 = arith.addi %rem3A_1052, %select_n3A_1051 : i32
        %select_n3A_1062 = arith.select %and3A_1060, %add3A_1061, %rem3A_1052 : i32
        %mul3A_1063 = arith.constant 256 : i32
        %mul3A_1064 = arith.muli %select_n3A_1062, %mul3A_1063 : i32
        %multiple_of3A_1065 = tpu.assume_multiple %mul3A_1064, 8 : i32
        %dma_wait3A_1066 = arith.constant 0 : i32
        %dma_wait3A_1067 = arith.constant 0 : i32
        %dma_wait3A_1068 = tpu.memref_slice %arg14[%dma_wait3A_1066, %dma_wait3A_1067] : memref<32x257xf32, #tpu.memory_space<vmem>> -> memref<32x256xf32, #tpu.memory_space<vmem>>
        %dma_wait3A_1069 = arith.constant 0 : i32
        %dma_wait3A_1070 = tpu.memref_slice %arg4[%select_n3A_1046, %dma_wait3A_1069, %multiple_of3A_1065] : memref<50x32x16384xf32, #tpu.memory_space<hbm>> -> memref<1x32x256xf32, #tpu.memory_space<hbm>>
        %dma_wait3A_1071 = tpu.memref_squeeze %dma_wait3A_1070 : memref<1x32x256xf32, #tpu.memory_space<hbm>> -> memref<32x256xf32, #tpu.memory_space<hbm>>
        %dma_wait3A_1072 = arith.constant 0 : i32
        %dma_wait3A_1073 = tpu.memref_slice %arg4[%select_n3A_1046, %dma_wait3A_1072, %multiple_of3A_1065] : memref<50x32x16384xf32, #tpu.memory_space<hbm>> -> memref<1x32x256xf32, #tpu.memory_space<hbm>>
        %dma_wait3A_1074 = tpu.memref_squeeze %dma_wait3A_1073 : memref<1x32x256xf32, #tpu.memory_space<hbm>> -> memref<32x256xf32, #tpu.memory_space<hbm>>
        %dma_wait3A_1075 = arith.constant 0 : i32
        %dma_wait3A_1076 = arith.constant 0 : i32
        %dma_wait3A_1077 = tpu.memref_slice %arg14[%dma_wait3A_1075, %dma_wait3A_1076] : memref<32x257xf32, #tpu.memory_space<vmem>> -> memref<32x256xf32, #tpu.memory_space<vmem>>
        tpu.wait_dma2 semaphore(%arg29 : memref<!tpu.dma_semaphore, #tpu.memory_space<semaphore_mem>>) src(%dma_wait3A_1077 : memref<32x256xf32, #tpu.memory_space<vmem>>) dst(%dma_wait3A_1074 : memref<32x256xf32, #tpu.memory_space<hbm>>)
      } else {
      }
      %lt3A_951 = arith.constant 19 : i32
      %lt3A_952 = arith.cmpi slt, %add3A_608, %lt3A_951 : i32
      %convert_element_type3A_953 = arith.extui %lt3A_952 : i1 to i32
      %cond3A_954 = arith.constant 0 : i32
      %cond3A_955 = arith.cmpi ne, %convert_element_type3A_953, %cond3A_954 : i32
      scf.if %cond3A_955 {
        %add3A_1021 = arith.constant 5 : i32
        %add3A_1022 = arith.addi %add3A_942, %add3A_1021 : i32
        %jit3A_1023 = arith.constant 64 : i32
        %div3A_1024 = arith.divsi %add3A_1022, %jit3A_1023 : i32
        %sign3A_1025 = arith.constant 0 : i32
        %sign3A_1026 = arith.cmpi sgt, %add3A_1022, %sign3A_1025 : i32
        %sign3A_1027 = arith.extui %sign3A_1026 : i1 to i32
        %sign3A_1028 = arith.constant 0 : i32
        %sign3A_1029 = arith.cmpi slt, %add3A_1022, %sign3A_1028 : i32
        %sign3A_1030 = arith.extui %sign3A_1029 : i1 to i32
        %sign3A_1031 = arith.subi %sign3A_1027, %sign3A_1030 : i32
        %sign3A_1032 = arith.constant 0 : i32
        %sign3A_1033 = arith.cmpi sgt, %jit3A_1023, %sign3A_1032 : i32
        %sign3A_1034 = arith.extui %sign3A_1033 : i1 to i32
        %sign3A_1035 = arith.constant 0 : i32
        %sign3A_1036 = arith.cmpi slt, %jit3A_1023, %sign3A_1035 : i32
        %sign3A_1037 = arith.extui %sign3A_1036 : i1 to i32
        %sign3A_1038 = arith.subi %sign3A_1034, %sign3A_1037 : i32
        %ne3A_1039 = arith.cmpi ne, %sign3A_1031, %sign3A_1038 : i32
        %rem3A_1040 = arith.remsi %add3A_1022, %jit3A_1023 : i32
        %ne3A_1041 = arith.constant 0 : i32
        %ne3A_1042 = arith.cmpi ne, %rem3A_1040, %ne3A_1041 : i32
        %and3A_1043 = arith.andi %ne3A_1039, %ne3A_1042 : i1
        %sub3A_1044 = arith.constant 1 : i32
        %sub3A_1045 = arith.subi %div3A_1024, %sub3A_1044 : i32
        %select_n3A_1046 = arith.select %and3A_1043, %sub3A_1045, %div3A_1024 : i32
        %jit3A_1047 = arith.constant 64 : i32
        %eq3A_1048 = arith.constant 0 : i32
        %eq3A_1049 = arith.cmpi eq, %jit3A_1047, %eq3A_1048 : i32
        %jit3A_1050 = arith.constant 1 : i32
        %select_n3A_1051 = arith.select %eq3A_1049, %jit3A_1050, %jit3A_1047 : i32
        %rem3A_1052 = arith.remsi %add3A_1022, %select_n3A_1051 : i32
        %ne3A_1053 = arith.constant 0 : i32
        %ne3A_1054 = arith.cmpi ne, %rem3A_1052, %ne3A_1053 : i32
        %lt3A_1055 = arith.constant 0 : i32
        %lt3A_1056 = arith.cmpi slt, %rem3A_1052, %lt3A_1055 : i32
        %lt3A_1057 = arith.constant 0 : i32
        %lt3A_1058 = arith.cmpi slt, %select_n3A_1051, %lt3A_1057 : i32
        %ne3A_1059 = arith.xori %lt3A_1056, %lt3A_1058 : i1
        %and3A_1060 = arith.andi %ne3A_1059, %ne3A_1054 : i1
        %add3A_1061 = arith.addi %rem3A_1052, %select_n3A_1051 : i32
        %select_n3A_1062 = arith.select %and3A_1060, %add3A_1061, %rem3A_1052 : i32
        %mul3A_1063 = arith.constant 256 : i32
        %mul3A_1064 = arith.muli %select_n3A_1062, %mul3A_1063 : i32
        %multiple_of3A_1065 = tpu.assume_multiple %mul3A_1064, 8 : i32
        %dma_start3A_1066 = tpu.memref_slice %arg2[%select_n3A_1046, %multiple_of3A_1065] : memref<50x16384xi32, #tpu.memory_space<hbm>> -> memref<1x256xi32, #tpu.memory_space<hbm>>
        %dma_start3A_1067 = tpu.memref_squeeze %dma_start3A_1066 : memref<1x256xi32, #tpu.memory_space<hbm>> -> memref<256xi32, #tpu.memory_space<hbm>>
        %dma_start3A_1068 = tpu.memref_slice %arg2[%select_n3A_1046, %multiple_of3A_1065] : memref<50x16384xi32, #tpu.memory_space<hbm>> -> memref<1x256xi32, #tpu.memory_space<hbm>>
        %dma_start3A_1069 = tpu.memref_squeeze %dma_start3A_1068 : memref<1x256xi32, #tpu.memory_space<hbm>> -> memref<256xi32, #tpu.memory_space<hbm>>
        tpu.enqueue_dma source(%dma_start3A_1069 : memref<256xi32, #tpu.memory_space<hbm>>) target(%arg19 : memref<256xi32, #tpu.memory_space<vmem>>) target_semaphore(%arg34 : memref<!tpu.dma_semaphore, #tpu.memory_space<semaphore_mem>>)
      } else {
      }
      %scan3A_956 = arith.constant 0 : i32
      %scan3A_957 = arith.constant 256 : i32
      %scan3A_958 = arith.addi %scan3A_956, %scan3A_957 : i32
      %scan3A_959 = arith.constant 4 : i32
      scf.for %scan3A_1021 = %scan3A_956 to %scan3A_958 step %scan3A_959  : i32 {
        %mul3A_1022 = arith.constant 1 : i32
        %mul3A_1023 = arith.muli %scan3A_1021, %mul3A_1022 : i32
        %add3A_1024 = arith.constant 0 : i32
        %add3A_1025 = arith.addi %add3A_1024, %mul3A_1023 : i32
        %broadcast_in_dim3A = arith.constant 0 : i32
        %broadcast_in_dim3A_1026 = vector.broadcast %broadcast_in_dim3A : i32 to vector<16xi32>
        %add3A_1027 = vector.broadcast %add3A_1025 : i32 to vector<16xi32>
        %add3A_1028 = arith.addi %broadcast_in_dim3A_1026, %add3A_1027 : vector<16xi32>
        %iota3A = tpu.iota {dimensions = array<i32: 0>} : vector<16xi32>
        %add3A_1029 = arith.constant 0 : i32
        %add3A_1030 = vector.broadcast %add3A_1029 : i32 to vector<16xi32>
        %add3A_1031 = arith.addi %iota3A, %add3A_1030 : vector<16xi32>
        %get3A = arith.index_cast %add3A_1025 : i32 to index
        %get3A_1032 = arith.constant 0 : index
        %get3A_1033 = tpu.vector_load %arg9[%get3A, %get3A_1032] {strides = array<i32>} : memref<256x32xf32, #tpu.memory_space<vmem>>, vector<16xf32>,
        %mul3A_1034 = arith.constant 5.65685415 : f32
        %mul3A_1035 = vector.broadcast %mul3A_1034 : f32 to vector<16xf32>
        %mul3A_1036 = arith.mulf %get3A_1033, %mul3A_1035 : vector<16xf32>
        tpu.vector_store_idx %arg14[%add3A_1031, %add3A_1028], %mul3A_1036 : memref<32x257xf32, #tpu.memory_space<vmem>>[vector<16xi32>, vector<16xi32>], vector<16xf32>,
        %iota3A_1037 = tpu.iota {dimensions = array<i32: 0>} : vector<16xi32>
        %add3A_1038 = arith.constant 16 : i32
        %add3A_1039 = vector.broadcast %add3A_1038 : i32 to vector<16xi32>
        %add3A_1040 = arith.addi %iota3A_1037, %add3A_1039 : vector<16xi32>
        %get3A_1041 = arith.index_cast %add3A_1025 : i32 to index
        %get3A_1042 = arith.constant 16 : index
        %get3A_1043 = tpu.vector_load %arg9[%get3A_1041, %get3A_1042] {strides = array<i32>} : memref<256x32xf32, #tpu.memory_space<vmem>>, vector<16xf32>,
        %mul3A_1044 = arith.constant 5.65685415 : f32
        %mul3A_1045 = vector.broadcast %mul3A_1044 : f32 to vector<16xf32>
        %mul3A_1046 = arith.mulf %get3A_1043, %mul3A_1045 : vector<16xf32>
        tpu.vector_store_idx %arg14[%add3A_1040, %add3A_1028], %mul3A_1046 : memref<32x257xf32, #tpu.memory_space<vmem>>[vector<16xi32>, vector<16xi32>], vector<16xf32>,
        %scan3A_1047 = arith.constant 1 : i32
        %scan3A_1048 = arith.addi %scan3A_1021, %scan3A_1047 : i32
        %mul3A_1049 = arith.constant 1 : i32
        %mul3A_1050 = arith.muli %scan3A_1048, %mul3A_1049 : i32
        %add3A_1051 = arith.constant 0 : i32
        %add3A_1052 = arith.addi %add3A_1051, %mul3A_1050 : i32
        %broadcast_in_dim3A_1053 = arith.constant 0 : i32
        %broadcast_in_dim3A_1054 = vector.broadcast %broadcast_in_dim3A_1053 : i32 to vector<16xi32>
        %add3A_1055 = vector.broadcast %add3A_1052 : i32 to vector<16xi32>
        %add3A_1056 = arith.addi %broadcast_in_dim3A_1054, %add3A_1055 : vector<16xi32>
        %iota3A_1057 = tpu.iota {dimensions = array<i32: 0>} : vector<16xi32>
        %add3A_1058 = arith.constant 0 : i32
        %add3A_1059 = vector.broadcast %add3A_1058 : i32 to vector<16xi32>
        %add3A_1060 = arith.addi %iota3A_1057, %add3A_1059 : vector<16xi32>
        %get3A_1061 = arith.index_cast %add3A_1052 : i32 to index
        %get3A_1062 = arith.constant 0 : index
        %get3A_1063 = tpu.vector_load %arg9[%get3A_1061, %get3A_1062] {strides = array<i32>} : memref<256x32xf32, #tpu.memory_space<vmem>>, vector<16xf32>,
        %mul3A_1064 = arith.constant 5.65685415 : f32
        %mul3A_1065 = vector.broadcast %mul3A_1064 : f32 to vector<16xf32>
        %mul3A_1066 = arith.mulf %get3A_1063, %mul3A_1065 : vector<16xf32>
        tpu.vector_store_idx %arg14[%add3A_1060, %add3A_1056], %mul3A_1066 : memref<32x257xf32, #tpu.memory_space<vmem>>[vector<16xi32>, vector<16xi32>], vector<16xf32>,
        %iota3A_1067 = tpu.iota {dimensions = array<i32: 0>} : vector<16xi32>
        %add3A_1068 = arith.constant 16 : i32
        %add3A_1069 = vector.broadcast %add3A_1068 : i32 to vector<16xi32>
        %add3A_1070 = arith.addi %iota3A_1067, %add3A_1069 : vector<16xi32>
        %get3A_1071 = arith.index_cast %add3A_1052 : i32 to index
        %get3A_1072 = arith.constant 16 : index
        %get3A_1073 = tpu.vector_load %arg9[%get3A_1071, %get3A_1072] {strides = array<i32>} : memref<256x32xf32, #tpu.memory_space<vmem>>, vector<16xf32>,
        %mul3A_1074 = arith.constant 5.65685415 : f32
        %mul3A_1075 = vector.broadcast %mul3A_1074 : f32 to vector<16xf32>
        %mul3A_1076 = arith.mulf %get3A_1073, %mul3A_1075 : vector<16xf32>
        tpu.vector_store_idx %arg14[%add3A_1070, %add3A_1056], %mul3A_1076 : memref<32x257xf32, #tpu.memory_space<vmem>>[vector<16xi32>, vector<16xi32>], vector<16xf32>,
        %scan3A_1077 = arith.constant 2 : i32
        %scan3A_1078 = arith.addi %scan3A_1021, %scan3A_1077 : i32
        %mul3A_1079 = arith.constant 1 : i32
        %mul3A_1080 = arith.muli %scan3A_1078, %mul3A_1079 : i32
        %add3A_1081 = arith.constant 0 : i32
        %add3A_1082 = arith.addi %add3A_1081, %mul3A_1080 : i32
        %broadcast_in_dim3A_1083 = arith.constant 0 : i32
        %broadcast_in_dim3A_1084 = vector.broadcast %broadcast_in_dim3A_1083 : i32 to vector<16xi32>
        %add3A_1085 = vector.broadcast %add3A_1082 : i32 to vector<16xi32>
        %add3A_1086 = arith.addi %broadcast_in_dim3A_1084, %add3A_1085 : vector<16xi32>
        %iota3A_1087 = tpu.iota {dimensions = array<i32: 0>} : vector<16xi32>
        %add3A_1088 = arith.constant 0 : i32
        %add3A_1089 = vector.broadcast %add3A_1088 : i32 to vector<16xi32>
        %add3A_1090 = arith.addi %iota3A_1087, %add3A_1089 : vector<16xi32>
        %get3A_1091 = arith.index_cast %add3A_1082 : i32 to index
        %get3A_1092 = arith.constant 0 : index
        %get3A_1093 = tpu.vector_load %arg9[%get3A_1091, %get3A_1092] {strides = array<i32>} : memref<256x32xf32, #tpu.memory_space<vmem>>, vector<16xf32>,
        %mul3A_1094 = arith.constant 5.65685415 : f32
        %mul3A_1095 = vector.broadcast %mul3A_1094 : f32 to vector<16xf32>
        %mul3A_1096 = arith.mulf %get3A_1093, %mul3A_1095 : vector<16xf32>
        tpu.vector_store_idx %arg14[%add3A_1090, %add3A_1086], %mul3A_1096 : memref<32x257xf32, #tpu.memory_space<vmem>>[vector<16xi32>, vector<16xi32>], vector<16xf32>,
        %iota3A_1097 = tpu.iota {dimensions = array<i32: 0>} : vector<16xi32>
        %add3A_1098 = arith.constant 16 : i32
        %add3A_1099 = vector.broadcast %add3A_1098 : i32 to vector<16xi32>
        %add3A_1100 = arith.addi %iota3A_1097, %add3A_1099 : vector<16xi32>
        %get3A_1101 = arith.index_cast %add3A_1082 : i32 to index
        %get3A_1102 = arith.constant 16 : index
        %get3A_1103 = tpu.vector_load %arg9[%get3A_1101, %get3A_1102] {strides = array<i32>} : memref<256x32xf32, #tpu.memory_space<vmem>>, vector<16xf32>,
        %mul3A_1104 = arith.constant 5.65685415 : f32
        %mul3A_1105 = vector.broadcast %mul3A_1104 : f32 to vector<16xf32>
        %mul3A_1106 = arith.mulf %get3A_1103, %mul3A_1105 : vector<16xf32>
        tpu.vector_store_idx %arg14[%add3A_1100, %add3A_1086], %mul3A_1106 : memref<32x257xf32, #tpu.memory_space<vmem>>[vector<16xi32>, vector<16xi32>], vector<16xf32>,
        %scan3A_1107 = arith.constant 3 : i32
        %scan3A_1108 = arith.addi %scan3A_1021, %scan3A_1107 : i32
        %mul3A_1109 = arith.constant 1 : i32
        %mul3A_1110 = arith.muli %scan3A_1108, %mul3A_1109 : i32
        %add3A_1111 = arith.constant 0 : i32
        %add3A_1112 = arith.addi %add3A_1111, %mul3A_1110 : i32
        %broadcast_in_dim3A_1113 = arith.constant 0 : i32
        %broadcast_in_dim3A_1114 = vector.broadcast %broadcast_in_dim3A_1113 : i32 to vector<16xi32>
        %add3A_1115 = vector.broadcast %add3A_1112 : i32 to vector<16xi32>
        %add3A_1116 = arith.addi %broadcast_in_dim3A_1114, %add3A_1115 : vector<16xi32>
        %iota3A_1117 = tpu.iota {dimensions = array<i32: 0>} : vector<16xi32>
        %add3A_1118 = arith.constant 0 : i32
        %add3A_1119 = vector.broadcast %add3A_1118 : i32 to vector<16xi32>
        %add3A_1120 = arith.addi %iota3A_1117, %add3A_1119 : vector<16xi32>
        %get3A_1121 = arith.index_cast %add3A_1112 : i32 to index
        %get3A_1122 = arith.constant 0 : index
        %get3A_1123 = tpu.vector_load %arg9[%get3A_1121, %get3A_1122] {strides = array<i32>} : memref<256x32xf32, #tpu.memory_space<vmem>>, vector<16xf32>,
        %mul3A_1124 = arith.constant 5.65685415 : f32
        %mul3A_1125 = vector.broadcast %mul3A_1124 : f32 to vector<16xf32>
        %mul3A_1126 = arith.mulf %get3A_1123, %mul3A_1125 : vector<16xf32>
        tpu.vector_store_idx %arg14[%add3A_1120, %add3A_1116], %mul3A_1126 : memref<32x257xf32, #tpu.memory_space<vmem>>[vector<16xi32>, vector<16xi32>], vector<16xf32>,
        %iota3A_1127 = tpu.iota {dimensions = array<i32: 0>} : vector<16xi32>
        %add3A_1128 = arith.constant 16 : i32
        %add3A_1129 = vector.broadcast %add3A_1128 : i32 to vector<16xi32>
        %add3A_1130 = arith.addi %iota3A_1127, %add3A_1129 : vector<16xi32>
        %get3A_1131 = arith.index_cast %add3A_1112 : i32 to index
        %get3A_1132 = arith.constant 16 : index
        %get3A_1133 = tpu.vector_load %arg9[%get3A_1131, %get3A_1132] {strides = array<i32>} : memref<256x32xf32, #tpu.memory_space<vmem>>, vector<16xf32>,
        %mul3A_1134 = arith.constant 5.65685415 : f32
        %mul3A_1135 = vector.broadcast %mul3A_1134 : f32 to vector<16xf32>
        %mul3A_1136 = arith.mulf %get3A_1133, %mul3A_1135 : vector<16xf32>
        tpu.vector_store_idx %arg14[%add3A_1130, %add3A_1116], %mul3A_1136 : memref<32x257xf32, #tpu.memory_space<vmem>>[vector<16xi32>, vector<16xi32>], vector<16xf32>,
      }
      %scan3A_960 = arith.constant 256 : i32
      %lt3A_961 = arith.constant 19 : i32
      %lt3A_962 = arith.cmpi slt, %add3A_608, %lt3A_961 : i32
      %convert_element_type3A_963 = arith.extui %lt3A_962 : i1 to i32
      %cond3A_964 = arith.constant 0 : i32
      %cond3A_965 = arith.cmpi ne, %convert_element_type3A_963, %cond3A_964 : i32
      scf.if %cond3A_965 {
        %add3A_1021 = arith.constant 5 : i32
        %add3A_1022 = arith.addi %add3A_942, %add3A_1021 : i32
        %jit3A_1023 = arith.constant 64 : i32
        %div3A_1024 = arith.divsi %add3A_1022, %jit3A_1023 : i32
        %sign3A_1025 = arith.constant 0 : i32
        %sign3A_1026 = arith.cmpi sgt, %add3A_1022, %sign3A_1025 : i32
        %sign3A_1027 = arith.extui %sign3A_1026 : i1 to i32
        %sign3A_1028 = arith.constant 0 : i32
        %sign3A_1029 = arith.cmpi slt, %add3A_1022, %sign3A_1028 : i32
        %sign3A_1030 = arith.extui %sign3A_1029 : i1 to i32
        %sign3A_1031 = arith.subi %sign3A_1027, %sign3A_1030 : i32
        %sign3A_1032 = arith.constant 0 : i32
        %sign3A_1033 = arith.cmpi sgt, %jit3A_1023, %sign3A_1032 : i32
        %sign3A_1034 = arith.extui %sign3A_1033 : i1 to i32
        %sign3A_1035 = arith.constant 0 : i32
        %sign3A_1036 = arith.cmpi slt, %jit3A_1023, %sign3A_1035 : i32
        %sign3A_1037 = arith.extui %sign3A_1036 : i1 to i32
        %sign3A_1038 = arith.subi %sign3A_1034, %sign3A_1037 : i32
        %ne3A_1039 = arith.cmpi ne, %sign3A_1031, %sign3A_1038 : i32
        %rem3A_1040 = arith.remsi %add3A_1022, %jit3A_1023 : i32
        %ne3A_1041 = arith.constant 0 : i32
        %ne3A_1042 = arith.cmpi ne, %rem3A_1040, %ne3A_1041 : i32
        %and3A_1043 = arith.andi %ne3A_1039, %ne3A_1042 : i1
        %sub3A_1044 = arith.constant 1 : i32
        %sub3A_1045 = arith.subi %div3A_1024, %sub3A_1044 : i32
        %select_n3A_1046 = arith.select %and3A_1043, %sub3A_1045, %div3A_1024 : i32
        %jit3A_1047 = arith.constant 64 : i32
        %eq3A_1048 = arith.constant 0 : i32
        %eq3A_1049 = arith.cmpi eq, %jit3A_1047, %eq3A_1048 : i32
        %jit3A_1050 = arith.constant 1 : i32
        %select_n3A_1051 = arith.select %eq3A_1049, %jit3A_1050, %jit3A_1047 : i32
        %rem3A_1052 = arith.remsi %add3A_1022, %select_n3A_1051 : i32
        %ne3A_1053 = arith.constant 0 : i32
        %ne3A_1054 = arith.cmpi ne, %rem3A_1052, %ne3A_1053 : i32
        %lt3A_1055 = arith.constant 0 : i32
        %lt3A_1056 = arith.cmpi slt, %rem3A_1052, %lt3A_1055 : i32
        %lt3A_1057 = arith.constant 0 : i32
        %lt3A_1058 = arith.cmpi slt, %select_n3A_1051, %lt3A_1057 : i32
        %ne3A_1059 = arith.xori %lt3A_1056, %lt3A_1058 : i1
        %and3A_1060 = arith.andi %ne3A_1059, %ne3A_1054 : i1
        %add3A_1061 = arith.addi %rem3A_1052, %select_n3A_1051 : i32
        %select_n3A_1062 = arith.select %and3A_1060, %add3A_1061, %rem3A_1052 : i32
        %mul3A_1063 = arith.constant 256 : i32
        %mul3A_1064 = arith.muli %select_n3A_1062, %mul3A_1063 : i32
        %multiple_of3A_1065 = tpu.assume_multiple %mul3A_1064, 8 : i32
        %dma_wait3A_1066 = tpu.memref_slice %arg2[%select_n3A_1046, %multiple_of3A_1065] : memref<50x16384xi32, #tpu.memory_space<hbm>> -> memref<1x256xi32, #tpu.memory_space<hbm>>
        %dma_wait3A_1067 = tpu.memref_squeeze %dma_wait3A_1066 : memref<1x256xi32, #tpu.memory_space<hbm>> -> memref<256xi32, #tpu.memory_space<hbm>>
        %dma_wait3A_1068 = tpu.memref_slice %arg2[%select_n3A_1046, %multiple_of3A_1065] : memref<50x16384xi32, #tpu.memory_space<hbm>> -> memref<1x256xi32, #tpu.memory_space<hbm>>
        %dma_wait3A_1069 = tpu.memref_squeeze %dma_wait3A_1068 : memref<1x256xi32, #tpu.memory_space<hbm>> -> memref<256xi32, #tpu.memory_space<hbm>>
        tpu.wait_dma2 semaphore(%arg34 : memref<!tpu.dma_semaphore, #tpu.memory_space<semaphore_mem>>) src(%dma_wait3A_1069 : memref<256xi32, #tpu.memory_space<hbm>>) dst(%arg19 : memref<256xi32, #tpu.memory_space<vmem>>)
        %scan3A_1070 = arith.constant 0 : i32
        %scan3A_1071 = arith.constant 16 : i32
        %scan3A_1072 = arith.addi %scan3A_1070, %scan3A_1071 : i32
        %scan3A_1073 = arith.constant 1 : i32
        scf.for %scan3A_1078 = %scan3A_1070 to %scan3A_1072 step %scan3A_1073  : i32 {
          %mul3A_1079 = arith.constant 1 : i32
          %mul3A_1080 = arith.muli %scan3A_1078, %mul3A_1079 : i32
          %add3A_1081 = arith.constant 0 : i32
          %add3A_1082 = arith.addi %add3A_1081, %mul3A_1080 : i32
          %mul3A_1083 = arith.constant 16 : i32
          %mul3A_1084 = arith.muli %add3A_1082, %mul3A_1083 : i32
          %multiple_of3A_1085 = tpu.assume_multiple %mul3A_1084, 8 : i32
          %get3A = arith.index_cast %multiple_of3A_1085 : i32 to index
          %get3A_1086 = tpu.vector_load %arg19[%get3A] {strides = array<i32>} : memref<256xi32, #tpu.memory_space<vmem>>, vector<16xi32>,
          %mul3A_1087 = arith.constant 4 : i32
          %mul3A_1088 = vector.broadcast %mul3A_1087 : i32 to vector<16xi32>
          %mul3A_1089 = arith.muli %get3A_1086, %mul3A_1088 : vector<16xi32>
          %swap3A = arith.index_cast %multiple_of3A_1085 : i32 to index
          %swap3A_1090 = tpu.vector_load %arg19[%swap3A] {strides = array<i32>} : memref<256xi32, #tpu.memory_space<vmem>>, vector<16xi32>,
          tpu.vector_store %arg19[%swap3A], %mul3A_1089 {strides = array<i32>} : memref<256xi32, #tpu.memory_space<vmem>>, vector<16xi32>,
        }
        %scan3A_1074 = arith.constant 16 : i32
        %dma_start3A_1075 = arith.constant 0 : i32
        %dma_start3A_1076 = arith.constant 0 : i32
        %dma_start3A_1077 = tpu.memref_slice %arg3[%dma_start3A_1075, %dma_start3A_1076] : memref<4000000x32xf32, #tpu.memory_space<hbm>> -> memref<4000000x32xf32, #tpu.memory_space<hbm>>
        tpu.enqueue_indirect_dma source(%dma_start3A_1077 : memref<4000000x32xf32, #tpu.memory_space<hbm>>) target(%arg9 : memref<256x32xf32, #tpu.memory_space<vmem>>) offsets(%arg19 : memref<256xi32, #tpu.memory_space<vmem>>) semaphore(%arg24 : memref<!tpu.dma_semaphore, #tpu.memory_space<semaphore_mem>>)
      } else {
      }
      %jit3A_966 = arith.constant 64 : i32
      %div3A_967 = arith.divsi %add3A_942, %jit3A_966 : i32
      %sign3A_968 = arith.constant 0 : i32
      %sign3A_969 = arith.cmpi sgt, %add3A_942, %sign3A_968 : i32
      %sign3A_970 = arith.extui %sign3A_969 : i1 to i32
      %sign3A_971 = arith.constant 0 : i32
      %sign3A_972 = arith.cmpi slt, %add3A_942, %sign3A_971 : i32
      %sign3A_973 = arith.extui %sign3A_972 : i1 to i32
      %sign3A_974 = arith.subi %sign3A_970, %sign3A_973 : i32
      %sign3A_975 = arith.constant 0 : i32
      %sign3A_976 = arith.cmpi sgt, %jit3A_966, %sign3A_975 : i32
      %sign3A_977 = arith.extui %sign3A_976 : i1 to i32
      %sign3A_978 = arith.constant 0 : i32
      %sign3A_979 = arith.cmpi slt, %jit3A_966, %sign3A_978 : i32
      %sign3A_980 = arith.extui %sign3A_979 : i1 to i32
      %sign3A_981 = arith.subi %sign3A_977, %sign3A_980 : i32
      %ne3A_982 = arith.cmpi ne, %sign3A_974, %sign3A_981 : i32
      %rem3A_983 = arith.remsi %add3A_942, %jit3A_966 : i32
      %ne3A_984 = arith.constant 0 : i32
      %ne3A_985 = arith.cmpi ne, %rem3A_983, %ne3A_984 : i32
      %and3A_986 = arith.andi %ne3A_982, %ne3A_985 : i1
      %sub3A_987 = arith.constant 1 : i32
      %sub3A_988 = arith.subi %div3A_967, %sub3A_987 : i32
      %select_n3A_989 = arith.select %and3A_986, %sub3A_988, %div3A_967 : i32
      %jit3A_990 = arith.constant 64 : i32
      %eq3A_991 = arith.constant 0 : i32
      %eq3A_992 = arith.cmpi eq, %jit3A_990, %eq3A_991 : i32
      %jit3A_993 = arith.constant 1 : i32
      %select_n3A_994 = arith.select %eq3A_992, %jit3A_993, %jit3A_990 : i32
      %rem3A_995 = arith.remsi %add3A_942, %select_n3A_994 : i32
      %ne3A_996 = arith.constant 0 : i32
      %ne3A_997 = arith.cmpi ne, %rem3A_995, %ne3A_996 : i32
      %lt3A_998 = arith.constant 0 : i32
      %lt3A_999 = arith.cmpi slt, %rem3A_995, %lt3A_998 : i32
      %lt3A_1000 = arith.constant 0 : i32
      %lt3A_1001 = arith.cmpi slt, %select_n3A_994, %lt3A_1000 : i32
      %ne3A_1002 = arith.xori %lt3A_999, %lt3A_1001 : i1
      %and3A_1003 = arith.andi %ne3A_1002, %ne3A_997 : i1
      %add3A_1004 = arith.addi %rem3A_995, %select_n3A_994 : i32
      %select_n3A_1005 = arith.select %and3A_1003, %add3A_1004, %rem3A_995 : i32
      %mul3A_1006 = arith.constant 256 : i32
      %mul3A_1007 = arith.muli %select_n3A_1005, %mul3A_1006 : i32
      %multiple_of3A_1008 = tpu.assume_multiple %mul3A_1007, 8 : i32
      %dma_start3A_1009 = arith.constant 0 : i32
      %dma_start3A_1010 = arith.constant 0 : i32
      %dma_start3A_1011 = tpu.memref_slice %arg14[%dma_start3A_1009, %dma_start3A_1010] : memref<32x257xf32, #tpu.memory_space<vmem>> -> memref<32x256xf32, #tpu.memory_space<vmem>>
      %dma_start3A_1012 = arith.constant 0 : i32
      %dma_start3A_1013 = tpu.memref_slice %arg4[%select_n3A_989, %dma_start3A_1012, %multiple_of3A_1008] : memref<50x32x16384xf32, #tpu.memory_space<hbm>> -> memref<1x32x256xf32, #tpu.memory_space<hbm>>
      %dma_start3A_1014 = tpu.memref_squeeze %dma_start3A_1013 : memref<1x32x256xf32, #tpu.memory_space<hbm>> -> memref<32x256xf32, #tpu.memory_space<hbm>>
      %dma_start3A_1015 = arith.constant 0 : i32
      %dma_start3A_1016 = tpu.memref_slice %arg4[%select_n3A_989, %dma_start3A_1015, %multiple_of3A_1008] : memref<50x32x16384xf32, #tpu.memory_space<hbm>> -> memref<1x32x256xf32, #tpu.memory_space<hbm>>
      %dma_start3A_1017 = tpu.memref_squeeze %dma_start3A_1016 : memref<1x32x256xf32, #tpu.memory_space<hbm>> -> memref<32x256xf32, #tpu.memory_space<hbm>>
      %dma_start3A_1018 = arith.constant 0 : i32
      %dma_start3A_1019 = arith.constant 0 : i32
      %dma_start3A_1020 = tpu.memref_slice %arg14[%dma_start3A_1018, %dma_start3A_1019] : memref<32x257xf32, #tpu.memory_space<vmem>> -> memref<32x256xf32, #tpu.memory_space<vmem>>
      tpu.enqueue_dma source(%dma_start3A_1020 : memref<32x256xf32, #tpu.memory_space<vmem>>) target(%dma_start3A_1017 : memref<32x256xf32, #tpu.memory_space<hbm>>) target_semaphore(%arg29 : memref<!tpu.dma_semaphore, #tpu.memory_space<semaphore_mem>>)
    }
    %scan3A_298 = arith.constant 20 : i32
    %add3A_299 = arith.constant 100 : i32
    %add3A_300 = arith.addi %mul3A_2, %add3A_299 : i32
    %sub3A_301 = arith.constant 5 : i32
    %sub3A_302 = arith.subi %add3A_300, %sub3A_301 : i32
    %add3A_303 = arith.constant 0 : i32
    %add3A_304 = arith.addi %sub3A_302, %add3A_303 : i32
    %jit3A_305 = arith.constant 64 : i32
    %div3A_306 = arith.divsi %add3A_304, %jit3A_305 : i32
    %sign3A_307 = arith.constant 0 : i32
    %sign3A_308 = arith.cmpi sgt, %add3A_304, %sign3A_307 : i32
    %sign3A_309 = arith.extui %sign3A_308 : i1 to i32
    %sign3A_310 = arith.constant 0 : i32
    %sign3A_311 = arith.cmpi slt, %add3A_304, %sign3A_310 : i32
    %sign3A_312 = arith.extui %sign3A_311 : i1 to i32
    %sign3A_313 = arith.subi %sign3A_309, %sign3A_312 : i32
    %sign3A_314 = arith.constant 0 : i32
    %sign3A_315 = arith.cmpi sgt, %jit3A_305, %sign3A_314 : i32
    %sign3A_316 = arith.extui %sign3A_315 : i1 to i32
    %sign3A_317 = arith.constant 0 : i32
    %sign3A_318 = arith.cmpi slt, %jit3A_305, %sign3A_317 : i32
    %sign3A_319 = arith.extui %sign3A_318 : i1 to i32
    %sign3A_320 = arith.subi %sign3A_316, %sign3A_319 : i32
    %ne3A_321 = arith.cmpi ne, %sign3A_313, %sign3A_320 : i32
    %rem3A_322 = arith.remsi %add3A_304, %jit3A_305 : i32
    %ne3A_323 = arith.constant 0 : i32
    %ne3A_324 = arith.cmpi ne, %rem3A_322, %ne3A_323 : i32
    %and3A_325 = arith.andi %ne3A_321, %ne3A_324 : i1
    %sub3A_326 = arith.constant 1 : i32
    %sub3A_327 = arith.subi %div3A_306, %sub3A_326 : i32
    %select_n3A_328 = arith.select %and3A_325, %sub3A_327, %div3A_306 : i32
    %jit3A_329 = arith.constant 64 : i32
    %eq3A_330 = arith.constant 0 : i32
    %eq3A_331 = arith.cmpi eq, %jit3A_329, %eq3A_330 : i32
    %jit3A_332 = arith.constant 1 : i32
    %select_n3A_333 = arith.select %eq3A_331, %jit3A_332, %jit3A_329 : i32
    %rem3A_334 = arith.remsi %add3A_304, %select_n3A_333 : i32
    %ne3A_335 = arith.constant 0 : i32
    %ne3A_336 = arith.cmpi ne, %rem3A_334, %ne3A_335 : i32
    %lt3A_337 = arith.constant 0 : i32
    %lt3A_338 = arith.cmpi slt, %rem3A_334, %lt3A_337 : i32
    %lt3A_339 = arith.constant 0 : i32
    %lt3A_340 = arith.cmpi slt, %select_n3A_333, %lt3A_339 : i32
    %ne3A_341 = arith.xori %lt3A_338, %lt3A_340 : i1
    %and3A_342 = arith.andi %ne3A_341, %ne3A_336 : i1
    %add3A_343 = arith.addi %rem3A_334, %select_n3A_333 : i32
    %select_n3A_344 = arith.select %and3A_342, %add3A_343, %rem3A_334 : i32
    %mul3A_345 = arith.constant 256 : i32
    %mul3A_346 = arith.muli %select_n3A_344, %mul3A_345 : i32
    %multiple_of3A_347 = tpu.assume_multiple %mul3A_346, 8 : i32
    %dma_wait3A_348 = arith.constant 0 : i32
    %dma_wait3A_349 = arith.constant 0 : i32
    %dma_wait3A_350 = tpu.memref_slice %arg10[%dma_wait3A_348, %dma_wait3A_349] : memref<32x257xf32, #tpu.memory_space<vmem>> -> memref<32x256xf32, #tpu.memory_space<vmem>>
    %dma_wait3A_351 = arith.constant 0 : i32
    %dma_wait3A_352 = tpu.memref_slice %arg4[%select_n3A_328, %dma_wait3A_351, %multiple_of3A_347] : memref<50x32x16384xf32, #tpu.memory_space<hbm>> -> memref<1x32x256xf32, #tpu.memory_space<hbm>>
    %dma_wait3A_353 = tpu.memref_squeeze %dma_wait3A_352 : memref<1x32x256xf32, #tpu.memory_space<hbm>> -> memref<32x256xf32, #tpu.memory_space<hbm>>
    %dma_wait3A_354 = arith.constant 0 : i32
    %dma_wait3A_355 = tpu.memref_slice %arg4[%select_n3A_328, %dma_wait3A_354, %multiple_of3A_347] : memref<50x32x16384xf32, #tpu.memory_space<hbm>> -> memref<1x32x256xf32, #tpu.memory_space<hbm>>
    %dma_wait3A_356 = tpu.memref_squeeze %dma_wait3A_355 : memref<1x32x256xf32, #tpu.memory_space<hbm>> -> memref<32x256xf32, #tpu.memory_space<hbm>>
    %dma_wait3A_357 = arith.constant 0 : i32
    %dma_wait3A_358 = arith.constant 0 : i32
    %dma_wait3A_359 = tpu.memref_slice %arg10[%dma_wait3A_357, %dma_wait3A_358] : memref<32x257xf32, #tpu.memory_space<vmem>> -> memref<32x256xf32, #tpu.memory_space<vmem>>
    tpu.wait_dma2 semaphore(%arg25 : memref<!tpu.dma_semaphore, #tpu.memory_space<semaphore_mem>>) src(%dma_wait3A_359 : memref<32x256xf32, #tpu.memory_space<vmem>>) dst(%dma_wait3A_356 : memref<32x256xf32, #tpu.memory_space<hbm>>)
    %add3A_360 = arith.constant 100 : i32
    %add3A_361 = arith.addi %mul3A_2, %add3A_360 : i32
    %sub3A_362 = arith.constant 5 : i32
    %sub3A_363 = arith.subi %add3A_361, %sub3A_362 : i32
    %add3A_364 = arith.constant 1 : i32
    %add3A_365 = arith.addi %sub3A_363, %add3A_364 : i32
    %jit3A_366 = arith.constant 64 : i32
    %div3A_367 = arith.divsi %add3A_365, %jit3A_366 : i32
    %sign3A_368 = arith.constant 0 : i32
    %sign3A_369 = arith.cmpi sgt, %add3A_365, %sign3A_368 : i32
    %sign3A_370 = arith.extui %sign3A_369 : i1 to i32
    %sign3A_371 = arith.constant 0 : i32
    %sign3A_372 = arith.cmpi slt, %add3A_365, %sign3A_371 : i32
    %sign3A_373 = arith.extui %sign3A_372 : i1 to i32
    %sign3A_374 = arith.subi %sign3A_370, %sign3A_373 : i32
    %sign3A_375 = arith.constant 0 : i32
    %sign3A_376 = arith.cmpi sgt, %jit3A_366, %sign3A_375 : i32
    %sign3A_377 = arith.extui %sign3A_376 : i1 to i32
    %sign3A_378 = arith.constant 0 : i32
    %sign3A_379 = arith.cmpi slt, %jit3A_366, %sign3A_378 : i32
    %sign3A_380 = arith.extui %sign3A_379 : i1 to i32
    %sign3A_381 = arith.subi %sign3A_377, %sign3A_380 : i32
    %ne3A_382 = arith.cmpi ne, %sign3A_374, %sign3A_381 : i32
    %rem3A_383 = arith.remsi %add3A_365, %jit3A_366 : i32
    %ne3A_384 = arith.constant 0 : i32
    %ne3A_385 = arith.cmpi ne, %rem3A_383, %ne3A_384 : i32
    %and3A_386 = arith.andi %ne3A_382, %ne3A_385 : i1
    %sub3A_387 = arith.constant 1 : i32
    %sub3A_388 = arith.subi %div3A_367, %sub3A_387 : i32
    %select_n3A_389 = arith.select %and3A_386, %sub3A_388, %div3A_367 : i32
    %jit3A_390 = arith.constant 64 : i32
    %eq3A_391 = arith.constant 0 : i32
    %eq3A_392 = arith.cmpi eq, %jit3A_390, %eq3A_391 : i32
    %jit3A_393 = arith.constant 1 : i32
    %select_n3A_394 = arith.select %eq3A_392, %jit3A_393, %jit3A_390 : i32
    %rem3A_395 = arith.remsi %add3A_365, %select_n3A_394 : i32
    %ne3A_396 = arith.constant 0 : i32
    %ne3A_397 = arith.cmpi ne, %rem3A_395, %ne3A_396 : i32
    %lt3A_398 = arith.constant 0 : i32
    %lt3A_399 = arith.cmpi slt, %rem3A_395, %lt3A_398 : i32
    %lt3A_400 = arith.constant 0 : i32
    %lt3A_401 = arith.cmpi slt, %select_n3A_394, %lt3A_400 : i32
    %ne3A_402 = arith.xori %lt3A_399, %lt3A_401 : i1
    %and3A_403 = arith.andi %ne3A_402, %ne3A_397 : i1
    %add3A_404 = arith.addi %rem3A_395, %select_n3A_394 : i32
    %select_n3A_405 = arith.select %and3A_403, %add3A_404, %rem3A_395 : i32
    %mul3A_406 = arith.constant 256 : i32
    %mul3A_407 = arith.muli %select_n3A_405, %mul3A_406 : i32
    %multiple_of3A_408 = tpu.assume_multiple %mul3A_407, 8 : i32
    %dma_wait3A_409 = arith.constant 0 : i32
    %dma_wait3A_410 = arith.constant 0 : i32
    %dma_wait3A_411 = tpu.memref_slice %arg11[%dma_wait3A_409, %dma_wait3A_410] : memref<32x257xf32, #tpu.memory_space<vmem>> -> memref<32x256xf32, #tpu.memory_space<vmem>>
    %dma_wait3A_412 = arith.constant 0 : i32
    %dma_wait3A_413 = tpu.memref_slice %arg4[%select_n3A_389, %dma_wait3A_412, %multiple_of3A_408] : memref<50x32x16384xf32, #tpu.memory_space<hbm>> -> memref<1x32x256xf32, #tpu.memory_space<hbm>>
    %dma_wait3A_414 = tpu.memref_squeeze %dma_wait3A_413 : memref<1x32x256xf32, #tpu.memory_space<hbm>> -> memref<32x256xf32, #tpu.memory_space<hbm>>
    %dma_wait3A_415 = arith.constant 0 : i32
    %dma_wait3A_416 = tpu.memref_slice %arg4[%select_n3A_389, %dma_wait3A_415, %multiple_of3A_408] : memref<50x32x16384xf32, #tpu.memory_space<hbm>> -> memref<1x32x256xf32, #tpu.memory_space<hbm>>
    %dma_wait3A_417 = tpu.memref_squeeze %dma_wait3A_416 : memref<1x32x256xf32, #tpu.memory_space<hbm>> -> memref<32x256xf32, #tpu.memory_space<hbm>>
    %dma_wait3A_418 = arith.constant 0 : i32
    %dma_wait3A_419 = arith.constant 0 : i32
    %dma_wait3A_420 = tpu.memref_slice %arg11[%dma_wait3A_418, %dma_wait3A_419] : memref<32x257xf32, #tpu.memory_space<vmem>> -> memref<32x256xf32, #tpu.memory_space<vmem>>
    tpu.wait_dma2 semaphore(%arg26 : memref<!tpu.dma_semaphore, #tpu.memory_space<semaphore_mem>>) src(%dma_wait3A_420 : memref<32x256xf32, #tpu.memory_space<vmem>>) dst(%dma_wait3A_417 : memref<32x256xf32, #tpu.memory_space<hbm>>)
    %add3A_421 = arith.constant 100 : i32
    %add3A_422 = arith.addi %mul3A_2, %add3A_421 : i32
    %sub3A_423 = arith.constant 5 : i32
    %sub3A_424 = arith.subi %add3A_422, %sub3A_423 : i32
    %add3A_425 = arith.constant 2 : i32
    %add3A_426 = arith.addi %sub3A_424, %add3A_425 : i32
    %jit3A_427 = arith.constant 64 : i32
    %div3A_428 = arith.divsi %add3A_426, %jit3A_427 : i32
    %sign3A_429 = arith.constant 0 : i32
    %sign3A_430 = arith.cmpi sgt, %add3A_426, %sign3A_429 : i32
    %sign3A_431 = arith.extui %sign3A_430 : i1 to i32
    %sign3A_432 = arith.constant 0 : i32
    %sign3A_433 = arith.cmpi slt, %add3A_426, %sign3A_432 : i32
    %sign3A_434 = arith.extui %sign3A_433 : i1 to i32
    %sign3A_435 = arith.subi %sign3A_431, %sign3A_434 : i32
    %sign3A_436 = arith.constant 0 : i32
    %sign3A_437 = arith.cmpi sgt, %jit3A_427, %sign3A_436 : i32
    %sign3A_438 = arith.extui %sign3A_437 : i1 to i32
    %sign3A_439 = arith.constant 0 : i32
    %sign3A_440 = arith.cmpi slt, %jit3A_427, %sign3A_439 : i32
    %sign3A_441 = arith.extui %sign3A_440 : i1 to i32
    %sign3A_442 = arith.subi %sign3A_438, %sign3A_441 : i32
    %ne3A_443 = arith.cmpi ne, %sign3A_435, %sign3A_442 : i32
    %rem3A_444 = arith.remsi %add3A_426, %jit3A_427 : i32
    %ne3A_445 = arith.constant 0 : i32
    %ne3A_446 = arith.cmpi ne, %rem3A_444, %ne3A_445 : i32
    %and3A_447 = arith.andi %ne3A_443, %ne3A_446 : i1
    %sub3A_448 = arith.constant 1 : i32
    %sub3A_449 = arith.subi %div3A_428, %sub3A_448 : i32
    %select_n3A_450 = arith.select %and3A_447, %sub3A_449, %div3A_428 : i32
    %jit3A_451 = arith.constant 64 : i32
    %eq3A_452 = arith.constant 0 : i32
    %eq3A_453 = arith.cmpi eq, %jit3A_451, %eq3A_452 : i32
    %jit3A_454 = arith.constant 1 : i32
    %select_n3A_455 = arith.select %eq3A_453, %jit3A_454, %jit3A_451 : i32
    %rem3A_456 = arith.remsi %add3A_426, %select_n3A_455 : i32
    %ne3A_457 = arith.constant 0 : i32
    %ne3A_458 = arith.cmpi ne, %rem3A_456, %ne3A_457 : i32
    %lt3A_459 = arith.constant 0 : i32
    %lt3A_460 = arith.cmpi slt, %rem3A_456, %lt3A_459 : i32
    %lt3A_461 = arith.constant 0 : i32
    %lt3A_462 = arith.cmpi slt, %select_n3A_455, %lt3A_461 : i32
    %ne3A_463 = arith.xori %lt3A_460, %lt3A_462 : i1
    %and3A_464 = arith.andi %ne3A_463, %ne3A_458 : i1
    %add3A_465 = arith.addi %rem3A_456, %select_n3A_455 : i32
    %select_n3A_466 = arith.select %and3A_464, %add3A_465, %rem3A_456 : i32
    %mul3A_467 = arith.constant 256 : i32
    %mul3A_468 = arith.muli %select_n3A_466, %mul3A_467 : i32
    %multiple_of3A_469 = tpu.assume_multiple %mul3A_468, 8 : i32
    %dma_wait3A_470 = arith.constant 0 : i32
    %dma_wait3A_471 = arith.constant 0 : i32
    %dma_wait3A_472 = tpu.memref_slice %arg12[%dma_wait3A_470, %dma_wait3A_471] : memref<32x257xf32, #tpu.memory_space<vmem>> -> memref<32x256xf32, #tpu.memory_space<vmem>>
    %dma_wait3A_473 = arith.constant 0 : i32
    %dma_wait3A_474 = tpu.memref_slice %arg4[%select_n3A_450, %dma_wait3A_473, %multiple_of3A_469] : memref<50x32x16384xf32, #tpu.memory_space<hbm>> -> memref<1x32x256xf32, #tpu.memory_space<hbm>>
    %dma_wait3A_475 = tpu.memref_squeeze %dma_wait3A_474 : memref<1x32x256xf32, #tpu.memory_space<hbm>> -> memref<32x256xf32, #tpu.memory_space<hbm>>
    %dma_wait3A_476 = arith.constant 0 : i32
    %dma_wait3A_477 = tpu.memref_slice %arg4[%select_n3A_450, %dma_wait3A_476, %multiple_of3A_469] : memref<50x32x16384xf32, #tpu.memory_space<hbm>> -> memref<1x32x256xf32, #tpu.memory_space<hbm>>
    %dma_wait3A_478 = tpu.memref_squeeze %dma_wait3A_477 : memref<1x32x256xf32, #tpu.memory_space<hbm>> -> memref<32x256xf32, #tpu.memory_space<hbm>>
    %dma_wait3A_479 = arith.constant 0 : i32
    %dma_wait3A_480 = arith.constant 0 : i32
    %dma_wait3A_481 = tpu.memref_slice %arg12[%dma_wait3A_479, %dma_wait3A_480] : memref<32x257xf32, #tpu.memory_space<vmem>> -> memref<32x256xf32, #tpu.memory_space<vmem>>
    tpu.wait_dma2 semaphore(%arg27 : memref<!tpu.dma_semaphore, #tpu.memory_space<semaphore_mem>>) src(%dma_wait3A_481 : memref<32x256xf32, #tpu.memory_space<vmem>>) dst(%dma_wait3A_478 : memref<32x256xf32, #tpu.memory_space<hbm>>)
    %add3A_482 = arith.constant 100 : i32
    %add3A_483 = arith.addi %mul3A_2, %add3A_482 : i32
    %sub3A_484 = arith.constant 5 : i32
    %sub3A_485 = arith.subi %add3A_483, %sub3A_484 : i32
    %add3A_486 = arith.constant 3 : i32
    %add3A_487 = arith.addi %sub3A_485, %add3A_486 : i32
    %jit3A_488 = arith.constant 64 : i32
    %div3A_489 = arith.divsi %add3A_487, %jit3A_488 : i32
    %sign3A_490 = arith.constant 0 : i32
    %sign3A_491 = arith.cmpi sgt, %add3A_487, %sign3A_490 : i32
    %sign3A_492 = arith.extui %sign3A_491 : i1 to i32
    %sign3A_493 = arith.constant 0 : i32
    %sign3A_494 = arith.cmpi slt, %add3A_487, %sign3A_493 : i32
    %sign3A_495 = arith.extui %sign3A_494 : i1 to i32
    %sign3A_496 = arith.subi %sign3A_492, %sign3A_495 : i32
    %sign3A_497 = arith.constant 0 : i32
    %sign3A_498 = arith.cmpi sgt, %jit3A_488, %sign3A_497 : i32
    %sign3A_499 = arith.extui %sign3A_498 : i1 to i32
    %sign3A_500 = arith.constant 0 : i32
    %sign3A_501 = arith.cmpi slt, %jit3A_488, %sign3A_500 : i32
    %sign3A_502 = arith.extui %sign3A_501 : i1 to i32
    %sign3A_503 = arith.subi %sign3A_499, %sign3A_502 : i32
    %ne3A_504 = arith.cmpi ne, %sign3A_496, %sign3A_503 : i32
    %rem3A_505 = arith.remsi %add3A_487, %jit3A_488 : i32
    %ne3A_506 = arith.constant 0 : i32
    %ne3A_507 = arith.cmpi ne, %rem3A_505, %ne3A_506 : i32
    %and3A_508 = arith.andi %ne3A_504, %ne3A_507 : i1
    %sub3A_509 = arith.constant 1 : i32
    %sub3A_510 = arith.subi %div3A_489, %sub3A_509 : i32
    %select_n3A_511 = arith.select %and3A_508, %sub3A_510, %div3A_489 : i32
    %jit3A_512 = arith.constant 64 : i32
    %eq3A_513 = arith.constant 0 : i32
    %eq3A_514 = arith.cmpi eq, %jit3A_512, %eq3A_513 : i32
    %jit3A_515 = arith.constant 1 : i32
    %select_n3A_516 = arith.select %eq3A_514, %jit3A_515, %jit3A_512 : i32
    %rem3A_517 = arith.remsi %add3A_487, %select_n3A_516 : i32
    %ne3A_518 = arith.constant 0 : i32
    %ne3A_519 = arith.cmpi ne, %rem3A_517, %ne3A_518 : i32
    %lt3A_520 = arith.constant 0 : i32
    %lt3A_521 = arith.cmpi slt, %rem3A_517, %lt3A_520 : i32
    %lt3A_522 = arith.constant 0 : i32
    %lt3A_523 = arith.cmpi slt, %select_n3A_516, %lt3A_522 : i32
    %ne3A_524 = arith.xori %lt3A_521, %lt3A_523 : i1
    %and3A_525 = arith.andi %ne3A_524, %ne3A_519 : i1
    %add3A_526 = arith.addi %rem3A_517, %select_n3A_516 : i32
    %select_n3A_527 = arith.select %and3A_525, %add3A_526, %rem3A_517 : i32
    %mul3A_528 = arith.constant 256 : i32
    %mul3A_529 = arith.muli %select_n3A_527, %mul3A_528 : i32
    %multiple_of3A_530 = tpu.assume_multiple %mul3A_529, 8 : i32
    %dma_wait3A_531 = arith.constant 0 : i32
    %dma_wait3A_532 = arith.constant 0 : i32
    %dma_wait3A_533 = tpu.memref_slice %arg13[%dma_wait3A_531, %dma_wait3A_532] : memref<32x257xf32, #tpu.memory_space<vmem>> -> memref<32x256xf32, #tpu.memory_space<vmem>>
    %dma_wait3A_534 = arith.constant 0 : i32
    %dma_wait3A_535 = tpu.memref_slice %arg4[%select_n3A_511, %dma_wait3A_534, %multiple_of3A_530] : memref<50x32x16384xf32, #tpu.memory_space<hbm>> -> memref<1x32x256xf32, #tpu.memory_space<hbm>>
    %dma_wait3A_536 = tpu.memref_squeeze %dma_wait3A_535 : memref<1x32x256xf32, #tpu.memory_space<hbm>> -> memref<32x256xf32, #tpu.memory_space<hbm>>
    %dma_wait3A_537 = arith.constant 0 : i32
    %dma_wait3A_538 = tpu.memref_slice %arg4[%select_n3A_511, %dma_wait3A_537, %multiple_of3A_530] : memref<50x32x16384xf32, #tpu.memory_space<hbm>> -> memref<1x32x256xf32, #tpu.memory_space<hbm>>
    %dma_wait3A_539 = tpu.memref_squeeze %dma_wait3A_538 : memref<1x32x256xf32, #tpu.memory_space<hbm>> -> memref<32x256xf32, #tpu.memory_space<hbm>>
    %dma_wait3A_540 = arith.constant 0 : i32
    %dma_wait3A_541 = arith.constant 0 : i32
    %dma_wait3A_542 = tpu.memref_slice %arg13[%dma_wait3A_540, %dma_wait3A_541] : memref<32x257xf32, #tpu.memory_space<vmem>> -> memref<32x256xf32, #tpu.memory_space<vmem>>
    tpu.wait_dma2 semaphore(%arg28 : memref<!tpu.dma_semaphore, #tpu.memory_space<semaphore_mem>>) src(%dma_wait3A_542 : memref<32x256xf32, #tpu.memory_space<vmem>>) dst(%dma_wait3A_539 : memref<32x256xf32, #tpu.memory_space<hbm>>)
    %add3A_543 = arith.constant 100 : i32
    %add3A_544 = arith.addi %mul3A_2, %add3A_543 : i32
    %sub3A_545 = arith.constant 5 : i32
    %sub3A_546 = arith.subi %add3A_544, %sub3A_545 : i32
    %add3A_547 = arith.constant 4 : i32
    %add3A_548 = arith.addi %sub3A_546, %add3A_547 : i32
    %jit3A_549 = arith.constant 64 : i32
    %div3A_550 = arith.divsi %add3A_548, %jit3A_549 : i32
    %sign3A_551 = arith.constant 0 : i32
    %sign3A_552 = arith.cmpi sgt, %add3A_548, %sign3A_551 : i32
    %sign3A_553 = arith.extui %sign3A_552 : i1 to i32
    %sign3A_554 = arith.constant 0 : i32
    %sign3A_555 = arith.cmpi slt, %add3A_548, %sign3A_554 : i32
    %sign3A_556 = arith.extui %sign3A_555 : i1 to i32
    %sign3A_557 = arith.subi %sign3A_553, %sign3A_556 : i32
    %sign3A_558 = arith.constant 0 : i32
    %sign3A_559 = arith.cmpi sgt, %jit3A_549, %sign3A_558 : i32
    %sign3A_560 = arith.extui %sign3A_559 : i1 to i32
    %sign3A_561 = arith.constant 0 : i32
    %sign3A_562 = arith.cmpi slt, %jit3A_549, %sign3A_561 : i32
    %sign3A_563 = arith.extui %sign3A_562 : i1 to i32
    %sign3A_564 = arith.subi %sign3A_560, %sign3A_563 : i32
    %ne3A_565 = arith.cmpi ne, %sign3A_557, %sign3A_564 : i32
    %rem3A_566 = arith.remsi %add3A_548, %jit3A_549 : i32
    %ne3A_567 = arith.constant 0 : i32
    %ne3A_568 = arith.cmpi ne, %rem3A_566, %ne3A_567 : i32
    %and3A_569 = arith.andi %ne3A_565, %ne3A_568 : i1
    %sub3A_570 = arith.constant 1 : i32
    %sub3A_571 = arith.subi %div3A_550, %sub3A_570 : i32
    %select_n3A_572 = arith.select %and3A_569, %sub3A_571, %div3A_550 : i32
    %jit3A_573 = arith.constant 64 : i32
    %eq3A_574 = arith.constant 0 : i32
    %eq3A_575 = arith.cmpi eq, %jit3A_573, %eq3A_574 : i32
    %jit3A_576 = arith.constant 1 : i32
    %select_n3A_577 = arith.select %eq3A_575, %jit3A_576, %jit3A_573 : i32
    %rem3A_578 = arith.remsi %add3A_548, %select_n3A_577 : i32
    %ne3A_579 = arith.constant 0 : i32
    %ne3A_580 = arith.cmpi ne, %rem3A_578, %ne3A_579 : i32
    %lt3A_581 = arith.constant 0 : i32
    %lt3A_582 = arith.cmpi slt, %rem3A_578, %lt3A_581 : i32
    %lt3A_583 = arith.constant 0 : i32
    %lt3A_584 = arith.cmpi slt, %select_n3A_577, %lt3A_583 : i32
    %ne3A_585 = arith.xori %lt3A_582, %lt3A_584 : i1
    %and3A_586 = arith.andi %ne3A_585, %ne3A_580 : i1
    %add3A_587 = arith.addi %rem3A_578, %select_n3A_577 : i32
    %select_n3A_588 = arith.select %and3A_586, %add3A_587, %rem3A_578 : i32
    %mul3A_589 = arith.constant 256 : i32
    %mul3A_590 = arith.muli %select_n3A_588, %mul3A_589 : i32
    %multiple_of3A_591 = tpu.assume_multiple %mul3A_590, 8 : i32
    %dma_wait3A_592 = arith.constant 0 : i32
    %dma_wait3A_593 = arith.constant 0 : i32
    %dma_wait3A_594 = tpu.memref_slice %arg14[%dma_wait3A_592, %dma_wait3A_593] : memref<32x257xf32, #tpu.memory_space<vmem>> -> memref<32x256xf32, #tpu.memory_space<vmem>>
    %dma_wait3A_595 = arith.constant 0 : i32
    %dma_wait3A_596 = tpu.memref_slice %arg4[%select_n3A_572, %dma_wait3A_595, %multiple_of3A_591] : memref<50x32x16384xf32, #tpu.memory_space<hbm>> -> memref<1x32x256xf32, #tpu.memory_space<hbm>>
    %dma_wait3A_597 = tpu.memref_squeeze %dma_wait3A_596 : memref<1x32x256xf32, #tpu.memory_space<hbm>> -> memref<32x256xf32, #tpu.memory_space<hbm>>
    %dma_wait3A_598 = arith.constant 0 : i32
    %dma_wait3A_599 = tpu.memref_slice %arg4[%select_n3A_572, %dma_wait3A_598, %multiple_of3A_591] : memref<50x32x16384xf32, #tpu.memory_space<hbm>> -> memref<1x32x256xf32, #tpu.memory_space<hbm>>
    %dma_wait3A_600 = tpu.memref_squeeze %dma_wait3A_599 : memref<1x32x256xf32, #tpu.memory_space<hbm>> -> memref<32x256xf32, #tpu.memory_space<hbm>>
    %dma_wait3A_601 = arith.constant 0 : i32
    %dma_wait3A_602 = arith.constant 0 : i32
    %dma_wait3A_603 = tpu.memref_slice %arg14[%dma_wait3A_601, %dma_wait3A_602] : memref<32x257xf32, #tpu.memory_space<vmem>> -> memref<32x256xf32, #tpu.memory_space<vmem>>
    tpu.wait_dma2 semaphore(%arg29 : memref<!tpu.dma_semaphore, #tpu.memory_space<semaphore_mem>>) src(%dma_wait3A_603 : memref<32x256xf32, #tpu.memory_space<vmem>>) dst(%dma_wait3A_600 : memref<32x256xf32, #tpu.memory_space<hbm>>)
    return
  }
}

</mosaic_0001>

<sc_bundles>
// kernel: kernel.3.cloned.1.call-start
scs
__scs_entry_jumppad:
0x0: {  	(pc) =	sbr.rel $0x88, $3  }
0x1: {  	(tag) =	ssettag $0x0;
	lr =	simm.s32 $0x1  }
0x2: {  	[smem:$0x3F9F] =	sst lr;
	_ =	strace $0xD0000000  }
0x3: {  	_ = 	snop  }
0x4: {  	_ = 	snop  }
0x5: {  	_ = 	snop  }
0x6: {  	_ = 	snop  }
0x7: {  	_ = 	snop  }
__scs_overlays_trampoline_lowered:
0x8: {  	[smem:$0x3FAE] =	sst s0  }
0x9: {  	[smem:$0x3FAF] =	sst s1  }
0xa: {  	[smem:$0x3FB0] =	sst s2  }
0xb: {  	[smem:$0x3FB1] =	sst s3  }
0xc: {  	[smem:$0x3FB2] =	sst s4  }
0xd: {  	[smem:$0x3FB3] =	sst s5  }
0xe: {  	[smem:$0x3FB4] =	sst s6  }
0xf: {  	[smem:$0x3FB5] =	sst s7  }
0x10: {  	[smem:$0x3FB6] =	sst s8  }
0x11: {  	[smem:$0x3FB7] =	sst s9;
	s0 =	simm.s32 @!p0 $0x0  }
0x12: {  	s1 =	sld [smem:$0x3F9D];
	s0 =	simm.s32 @p0 $0x1  }
0x13: {  	[smem:$0x3FB8] =	sst s0;
	s0 =	simm.s32 @!p1 $0x0  }
0x14: {  	s2 =	sld [smem:$0x3F9C];
	s0 =	simm.s32 @p1 $0x1  }
0x15: {  	[smem:$0x3FB9] =	sst s0;
	s0 =	simm.s32 @!p2 $0x0  }
0x16: {  	s3 =	sld [smem:$0x3FDB];
	s0 =	simm.s32 @p2 $0x1  }
0x17: {  	s4 =	simm.s32 $0x1BF5;
	[smem:$0x3FBB] =	sst s0  }
0x18: {  	s0 =	sld [smem:$0x3F9E];
	_ =	swait.ge [sflag:s4], $0x0  }
0x19: {  	s7 =	sld [smem:$0x3F9F]  }
0x1a: {  	s8 =	sadd.s32 $0xFFFFE003, lr  }
0x1b: {  	s9 =	sadd.s32 $0xFFFFFEF7, lr;
	s5 =	simm.s32 $0xFFFFFFFF;
	p2 =	slt.u32 s8, $0xFFFFF086  }
0x1c: {  	p1 =	slt.u32 s9, $0xF7A;
	s5 =	simm.s32 @!p2 $0x0  }
0x1d: {  	s5 =	simm.s32 @p1 $0x1;
	p0 =	seq.s32 s7, s2  }
0x1e: {  	s7 =	smul.u32 @!p0 $0xF7A, s2;
	p2 =	seq.s32 @!p0 s5, $0x0  }
0x1f: {  	s9 =	smul.u32 $0xF7A, s1;
	s8 =	simm.s32 @!p0 $0x1BF5;
	p2 =	por !p2, p0  }
0x20: {  	[sflag:s8] =	ssyncset.s32 @!p0 $0xFFFFF086;
	s6 =	sadd.s32 @!p0 s3, s7;
	s7 =	simm.s32 @!p0 $0x108  }
0x21: {  	s3 =	sadd.s32 s3, s9;
	s6 =	sadd.s32 @!p0 $0x88, s6;
	s7 =	simm.s32 @p2 $0x1082  }
0x22: {  	[simem:s7], [sflag:s8] =	dma.local @!p0 [hbm:s6], $0xF7A  }
0x23: {  	s9 =	sor.u32 $0xD0000000, s2;
	s6 =	simm.s32 $0x108;
	_ =	swait.ge @!p0 [sflag:s8], $0x0  }
0x24: {  	s3 =	sadd.s32 $0x88, s3;
	s6 =	simm.s32 @!p1 $0x1082;
	[sflag:s4] =	ssyncset.s32 $0xFFFFF086  }
0x25: {  	[simem:s6], [sflag:s4] =	dma.local [hbm:s3], $0xF7A  }
0x26: {  	[smem:$0x3F9F] =	sst s1;
	(tag) =	ssettag s2;
	_ =	strace s9  }
0x27: {  	s1 =	sld [smem:$0x3FAF]  }
0x28: {  	s2 =	sld [smem:$0x3FB0]  }
0x29: {  	s4 =	sld [smem:$0x3FB2]  }
0x2a: {  	p0 =	seq.s32 s5, $0x0;
	s5 =	sld [smem:$0x3FB3]  }
0x2b: {  	s6 =	sld [smem:$0x3FB4]  }
0x2c: {  	s7 =	sld [smem:$0x3FB5]  }
0x2d: {  	s3 =	simm.s32 $0x108;
	s8 =	sld [smem:$0x3FB6]  }
0x2e: {  	s3 =	simm.s32 @!p0 $0x1082;
	s9 =	sld [smem:$0x3FB7]  }
0x2f: {  	lr =	sadd.s32 s0, s3;
	s0 =	sld [smem:$0x3FAE]  }
0x30: {  	s3 =	sld [smem:$0x3FB1]  }
0x31: {  	[smem:$0x3FBA] =	sst s10  }
0x32: {  	s10 =	sld [smem:$0x3FB8];
	_ =	sdelay $0x3  }
0x33: {  	p0 =	seq.s32 s10, $0x1;
	s10 =	sld [smem:$0x3FBA];
	_ =	sdelay $0x3  }
0x34: {  	[smem:$0x3FBA] =	sst s10  }
0x35: {  	s10 =	sld [smem:$0x3FB9];
	_ =	sdelay $0x3  }
0x36: {  	p1 =	seq.s32 s10, $0x1;
	s10 =	sld [smem:$0x3FBA];
	_ =	sdelay $0x3  }
0x37: {  	[smem:$0x3FBA] =	sst s10  }
0x38: {  	s10 =	sld [smem:$0x3FBB]  }
0x39: {  	_ = 	snop;
	(pc) =	sbr.ind lr, $3  }
0x3a: {  	_ = 	snop  }
0x3b: {  	_ = 	snop  }
0x3c: {  	p2 =	seq.s32 s10, $0x1;
	s10 =	sld [smem:$0x3FBA]  }
0x3d: {  	_ =	shalt  }
0x3e: {  	_ =	shalt  }
0x3f: {  	_ =	shalt  }
0x40: {  	_ =	shalt  }
0x41: {  	_ =	shalt  }
0x42: {  	_ =	shalt  }
0x43: {  	_ =	shalt  }
0x44: {  	_ =	shalt  }
0x45: {  	_ =	shalt  }
0x46: {  	_ =	shalt  }
0x47: {  	_ =	shalt  }
0x48: {  	_ =	shalt  }
0x49: {  	_ =	shalt  }
0x4a: {  	_ =	shalt  }
0x4b: {  	_ =	shalt  }
0x4c: {  	_ =	shalt  }
0x4d: {  	_ =	shalt  }
0x4e: {  	_ =	shalt  }
0x4f: {  	_ =	shalt  }
0x50: {  	_ =	shalt  }
0x51: {  	_ =	shalt  }
0x52: {  	_ =	shalt  }
0x53: {  	_ =	shalt  }
0x54: {  	_ =	shalt  }
0x55: {  	_ =	shalt  }
0x56: {  	_ =	shalt  }
0x57: {  	_ =	shalt  }
0x58: {  	_ =	shalt  }
0x59: {  	_ =	shalt  }
0x5a: {  	_ =	shalt  }
0x5b: {  	_ =	shalt  }
0x5c: {  	_ =	shalt  }
0x5d: {  	_ =	shalt  }
0x5e: {  	_ =	shalt  }
0x5f: {  	_ =	shalt  }
0x60: {  	_ =	shalt  }
0x61: {  	_ =	shalt  }
0x62: {  	_ =	shalt  }
0x63: {  	_ =	shalt  }
0x64: {  	_ =	shalt  }
0x65: {  	_ =	shalt  }
0x66: {  	_ =	shalt  }
0x67: {  	_ =	shalt  }
0x68: {  	_ =	shalt  }
0x69: {  	_ =	shalt  }
0x6a: {  	_ =	shalt  }
0x6b: {  	_ =	shalt  }
0x6c: {  	_ =	shalt  }
0x6d: {  	_ =	shalt  }
0x6e: {  	_ =	shalt  }
0x6f: {  	_ =	shalt  }
0x70: {  	_ =	shalt  }
0x71: {  	_ =	shalt  }
0x72: {  	_ =	shalt  }
0x73: {  	_ =	shalt  }
0x74: {  	_ =	shalt  }
0x75: {  	_ =	shalt  }
0x76: {  	_ =	shalt  }
0x77: {  	_ =	shalt  }
0x78: {  	_ =	shalt  }
0x79: {  	_ =	shalt  }
0x7a: {  	_ =	shalt  }
0x7b: {  	_ =	shalt  }
0x7c: {  	_ =	shalt  }
0x7d: {  	_ =	shalt  }
0x7e: {  	_ =	shalt  }
0x7f: {  	_ =	shalt  }
0x80: {  	_ =	shalt  }
0x81: {  	_ =	shalt  }
0x82: {  	_ =	shalt  }
0x83: {  	_ =	shalt  }
0x84: {  	_ =	shalt  }
0x85: {  	_ =	shalt  }
0x86: {  	_ =	shalt  }
0x87: {  	_ =	shalt  }
.Lfunc_end0:
.L_simem_size_0:
called_computation.1_lowered:
.L_overlay_start_0:
0x88: {  	s2 =	sld [smem:$0x3FD9]  }
0x89: {  	s3 =	sld [smem:$0x3FFE];
	_ =	sdelay $0x1  }
0x8a: {  	s1 =	srdreg.scid  }
0x8b: {  	s0 =	sand.u32 $0x1, s1  }
0x8c: {  	s17 =	sshll.u32 s0, $0xA;
	s2 =	sadd.s32 s3, s2  }
0x8d: {  	s2 =	sadd.s32 s2, s17  }
0x8e: {  	[smem:$0x3FC6] =	sst s2  }
0x8f: {  	_ = 	snop  }
0x90: {  	s2 =	sld [smem:$0x3FD0];
	(tm) =	ssettm $0x1  }
0x91: {  	s18 =	sld [smem:$0x3FFB];
	_ =	sdelay $0x3  }
0x92: {  	_ =	strace s18  }
0x93: {  	s3 =	sld [smem:$0x3FFC];
	_ =	sdelay $0x3  }
0x94: {  	_ =	strace s3  }
0x95: {  	s3 =	sld [smem:$0x3FFD];
	_ =	sdelay $0x3  }
0x96: {  	_ =	strace s3  }
0x97: {  	_ =	strace $0x8FFFFFFF  }
0x98: {  	s19 =	sld [smem:$0x3FDB];
	_ =	sdelay $0x1  }
0x99: {  	s4 =	simm.s32 $_scs_section_size  }
0x9a: {  	s5 =	simm.s32 $_size__tile_overlayer_lowered;
	s6 =	simm.s32 $_tile_overlayer_lowered  }
0x9b: {  	s22 =	simm.s32 $0x1BFF;
	s21 =	sshll.u32 s6, $0x1;
	s3 =	sadd.s32 s4, s19  }
0x9c: {  	s7 =	simm.s32 $0x0;
	s20 =	sshll.u32 s5, $0x1;
	s5 =	sadd.s32 s21, s3  }
0x9d: {  	[timem:s7], [sflag:s22] =	dma.local [hbm:s5], s20  }
0x9e: {  	_ =	swait.ge [sflag:s22], s20  }
0x9f: {  	s4 =	ssub.s32 $0x0, s20;
	[sflag:s22] =	ssyncset.done $0x0  }
0xa0: {  	[sflag:s22] =	ssyncadd.s32 s4;
	_ =	sdelay $0x1  }
0xa1: {  	s23 =	simm.s32 $0x1B8B  }
0xa2: {  	_ =	swait.ge [sflag:s23], $0x1  }
0xa3: {  	[sflag:s23] =	ssyncset.done $0x0  }
0xa4: {  	s25 =	simm.s32 $0x1B8E;
	s24 =	sld [smem:$0x3FFE];
	[sflag:s23] =	ssyncadd.s32 $0xFFFFFFFF  }
0xa5: {  	s26 =	simm.s32 $execute0_lowered;
	[smem:$0x3FD2] =	sst s25  }
0xa6: {  	s5 =	sshll.u32 s26, $0x1;
	_ =	strace $0x80000049;
	[dreg:$0x1] =	wrdreg $0xFFFFFFFF  }
0xa7: {  	s28 =	simm.s32 $_size_execute0_lowered;
	s3 =	sadd.s32 s3, s5;
	[dreg:$0x0] =	wrdreg $0x0  }
0xa8: {  	s5 =	sshll.u32 s28, $0x1;
	[dreg:$0x2] =	wrdreg s3  }
0xa9: {  	[dreg:$0x3] =	wrdreg s5  }
0xaa: {  	[dreg:$0x4] =	wrdreg $0xC0  }
0xab: {  	_ =	task [dreg:s7], $0x5FFFF  }
0xac: {  	[dreg:$0x1] =	wrdreg $0xFFFFFFFF  }
0xad: {  	[dreg:$0x0] =	wrdreg $0x60  }
0xae: {  	[dreg:$0x2] =	wrdreg s2  }
0xaf: {  	[dreg:$0x3] =	wrdreg s24  }
0xb0: {  	[dreg:$0x4] =	wrdreg $0x9  }
0xb1: {  	_ =	task.clear_ibuf [dreg:s7], $0x5FFFF;
	_ =	strace $0x90000049  }
0xb2: {  	s29 =	simm.s32 $0x9;
	_ =	strace $0x8000004B  }
0xb3: {  	_ =	swait.ge [sflag:s29], $0x1  }
0xb4: {  	[sflag:s29] =	ssyncadd.s32 $0xFFFFFFFF  }
0xb5: {  	_ =	strace $0x9000004B  }
0xb6: {  	_ =	sfence  }
0xb7: {  	s30 =	sld [smem:$0x0];
	_ =	sdelay $0x2  }
0xb8: {  	s31 =	sshll.u32 s1, $0xD;
	s1 =	sshrl.u32 s1, $0x2  }
0xb9: {  	s3 =	sand.u32 $0x4000, s31;
	s1 =	sadd.s32 s1, s30  }
0xba: {  	s0 =	sor.u32 s3, s0;
	s1 =	sshll.u32 s1, $0x11  }
0xbb: {  	s0 =	sor.u32 s1, s0  }
0xbc: {  	s0 =	sadd.s32 $0x8F2B, s0  }
0xbd: {  	[sflag:s0] =	ssyncadd.remote.s32 $0x1  }
0xbe: {  	_ =	sfence.sel $0xFFFF  }
0xbf: {  	[dreg:$0x0] =	wrdreg $0xFFFFFFFF;
	(pc) =	sbr.abs _section_cstart, $3  }
0xc0: {  	[dreg:$0x1] =	wrdreg $0xFFFFFFFF  }
0xc1: {  	_ =	task.clear_ibuf [dreg:s7], $0x2FFFF;
	_ =	strace $0x9FFFFFFF  }
0xc2: {  	(tm) =	ssettm $0x7FFFFFFF  }
0xc3: {  	_ =	shalt  }
tec
execute0_lowered:
.L_overlay_start_1:
0x0: {  	(tag) =	ssettag $0x1  }
0x1: {  	s0 =	srdreg.scid;
	s1 =	rddreg [dreg:$0x0]  }
0x2: {  	s2 =	stileid.u32;
	s4 =	rddreg [dreg:$0x1]  }
0x3: {  	s17 =	simm.s32 $0x14500;
	s19 =	simm.s32 $0x100;
	s22 =	simm.s32 $0xA000  }
0x4: {  	s25 =	simm.s32 $0x2;
	s29 =	simm.s32 $0xC100;
	s20 =	simm.s32 $0xE200  }
0x5: {  	s23 =	simm.s32 $0x4;
	s26 =	simm.s32 $0x10300;
	s30 =	simm.s32 $0x5  }
0x6: {  	s18 =	simm.s32 $0x0;
	s0 =	sand.u32 $0x1, s0;
	s2 =	sshll.u32 s2, $0x1  }
0x7: {  	s12 =	sadd.s32 $0xA0, s1;
	s13 =	sadd.s32 $0xC0, s1;
	s14 =	sadd.s32 $0xE0, s1  }
0x8: {  	s15 =	sadd.s32 $0x100, s1;
	s16 =	sadd.s32 $0x120, s1;
	s5 =	sor.u32 s0, s2  }
0x9: {  	s2 =	simm.s32 $0x0;
	s0 =	ssub.s32 $0x2, s0;
	s6 =	smul.u32 $0x6400, s5  }
0xa: {  	[smem:$0x7FF] =	sst s2;
	s3 =	smul.u32 $0x2400, s5;
	s9 =	sshrl.u32 s0, $0x1  }
0xb: {  	s5 =	smul.u32 $0x64, s5;
	_ =	strace $0x8000004A;
	s0 =	ssub.s32 s0, s9  }
0xc: {  	s7 =	sand.u32 $0xFC000, s6;
	s8 =	sand.u32 $0x3C00, s3;
	s6 =	sshrl.u32 s6, $0x3  }
0xd: {  	s0 =	smax.u32 s0, $0x1;
	s7 =	sor.u32 s8, s7;
	s6 =	sadd.s32 s1, s6  }
0xe: {  	[dreg:$0x8] =	wrdreg s0;
	s7 =	sshrl.u32 s7, $0x3;
	s6 =	sadd.s32 $0x80, s6  }
0xf: {  	s3 =	sadd.s32 $0xF42E00, s4;
	s7 =	sadd.s32 s1, s7;
	[dreg:$0x7] =	wrdreg s6  }
0x10: {  	v0 =	vlaneseq.u32;
	s4 =	sadd.s32 $0xA00, s4;
	s28 =	sadd.s32 $0x20, s7;
	[dreg:$0x3] =	wrdreg s7  }
0x11: {  	v0 =	vmul.u32 $0x108, v0;
	s0 =	simm.s32 $0x1;
	s31 =	sadd.s32 $0x40, s7;
	[dreg:$0x4] =	wrdreg s28  }
0x12: {  	s1 =	simm.s32 $0x3;
	s7 =	sadd.s32 $0x60, s7;
	[dreg:$0x5] =	wrdreg s31  }
0x13: {  	v1 =	vadd.s32 $0x1080, v0;
	s6 =	simm.s32 $0xA;
	[dreg:$0x6] =	wrdreg s7;
	s7 =	simm.s32 $0x12400  }
.LBB2_1:
0x14: {  	s8 =	rddreg [dreg:$0x3];
	s21 =	simm.s32 $0xB  }
0x15: {  	[tilespmem:s17], [sflag:$0xB] =	stream.linear.gather [hbm4b:s8+s2], $0x100, $0x38;
	[tilespmem:$0x14A00] =	vst v63  }
0x16: {  	_ =	swait.ge [sflag:s21], $0x100  }
0x17: {  	[sflag:s21] =	ssyncset.done $0x0  }
0x18: {  	[sflag:s21] =	ssyncadd.s32 $0xFFFFFF00  }
0x19: {  	v2 =	vld [tilespmem:$0x14500]  }
0x1a: {  	v3 =	vld [tilespmem:$0x14510]  }
0x1b: {  	v4 =	vld [tilespmem:$0x14520]  }
0x1c: {  	v5 =	vld [tilespmem:$0x14530]  }
0x1d: {  	v6 =	vld [tilespmem:$0x14540]  }
0x1e: {  	v7 =	vld [tilespmem:$0x14550];
	v2 =	vshll.u32 v2, $0x2  }
0x1f: {  	[tilespmem:$0x14500] =	vst v2;
	v2 =	vshll.u32 v3, $0x2;
	v3 =	vld [tilespmem:$0x14560]  }
0x20: {  	v63 =	vld [tilespmem:$0x14570];
	[tilespmem:$0x14510] =	vst v2;
	v2 =	vshll.u32 v4, $0x2  }
0x21: {  	v9 =	vld [tilespmem:$0x14580];
	[tilespmem:$0x14520] =	vst v2;
	v2 =	vshll.u32 v5, $0x2  }
0x22: {  	v10 =	vld [tilespmem:$0x14590];
	[tilespmem:$0x14530] =	vst v2;
	v2 =	vshll.u32 v6, $0x2  }
0x23: {  	v11 =	vld [tilespmem:$0x145A0];
	[tilespmem:$0x14540] =	vst v2;
	v2 =	vshll.u32 v7, $0x2  }
0x24: {  	[tilespmem:$0x14550] =	vst v2;
	v2 =	vshll.u32 v3, $0x2;
	v3 =	vld [tilespmem:$0x145B0]  }
0x25: {  	v12 =	vld [tilespmem:$0x145C0];
	[tilespmem:$0x14560] =	vst v2;
	v2 =	vshll.u32 v63, $0x2  }
0x26: {  	v13 =	vld [tilespmem:$0x145D0];
	[tilespmem:$0x14570] =	vst v2;
	v2 =	vshll.u32 v9, $0x2  }
0x27: {  	v14 =	vld [tilespmem:$0x145E0];
	[tilespmem:$0x14580] =	vst v2;
	v2 =	vshll.u32 v10, $0x2  }
0x28: {  	v15 =	vld [tilespmem:$0x145F0];
	[tilespmem:$0x14590] =	vst v2;
	v2 =	vshll.u32 v11, $0x2  }
0x29: {  	[tilespmem:$0x145A0] =	vst v2;
	v2 =	vshll.u32 v3, $0x2  }
0x2a: {  	[tilespmem:$0x145B0] =	vst v2;
	v2 =	vshll.u32 v12, $0x2  }
0x2b: {  	[tilespmem:$0x145C0] =	vst v2;
	v2 =	vshll.u32 v13, $0x2  }
0x2c: {  	[tilespmem:$0x145D0] =	vst v2;
	v2 =	vshll.u32 v14, $0x2  }
0x2d: {  	[tilespmem:$0x145E0] =	vst v2;
	v2 =	vshll.u32 v15, $0x2  }
0x2e: {  	[tilespmem:$0x145F0] =	vst v2  }
0x2f: {  	[tilespmem:s2], [sflag:$0x1] =	stream.indirect.gather [hbm4b:s3+s19], $0x20, s17, s19, $0xb8;
	[tilespmem:$0x14A00] =	vst v63  }
0x30: {  	s9 =	simm.s32 $0x14600;
	s28 =	simm.s32 $0xC;
	s24 =	rddreg [dreg:$0x4]  }
0x31: {  	[tilespmem:s9], [sflag:$0xC] =	stream.linear.gather [hbm4b:s24+s2], $0x100, $0x38;
	[tilespmem:$0x14A00] =	vst v63  }
0x32: {  	_ =	swait.ge [sflag:s28], $0x100  }
0x33: {  	[sflag:s28] =	ssyncset.done $0x0  }
0x34: {  	[sflag:s28] =	ssyncadd.s32 $0xFFFFFF00  }
0x35: {  	v2 =	vld [tilespmem:$0x14600]  }
0x36: {  	v3 =	vld [tilespmem:$0x14610]  }
0x37: {  	v16 =	vld [tilespmem:$0x14620]  }
0x38: {  	v17 =	vld [tilespmem:$0x14630]  }
0x39: {  	v18 =	vld [tilespmem:$0x14640]  }
0x3a: {  	v19 =	vld [tilespmem:$0x14650];
	v2 =	vshll.u32 v2, $0x2  }
0x3b: {  	[tilespmem:$0x14600] =	vst v2;
	v2 =	vshll.u32 v3, $0x2;
	v3 =	vld [tilespmem:$0x14660]  }
0x3c: {  	v20 =	vld [tilespmem:$0x14670];
	[tilespmem:$0x14610] =	vst v2;
	v2 =	vshll.u32 v16, $0x2  }
0x3d: {  	v21 =	vld [tilespmem:$0x14680];
	[tilespmem:$0x14620] =	vst v2;
	v2 =	vshll.u32 v17, $0x2  }
0x3e: {  	v22 =	vld [tilespmem:$0x14690];
	[tilespmem:$0x14630] =	vst v2;
	v2 =	vshll.u32 v18, $0x2  }
0x3f: {  	v23 =	vld [tilespmem:$0x146A0];
	[tilespmem:$0x14640] =	vst v2;
	v2 =	vshll.u32 v19, $0x2  }
0x40: {  	[tilespmem:$0x14650] =	vst v2;
	v2 =	vshll.u32 v3, $0x2;
	v3 =	vld [tilespmem:$0x146B0]  }
0x41: {  	v24 =	vld [tilespmem:$0x146C0];
	[tilespmem:$0x14660] =	vst v2;
	v2 =	vshll.u32 v20, $0x2  }
0x42: {  	v25 =	vld [tilespmem:$0x146D0];
	[tilespmem:$0x14670] =	vst v2;
	v2 =	vshll.u32 v21, $0x2  }
0x43: {  	v26 =	vld [tilespmem:$0x146E0];
	[tilespmem:$0x14680] =	vst v2;
	v2 =	vshll.u32 v22, $0x2  }
0x44: {  	v27 =	vld [tilespmem:$0x146F0];
	[tilespmem:$0x14690] =	vst v2;
	v2 =	vshll.u32 v23, $0x2  }
0x45: {  	[tilespmem:$0x146A0] =	vst v2;
	v2 =	vshll.u32 v3, $0x2  }
0x46: {  	[tilespmem:$0x146B0] =	vst v2;
	v2 =	vshll.u32 v24, $0x2  }
0x47: {  	[tilespmem:$0x146C0] =	vst v2;
	v2 =	vshll.u32 v25, $0x2  }
0x48: {  	[tilespmem:$0x146D0] =	vst v2;
	v2 =	vshll.u32 v26, $0x2  }
0x49: {  	[tilespmem:$0x146E0] =	vst v2;
	v2 =	vshll.u32 v27, $0x2  }
0x4a: {  	s31 =	simm.s32 $0x2000;
	[tilespmem:$0x146F0] =	vst v2  }
0x4b: {  	[tilespmem:s31], [sflag:$0x2] =	stream.indirect.gather [hbm4b:s3+s19], $0x20, s9, s19, $0xb8;
	[tilespmem:$0x14A00] =	vst v63  }
0x4c: {  	s11 =	simm.s32 $0x14700;
	s21 =	simm.s32 $0xD;
	s10 =	rddreg [dreg:$0x5]  }
0x4d: {  	[tilespmem:s11], [sflag:$0xD] =	stream.linear.gather [hbm4b:s10+s2], $0x100, $0x38;
	[tilespmem:$0x14A00] =	vst v63  }
0x4e: {  	_ =	swait.ge [sflag:s21], $0x100  }
0x4f: {  	[sflag:s21] =	ssyncset.done $0x0  }
0x50: {  	[sflag:s21] =	ssyncadd.s32 $0xFFFFFF00  }
0x51: {  	v2 =	vld [tilespmem:$0x14700]  }
0x52: {  	v3 =	vld [tilespmem:$0x14710]  }
0x53: {  	v28 =	vld [tilespmem:$0x14720]  }
0x54: {  	v29 =	vld [tilespmem:$0x14730]  }
0x55: {  	v30 =	vld [tilespmem:$0x14740]  }
0x56: {  	v31 =	vld [tilespmem:$0x14750];
	v2 =	vshll.u32 v2, $0x2  }
0x57: {  	[tilespmem:$0x14700] =	vst v2;
	v2 =	vshll.u32 v3, $0x2;
	v3 =	vld [tilespmem:$0x14760]  }
0x58: {  	v32 =	vld [tilespmem:$0x14770];
	[tilespmem:$0x14710] =	vst v2;
	v2 =	vshll.u32 v28, $0x2  }
0x59: {  	v33 =	vld [tilespmem:$0x14780];
	[tilespmem:$0x14720] =	vst v2;
	v2 =	vshll.u32 v29, $0x2  }
0x5a: {  	v34 =	vld [tilespmem:$0x14790];
	[tilespmem:$0x14730] =	vst v2;
	v2 =	vshll.u32 v30, $0x2  }
0x5b: {  	v35 =	vld [tilespmem:$0x147A0];
	[tilespmem:$0x14740] =	vst v2;
	v2 =	vshll.u32 v31, $0x2  }
0x5c: {  	[tilespmem:$0x14750] =	vst v2;
	v2 =	vshll.u32 v3, $0x2;
	v3 =	vld [tilespmem:$0x147B0]  }
0x5d: {  	v36 =	vld [tilespmem:$0x147C0];
	[tilespmem:$0x14760] =	vst v2;
	v2 =	vshll.u32 v32, $0x2  }
0x5e: {  	v37 =	vld [tilespmem:$0x147D0];
	[tilespmem:$0x14770] =	vst v2;
	v2 =	vshll.u32 v33, $0x2  }
0x5f: {  	v38 =	vld [tilespmem:$0x147E0];
	[tilespmem:$0x14780] =	vst v2;
	v2 =	vshll.u32 v34, $0x2  }
0x60: {  	v39 =	vld [tilespmem:$0x147F0];
	[tilespmem:$0x14790] =	vst v2;
	v2 =	vshll.u32 v35, $0x2  }
0x61: {  	[tilespmem:$0x147A0] =	vst v2;
	v2 =	vshll.u32 v3, $0x2  }
0x62: {  	[tilespmem:$0x147B0] =	vst v2;
	v2 =	vshll.u32 v36, $0x2  }
0x63: {  	[tilespmem:$0x147C0] =	vst v2;
	v2 =	vshll.u32 v37, $0x2  }
0x64: {  	[tilespmem:$0x147D0] =	vst v2;
	v2 =	vshll.u32 v38, $0x2  }
0x65: {  	[tilespmem:$0x147E0] =	vst v2;
	v2 =	vshll.u32 v39, $0x2  }
0x66: {  	s24 =	simm.s32 $0x4000;
	[tilespmem:$0x147F0] =	vst v2  }
0x67: {  	[tilespmem:s24], [sflag:$0x3] =	stream.indirect.gather [hbm4b:s3+s19], $0x20, s11, s19, $0xb8;
	[tilespmem:$0x14A00] =	vst v63  }
0x68: {  	s31 =	simm.s32 $0x14800;
	s10 =	simm.s32 $0xE;
	s28 =	rddreg [dreg:$0x6]  }
0x69: {  	[tilespmem:s31], [sflag:$0xE] =	stream.linear.gather [hbm4b:s28+s2], $0x100, $0x38;
	[tilespmem:$0x14A00] =	vst v63  }
0x6a: {  	_ =	swait.ge [sflag:s10], $0x100  }
0x6b: {  	[sflag:s10] =	ssyncset.done $0x0  }
0x6c: {  	[sflag:s10] =	ssyncadd.s32 $0xFFFFFF00  }
0x6d: {  	v2 =	vld [tilespmem:$0x14800]  }
0x6e: {  	v3 =	vld [tilespmem:$0x14810]  }
0x6f: {  	v40 =	vld [tilespmem:$0x14820]  }
0x70: {  	v41 =	vld [tilespmem:$0x14830]  }
0x71: {  	v42 =	vld [tilespmem:$0x14840]  }
0x72: {  	v43 =	vld [tilespmem:$0x14850];
	v2 =	vshll.u32 v2, $0x2  }
0x73: {  	[tilespmem:$0x14800] =	vst v2;
	v2 =	vshll.u32 v3, $0x2;
	v3 =	vld [tilespmem:$0x14860]  }
0x74: {  	v44 =	vld [tilespmem:$0x14870];
	[tilespmem:$0x14810] =	vst v2;
	v2 =	vshll.u32 v40, $0x2  }
0x75: {  	v45 =	vld [tilespmem:$0x14880];
	[tilespmem:$0x14820] =	vst v2;
	v2 =	vshll.u32 v41, $0x2  }
0x76: {  	v46 =	vld [tilespmem:$0x14890];
	[tilespmem:$0x14830] =	vst v2;
	v2 =	vshll.u32 v42, $0x2  }
0x77: {  	v47 =	vld [tilespmem:$0x148A0];
	[tilespmem:$0x14840] =	vst v2;
	v2 =	vshll.u32 v43, $0x2  }
0x78: {  	[tilespmem:$0x14850] =	vst v2;
	v2 =	vshll.u32 v3, $0x2;
	v3 =	vld [tilespmem:$0x148B0]  }
0x79: {  	v48 =	vld [tilespmem:$0x148C0];
	[tilespmem:$0x14860] =	vst v2;
	v2 =	vshll.u32 v44, $0x2  }
0x7a: {  	v49 =	vld [tilespmem:$0x148D0];
	[tilespmem:$0x14870] =	vst v2;
	v2 =	vshll.u32 v45, $0x2  }
0x7b: {  	v50 =	vld [tilespmem:$0x148E0];
	[tilespmem:$0x14880] =	vst v2;
	v2 =	vshll.u32 v46, $0x2  }
0x7c: {  	v51 =	vld [tilespmem:$0x148F0];
	[tilespmem:$0x14890] =	vst v2;
	v2 =	vshll.u32 v47, $0x2  }
0x7d: {  	[tilespmem:$0x148A0] =	vst v2;
	v2 =	vshll.u32 v3, $0x2  }
0x7e: {  	[tilespmem:$0x148B0] =	vst v2;
	v2 =	vshll.u32 v48, $0x2  }
0x7f: {  	[tilespmem:$0x148C0] =	vst v2;
	v2 =	vshll.u32 v49, $0x2  }
0x80: {  	[tilespmem:$0x148D0] =	vst v2;
	v2 =	vshll.u32 v50, $0x2  }
0x81: {  	[tilespmem:$0x148E0] =	vst v2;
	v2 =	vshll.u32 v51, $0x2  }
0x82: {  	s11 =	simm.s32 $0x6000;
	[tilespmem:$0x148F0] =	vst v2  }
0x83: {  	[tilespmem:s11], [sflag:$0x4] =	stream.indirect.gather [hbm4b:s3+s19], $0x20, s31, s19, $0xb8;
	[tilespmem:$0x14A00] =	vst v63  }
0x84: {  	s24 =	simm.s32 $0x14900;
	s28 =	simm.s32 $0xF;
	s21 =	rddreg [dreg:$0x7]  }
0x85: {  	[tilespmem:s24], [sflag:$0xF] =	stream.linear.gather [hbm4b:s21+s2], $0x100, $0x38;
	[tilespmem:$0x14A00] =	vst v63  }
0x86: {  	_ =	swait.ge [sflag:s28], $0x100  }
0x87: {  	[sflag:s28] =	ssyncset.done $0x0  }
0x88: {  	[sflag:s28] =	ssyncadd.s32 $0xFFFFFF00  }
0x89: {  	v2 =	vld [tilespmem:$0x14900]  }
0x8a: {  	v3 =	vld [tilespmem:$0x14910]  }
0x8b: {  	v52 =	vld [tilespmem:$0x14920]  }
0x8c: {  	v53 =	vld [tilespmem:$0x14930]  }
0x8d: {  	v54 =	vld [tilespmem:$0x14940]  }
0x8e: {  	v55 =	vld [tilespmem:$0x14950];
	v2 =	vshll.u32 v2, $0x2  }
0x8f: {  	[tilespmem:$0x14900] =	vst v2;
	v2 =	vshll.u32 v3, $0x2;
	v3 =	vld [tilespmem:$0x14960]  }
0x90: {  	v56 =	vld [tilespmem:$0x14970];
	[tilespmem:$0x14910] =	vst v2;
	v2 =	vshll.u32 v52, $0x2  }
0x91: {  	v57 =	vld [tilespmem:$0x14980];
	[tilespmem:$0x14920] =	vst v2;
	v2 =	vshll.u32 v53, $0x2  }
0x92: {  	v58 =	vld [tilespmem:$0x14990];
	[tilespmem:$0x14930] =	vst v2;
	v2 =	vshll.u32 v54, $0x2  }
0x93: {  	v59 =	vld [tilespmem:$0x149A0];
	[tilespmem:$0x14940] =	vst v2;
	v2 =	vshll.u32 v55, $0x2  }
0x94: {  	[tilespmem:$0x14950] =	vst v2;
	v2 =	vshll.u32 v3, $0x2;
	v3 =	vld [tilespmem:$0x149B0]  }
0x95: {  	v60 =	vld [tilespmem:$0x149C0];
	[tilespmem:$0x14960] =	vst v2;
	v2 =	vshll.u32 v56, $0x2  }
0x96: {  	v61 =	vld [tilespmem:$0x149D0];
	[tilespmem:$0x14970] =	vst v2;
	v2 =	vshll.u32 v57, $0x2  }
0x97: {  	v62 =	vld [tilespmem:$0x149E0];
	[tilespmem:$0x14980] =	vst v2;
	v2 =	vshll.u32 v58, $0x2  }
0x98: {  	v63 =	vld [tilespmem:$0x149F0];
	[tilespmem:$0x14990] =	vst v2;
	v2 =	vshll.u32 v59, $0x2  }
0x99: {  	[tilespmem:$0x149A0] =	vst v2;
	v2 =	vshll.u32 v3, $0x2  }
0x9a: {  	[tilespmem:$0x149B0] =	vst v2;
	v2 =	vshll.u32 v60, $0x2  }
0x9b: {  	[tilespmem:$0x149C0] =	vst v2;
	v2 =	vshll.u32 v61, $0x2  }
0x9c: {  	[tilespmem:$0x149D0] =	vst v2;
	v2 =	vshll.u32 v62, $0x2  }
0x9d: {  	[tilespmem:$0x149E0] =	vst v2;
	v2 =	vshll.u32 v63, $0x2  }
0x9e: {  	s31 =	simm.s32 $0x8000;
	s21 =	simm.s32 $0x0;
	[tilespmem:$0x149F0] =	vst v2  }
0x9f: {  	[tilespmem:s31], [sflag:$0x5] =	stream.indirect.gather [hbm4b:s3+s19], $0x20, s24, s19, $0xb8;
	[tilespmem:$0x14A00] =	vst v63  }
.LBB2_2:
0xa0: {  	_ =	swait.ge [sflag:s0], $0x2000  }
0xa1: {  	p1 =	seq.s32 s21, $0x0;
	[sflag:s0] =	ssyncset.done $0x0  }
0xa2: {  	s9 =	smul.u32 $0x5, s21;
	s8 =	simm.s32 @!p1 $0x6;
	[sflag:s0] =	ssyncadd.s32 $0xFFFFE000  }
0xa3: {  	p0 =	seq.s32 @!p1 s21, $0x13;
	_ =	swait.ge @!p1 [sflag:s8], $0x2000  }
0xa4: {  	p2 =	por p1, !p0;
	s24 =	sadd.s32 s5, s9;
	[sflag:s8] =	ssyncset.done @!p1 $0x0  }
0xa5: {  	[sflag:s8] =	ssyncadd.s32 @!p1 $0xFFFFE000;
	s8 =	sshll.u32 @p2 s24, $0x5  }
0xa6: {  	s8 =	sadd.s32 @p2 s12, s8  }
0xa7: {  	[tilespmem:s17], [sflag:$0xB] =	stream.linear.gather @p2 [hbm4b:s8+s2], $0x100, $0x38;
	[tilespmem:$0x14A00] =	vst v63  }
0xa8: {  	s31 =	simm.s32 $0x0;
	s8 =	simm.s32 $0x40  }
0xa9: {  	v2 =	vmov s31;
	v3 =	vld [tilespmem:s8+$0xFFFFFFC0]  }
0xaa: {  	v2 =	vand.u32 $0xFC, v2  }
0xab: {  	v4 =	vadd.s32 v0, v2;
	_ =	sdelay $0x2  }
0xac: {  	v3 =	vmul.f32 $5.656854150e+00, v3;
	_ =	sdelay $0x1  }
0xad: {  	[tilespmem:v4+s22+$0x0] =	vst.idx.msk $0xffff, v3  }
0xae: {  	v3 =	vld [tilespmem:s8+$0xFFFFFFD0];
	_ =	sdelay $0x1  }
0xaf: {  	v2 =	vadd.s32 v1, v2;
	_ =	sdelay $0x2  }
0xb0: {  	v3 =	vmul.f32 $5.656854150e+00, v3;
	_ =	sdelay $0x1  }
0xb1: {  	s10 =	simm.s32 $0x1;
	[tilespmem:v2+s22+$0x0] =	vst.idx.msk $0xffff, v3  }
0xb2: {  	v2 =	vmov s10;
	v3 =	vld [tilespmem:s8+$0xFFFFFFE0]  }
0xb3: {  	v2 =	vand.u32 $0xFD, v2  }
0xb4: {  	v4 =	vadd.s32 v0, v2;
	_ =	sdelay $0x2  }
0xb5: {  	v3 =	vmul.f32 $5.656854150e+00, v3;
	_ =	sdelay $0x1  }
0xb6: {  	[tilespmem:v4+s22+$0x0] =	vst.idx.msk $0xffff, v3  }
0xb7: {  	v3 =	vld [tilespmem:s8+$0xFFFFFFF0];
	_ =	sdelay $0x1  }
0xb8: {  	v2 =	vadd.s32 v1, v2;
	_ =	sdelay $0x2  }
0xb9: {  	v3 =	vmul.f32 $5.656854150e+00, v3;
	_ =	sdelay $0x1  }
0xba: {  	s11 =	simm.s32 $0x2;
	[tilespmem:v2+s22+$0x0] =	vst.idx.msk $0xffff, v3  }
0xbb: {  	v2 =	vmov s11;
	v3 =	vld [tilespmem:s8+$0x0]  }
0xbc: {  	v2 =	vand.u32 $0xFE, v2  }
0xbd: {  	v4 =	vadd.s32 v0, v2;
	_ =	sdelay $0x2  }
0xbe: {  	v3 =	vmul.f32 $5.656854150e+00, v3;
	_ =	sdelay $0x1  }
0xbf: {  	[tilespmem:v4+s22+$0x0] =	vst.idx.msk $0xffff, v3  }
0xc0: {  	v3 =	vld [tilespmem:s8+$0x10];
	_ =	sdelay $0x1  }
0xc1: {  	v2 =	vadd.s32 v1, v2;
	_ =	sdelay $0x2  }
0xc2: {  	v3 =	vmul.f32 $5.656854150e+00, v3;
	_ =	sdelay $0x1  }
0xc3: {  	s31 =	simm.s32 $0x3;
	[tilespmem:v2+s22+$0x0] =	vst.idx.msk $0xffff, v3  }
0xc4: {  	v2 =	vmov s31;
	v3 =	vld [tilespmem:s8+$0x20]  }
0xc5: {  	v2 =	vand.u32 $0xFF, v2  }
0xc6: {  	v4 =	vadd.s32 v0, v2;
	_ =	sdelay $0x2  }
0xc7: {  	v3 =	vmul.f32 $5.656854150e+00, v3;
	_ =	sdelay $0x1  }
0xc8: {  	[tilespmem:v4+s22+$0x0] =	vst.idx.msk $0xffff, v3  }
0xc9: {  	v3 =	vld [tilespmem:s8+$0x30];
	_ =	sdelay $0x1  }
0xca: {  	v2 =	vadd.s32 v1, v2;
	_ =	sdelay $0x1  }
0xcb: {  	p0 =	por @!p1 $0x1, $0x1  }
0xcc: {  	s28 =	simm.s32 $0x4;
	p0 =	por @p2 $0x0, $0x0;
	v3 =	vmul.f32 $5.656854150e+00, v3  }
.LBB2_3:
0xcd: {  	p2 =	slt.u32 s28, $0xFC  }
0xce: {  	s8 =	sadd.s32 $0x80, s8;
	s9 =	smov.u32 s28;
	s28 =	sadd.s32 $0x4, s28;
	[tilespmem:v2+s22+$0x0] =	vst.idx.msk $0xffff, v3  }
0xcf: {  	v2 =	vmov s9;
	v3 =	vld [tilespmem:s8+$0xFFFFFFC0]  }
0xd0: {  	v2 =	vand.u32 $0xFC, v2  }
0xd1: {  	v4 =	vadd.s32 v0, v2;
	_ =	sdelay $0x2  }
0xd2: {  	v3 =	vmul.f32 $5.656854150e+00, v3;
	_ =	sdelay $0x1  }
0xd3: {  	[tilespmem:v4+s22+$0x0] =	vst.idx.msk $0xffff, v3  }
0xd4: {  	v3 =	vld [tilespmem:s8+$0xFFFFFFD0];
	_ =	sdelay $0x1  }
0xd5: {  	v2 =	vadd.s32 v1, v2;
	_ =	sdelay $0x2  }
0xd6: {  	v3 =	vmul.f32 $5.656854150e+00, v3;
	_ =	sdelay $0x1  }
0xd7: {  	s10 =	sadd.s32 $0x1, s9;
	[tilespmem:v2+s22+$0x0] =	vst.idx.msk $0xffff, v3  }
0xd8: {  	v2 =	vmov s10;
	v3 =	vld [tilespmem:s8+$0xFFFFFFE0]  }
0xd9: {  	v2 =	vand.u32 $0xFD, v2  }
0xda: {  	v4 =	vadd.s32 v0, v2;
	_ =	sdelay $0x2  }
0xdb: {  	v3 =	vmul.f32 $5.656854150e+00, v3;
	_ =	sdelay $0x1  }
0xdc: {  	[tilespmem:v4+s22+$0x0] =	vst.idx.msk $0xffff, v3  }
0xdd: {  	v3 =	vld [tilespmem:s8+$0xFFFFFFF0];
	_ =	sdelay $0x1  }
0xde: {  	v2 =	vadd.s32 v1, v2;
	_ =	sdelay $0x2  }
0xdf: {  	v3 =	vmul.f32 $5.656854150e+00, v3;
	_ =	sdelay $0x1  }
0xe0: {  	s10 =	sadd.s32 $0x2, s9;
	[tilespmem:v2+s22+$0x0] =	vst.idx.msk $0xffff, v3  }
0xe1: {  	v2 =	vmov s10;
	v3 =	vld [tilespmem:s8+$0x0]  }
0xe2: {  	v2 =	vand.u32 $0xFE, v2  }
0xe3: {  	v4 =	vadd.s32 v0, v2;
	_ =	sdelay $0x2  }
0xe4: {  	v3 =	vmul.f32 $5.656854150e+00, v3;
	_ =	sdelay $0x1  }
0xe5: {  	[tilespmem:v4+s22+$0x0] =	vst.idx.msk $0xffff, v3  }
0xe6: {  	v3 =	vld [tilespmem:s8+$0x10];
	_ =	sdelay $0x1  }
0xe7: {  	v2 =	vadd.s32 v1, v2;
	_ =	sdelay $0x2  }
0xe8: {  	v3 =	vmul.f32 $5.656854150e+00, v3;
	_ =	sdelay $0x1  }
0xe9: {  	s9 =	sadd.s32 $0x3, s9;
	[tilespmem:v2+s22+$0x0] =	vst.idx.msk $0xffff, v3  }
0xea: {  	v2 =	vmov s9;
	v3 =	vld [tilespmem:s8+$0x20]  }
0xeb: {  	v2 =	vand.u32 $0xFF, v2  }
0xec: {  	v4 =	vadd.s32 v0, v2;
	_ =	sdelay $0x2  }
0xed: {  	v3 =	vmul.f32 $5.656854150e+00, v3;
	_ =	sdelay $0x1  }
0xee: {  	[tilespmem:v4+s22+$0x0] =	vst.idx.msk $0xffff, v3  }
0xef: {  	v3 =	vld [tilespmem:s8+$0x30]  }
.Ltmp0:
0xf0: {  	(pc) =	sbr.rel @p2 .LBB2_3-.Ltmp0, $2  }
0xf1: {  	v2 =	vadd.s32 v1, v2;
	_ =	sdelay $0x2  }
0xf2: {  	v3 =	vmul.f32 $5.656854150e+00, v3  }
0xf3: {  	_ =	sdelay $0x3  }
0xf4: {  	s8 =	simm.s32 @!p0 $0xB;
	[tilespmem:v2+s22+$0x0] =	vst.idx.msk $0xffff, v3  }
0xf5: {  	_ =	swait.ge @!p0 [sflag:s8], $0x100  }
0xf6: {  	[sflag:s8] =	ssyncset.done @!p0 $0x0  }
0xf7: {  	[sflag:s8] =	ssyncadd.s32 @!p0 $0xFFFFFF00  }
0xf8: {  	v2 =	vld @!p0 [tilespmem:$0x14500]  }
0xf9: {  	v3 =	vld @!p0 [tilespmem:$0x14510]  }
0xfa: {  	v4 =	vld @!p0 [tilespmem:$0x14520]  }
0xfb: {  	v5 =	vld @!p0 [tilespmem:$0x14530]  }
0xfc: {  	v6 =	vld @!p0 [tilespmem:$0x14540]  }
0xfd: {  	v7 =	vld @!p0 [tilespmem:$0x14550];
	v2 =	vshll.u32 @!p0 v2, $0x2  }
0xfe: {  	[tilespmem:$0x14500] =	vst @!p0 v2;
	v2 =	vshll.u32 @!p0 v3, $0x2;
	v3 =	vld @!p0 [tilespmem:$0x14560]  }
0xff: {  	[tilespmem:$0x14510] =	vst @!p0 v2;
	v2 =	vshll.u32 @!p0 v4, $0x2;
	v4 =	vld @!p0 [tilespmem:$0x14570]  }
0x100: {  	[tilespmem:$0x14520] =	vst @!p0 v2;
	v2 =	vshll.u32 @!p0 v5, $0x2;
	v5 =	vld @!p0 [tilespmem:$0x14580]  }
0x101: {  	[tilespmem:$0x14530] =	vst @!p0 v2;
	v2 =	vshll.u32 @!p0 v6, $0x2;
	v6 =	vld @!p0 [tilespmem:$0x14590]  }
0x102: {  	[tilespmem:$0x14540] =	vst @!p0 v2;
	v2 =	vshll.u32 @!p0 v7, $0x2;
	v7 =	vld @!p0 [tilespmem:$0x145A0]  }
0x103: {  	[tilespmem:$0x14550] =	vst @!p0 v2;
	v2 =	vshll.u32 @!p0 v3, $0x2;
	v3 =	vld @!p0 [tilespmem:$0x145B0]  }
0x104: {  	[tilespmem:$0x14560] =	vst @!p0 v2;
	v2 =	vshll.u32 @!p0 v4, $0x2;
	v4 =	vld @!p0 [tilespmem:$0x145C0]  }
0x105: {  	[tilespmem:$0x14570] =	vst @!p0 v2;
	v2 =	vshll.u32 @!p0 v5, $0x2;
	v5 =	vld @!p0 [tilespmem:$0x145D0]  }
0x106: {  	[tilespmem:$0x14580] =	vst @!p0 v2;
	v2 =	vshll.u32 @!p0 v6, $0x2;
	v6 =	vld @!p0 [tilespmem:$0x145E0]  }
0x107: {  	[tilespmem:$0x14590] =	vst @!p0 v2;
	v2 =	vshll.u32 @!p0 v7, $0x2;
	v7 =	vld @!p0 [tilespmem:$0x145F0]  }
0x108: {  	[tilespmem:$0x145A0] =	vst @!p0 v2;
	v2 =	vshll.u32 @!p0 v3, $0x2  }
0x109: {  	[tilespmem:$0x145B0] =	vst @!p0 v2;
	v2 =	vshll.u32 @!p0 v4, $0x2  }
0x10a: {  	[tilespmem:$0x145C0] =	vst @!p0 v2;
	v2 =	vshll.u32 @!p0 v5, $0x2  }
0x10b: {  	[tilespmem:$0x145D0] =	vst @!p0 v2;
	v2 =	vshll.u32 @!p0 v6, $0x2  }
0x10c: {  	s9 =	simm.s32 @!p0 $0x14500;
	[tilespmem:$0x145E0] =	vst @!p0 v2;
	v2 =	vshll.u32 @!p0 v7, $0x2  }
0x10d: {  	s10 =	simm.s32 @!p0 $0x0;
	s28 =	sshll.u32 s24, $0x5;
	s8 =	simm.s32 @!p0 $0x100;
	[tilespmem:$0x145F0] =	vst @!p0 v2  }
0x10e: {  	[tilespmem:s10], [sflag:$0x1] =	stream.indirect.gather @!p0 [hbm4b:s3+s8], $0x20, s9, s8, $0xb8;
	[tilespmem:$0x14A00] =	vst v63  }
0x10f: {  	s11 =	sand.u32 $0x7E0, s28;
	s10 =	sshll.u32 s24, $0xA  }
0x110: {  	s9 =	sadd.s32 s4, s11;
	s8 =	sand.u32 $0xFFF0000, s10  }
0x111: {  	s31 =	simm.s32 $0xA000;
	s8 =	sadd.s32 s8, s9;
	s9 =	simm.s32 $0x420  }
0x112: {  	[hbm4b:s8+s2] =	stream.linear.scatter [tilespmem:s31], [sflag:$0x6], $0x100, $0x38;
	[tilespmem:$0x14A00] =	vst v63  }
.LBB2_5:
0x113: {  	p2 =	sne.s32 s9, $0x7FE0  }
.Ltmp1:
0x114: {  	_ = 	snop;
	(pc) =	sbr.rel @p2 .LBB2_5-.Ltmp1, $4  }
0x115: {  	_ = 	snop  }
0x116: {  	s10 =	sshra.s32 s9, $0x2;
	s9 =	sadd.s32 $0x420, s9  }
0x117: {  	s8 =	sadd.s32 $0x800, s8;
	s10 =	sadd.s32 $0xA000, s10  }
0x118: {  	[hbm4b:s8+s2] =	stream.linear.scatter [tilespmem:s10], [sflag:$0x6], $0x100, $0x38;
	[tilespmem:$0x14A00] =	vst v63  }
0x119: {  	_ =	swait.ge [sflag:s25], $0x2000  }
0x11a: {  	[sflag:s25] =	ssyncset.done $0x0  }
0x11b: {  	s8 =	simm.s32 @!p1 $0x7;
	[sflag:s25] =	ssyncadd.s32 $0xFFFFE000  }
0x11c: {  	_ =	swait.ge @!p1 [sflag:s8], $0x2000  }
0x11d: {  	s9 =	simm.s32 @!p0 $0x0;
	[sflag:s8] =	ssyncset.done @!p1 $0x0  }
0x11e: {  	s10 =	simm.s32 @!p0 $0x14600;
	[sflag:s8] =	ssyncadd.s32 @!p1 $0xFFFFE000;
	s8 =	sadd.s32 @!p0 s13, s28  }
0x11f: {  	[tilespmem:s10], [sflag:$0xC] =	stream.linear.gather @!p0 [hbm4b:s8+s9], $0x100, $0x38;
	[tilespmem:$0x14A00] =	vst v63  }
0x120: {  	s10 =	simm.s32 $0x0;
	s8 =	simm.s32 $0x2040  }
0x121: {  	v2 =	vmov s10;
	v3 =	vld [tilespmem:s8+$0xFFFFFFC0]  }
0x122: {  	v2 =	vand.u32 $0xFC, v2  }
0x123: {  	v4 =	vadd.s32 v0, v2;
	_ =	sdelay $0x2  }
0x124: {  	v3 =	vmul.f32 $5.656854150e+00, v3;
	_ =	sdelay $0x1  }
0x125: {  	[tilespmem:v4+s29+$0x0] =	vst.idx.msk $0xffff, v3  }
0x126: {  	v3 =	vld [tilespmem:s8+$0xFFFFFFD0];
	_ =	sdelay $0x1  }
0x127: {  	v2 =	vadd.s32 v1, v2;
	_ =	sdelay $0x2  }
0x128: {  	v3 =	vmul.f32 $5.656854150e+00, v3;
	_ =	sdelay $0x1  }
0x129: {  	s11 =	simm.s32 $0x1;
	[tilespmem:v2+s29+$0x0] =	vst.idx.msk $0xffff, v3  }
0x12a: {  	v2 =	vmov s11;
	v3 =	vld [tilespmem:s8+$0xFFFFFFE0]  }
0x12b: {  	v2 =	vand.u32 $0xFD, v2  }
0x12c: {  	v4 =	vadd.s32 v0, v2;
	_ =	sdelay $0x2  }
0x12d: {  	v3 =	vmul.f32 $5.656854150e+00, v3;
	_ =	sdelay $0x1  }
0x12e: {  	[tilespmem:v4+s29+$0x0] =	vst.idx.msk $0xffff, v3  }
0x12f: {  	v3 =	vld [tilespmem:s8+$0xFFFFFFF0];
	_ =	sdelay $0x1  }
0x130: {  	v2 =	vadd.s32 v1, v2;
	_ =	sdelay $0x2  }
0x131: {  	v3 =	vmul.f32 $5.656854150e+00, v3;
	_ =	sdelay $0x1  }
0x132: {  	s10 =	simm.s32 $0x2;
	[tilespmem:v2+s29+$0x0] =	vst.idx.msk $0xffff, v3  }
0x133: {  	v2 =	vmov s10;
	v3 =	vld [tilespmem:s8+$0x0]  }
0x134: {  	v2 =	vand.u32 $0xFE, v2  }
0x135: {  	v4 =	vadd.s32 v0, v2;
	_ =	sdelay $0x2  }
0x136: {  	v3 =	vmul.f32 $5.656854150e+00, v3;
	_ =	sdelay $0x1  }
0x137: {  	[tilespmem:v4+s29+$0x0] =	vst.idx.msk $0xffff, v3  }
0x138: {  	v3 =	vld [tilespmem:s8+$0x10];
	_ =	sdelay $0x1  }
0x139: {  	v2 =	vadd.s32 v1, v2;
	_ =	sdelay $0x2  }
0x13a: {  	v3 =	vmul.f32 $5.656854150e+00, v3;
	_ =	sdelay $0x1  }
0x13b: {  	s11 =	simm.s32 $0x3;
	[tilespmem:v2+s29+$0x0] =	vst.idx.msk $0xffff, v3  }
0x13c: {  	v2 =	vmov s11;
	v3 =	vld [tilespmem:s8+$0x20]  }
0x13d: {  	v2 =	vand.u32 $0xFF, v2  }
0x13e: {  	v4 =	vadd.s32 v0, v2;
	_ =	sdelay $0x2  }
0x13f: {  	v3 =	vmul.f32 $5.656854150e+00, v3;
	_ =	sdelay $0x1  }
0x140: {  	[tilespmem:v4+s29+$0x0] =	vst.idx.msk $0xffff, v3  }
0x141: {  	v3 =	vld [tilespmem:s8+$0x30];
	_ =	sdelay $0x1  }
0x142: {  	v2 =	vadd.s32 v1, v2;
	_ =	sdelay $0x2  }
0x143: {  	s31 =	sadd.s32 $0x1, s24;
	s9 =	simm.s32 $0x4;
	v3 =	vmul.f32 $5.656854150e+00, v3  }
.LBB2_7:
0x144: {  	p2 =	slt.u32 s9, $0xFC  }
0x145: {  	s8 =	sadd.s32 $0x80, s8;
	s10 =	smov.u32 s9;
	s9 =	sadd.s32 $0x4, s9;
	[tilespmem:v2+s29+$0x0] =	vst.idx.msk $0xffff, v3  }
0x146: {  	v2 =	vmov s10;
	v3 =	vld [tilespmem:s8+$0xFFFFFFC0]  }
0x147: {  	v2 =	vand.u32 $0xFC, v2  }
0x148: {  	v4 =	vadd.s32 v0, v2;
	_ =	sdelay $0x2  }
0x149: {  	v3 =	vmul.f32 $5.656854150e+00, v3;
	_ =	sdelay $0x1  }
0x14a: {  	[tilespmem:v4+s29+$0x0] =	vst.idx.msk $0xffff, v3  }
0x14b: {  	v3 =	vld [tilespmem:s8+$0xFFFFFFD0];
	_ =	sdelay $0x1  }
0x14c: {  	v2 =	vadd.s32 v1, v2;
	_ =	sdelay $0x2  }
0x14d: {  	v3 =	vmul.f32 $5.656854150e+00, v3;
	_ =	sdelay $0x1  }
0x14e: {  	s11 =	sadd.s32 $0x1, s10;
	[tilespmem:v2+s29+$0x0] =	vst.idx.msk $0xffff, v3  }
0x14f: {  	v2 =	vmov s11;
	v3 =	vld [tilespmem:s8+$0xFFFFFFE0]  }
0x150: {  	v2 =	vand.u32 $0xFD, v2  }
0x151: {  	v4 =	vadd.s32 v0, v2;
	_ =	sdelay $0x2  }
0x152: {  	v3 =	vmul.f32 $5.656854150e+00, v3;
	_ =	sdelay $0x1  }
0x153: {  	[tilespmem:v4+s29+$0x0] =	vst.idx.msk $0xffff, v3  }
0x154: {  	v3 =	vld [tilespmem:s8+$0xFFFFFFF0];
	_ =	sdelay $0x1  }
0x155: {  	v2 =	vadd.s32 v1, v2;
	_ =	sdelay $0x2  }
0x156: {  	v3 =	vmul.f32 $5.656854150e+00, v3;
	_ =	sdelay $0x1  }
0x157: {  	s11 =	sadd.s32 $0x2, s10;
	[tilespmem:v2+s29+$0x0] =	vst.idx.msk $0xffff, v3  }
0x158: {  	v2 =	vmov s11;
	v3 =	vld [tilespmem:s8+$0x0]  }
0x159: {  	v2 =	vand.u32 $0xFE, v2  }
0x15a: {  	v4 =	vadd.s32 v0, v2;
	_ =	sdelay $0x2  }
0x15b: {  	v3 =	vmul.f32 $5.656854150e+00, v3;
	_ =	sdelay $0x1  }
0x15c: {  	[tilespmem:v4+s29+$0x0] =	vst.idx.msk $0xffff, v3  }
0x15d: {  	v3 =	vld [tilespmem:s8+$0x10];
	_ =	sdelay $0x1  }
0x15e: {  	v2 =	vadd.s32 v1, v2;
	_ =	sdelay $0x2  }
0x15f: {  	v3 =	vmul.f32 $5.656854150e+00, v3;
	_ =	sdelay $0x1  }
0x160: {  	s10 =	sadd.s32 $0x3, s10;
	[tilespmem:v2+s29+$0x0] =	vst.idx.msk $0xffff, v3  }
0x161: {  	v2 =	vmov s10;
	v3 =	vld [tilespmem:s8+$0x20]  }
0x162: {  	v2 =	vand.u32 $0xFF, v2  }
0x163: {  	v4 =	vadd.s32 v0, v2;
	_ =	sdelay $0x2  }
0x164: {  	v3 =	vmul.f32 $5.656854150e+00, v3;
	_ =	sdelay $0x1  }
0x165: {  	[tilespmem:v4+s29+$0x0] =	vst.idx.msk $0xffff, v3  }
0x166: {  	v3 =	vld [tilespmem:s8+$0x30]  }
.Ltmp2:
0x167: {  	(pc) =	sbr.rel @p2 .LBB2_7-.Ltmp2, $2  }
0x168: {  	v2 =	vadd.s32 v1, v2;
	_ =	sdelay $0x2  }
0x169: {  	v3 =	vmul.f32 $5.656854150e+00, v3  }
0x16a: {  	_ =	sdelay $0x3  }
0x16b: {  	s8 =	simm.s32 @!p0 $0xC;
	[tilespmem:v2+s29+$0x0] =	vst.idx.msk $0xffff, v3  }
0x16c: {  	_ =	swait.ge @!p0 [sflag:s8], $0x100  }
0x16d: {  	[sflag:s8] =	ssyncset.done @!p0 $0x0  }
0x16e: {  	[sflag:s8] =	ssyncadd.s32 @!p0 $0xFFFFFF00  }
0x16f: {  	v2 =	vld @!p0 [tilespmem:$0x14600]  }
0x170: {  	v3 =	vld @!p0 [tilespmem:$0x14610]  }
0x171: {  	v4 =	vld @!p0 [tilespmem:$0x14620]  }
0x172: {  	v5 =	vld @!p0 [tilespmem:$0x14630]  }
0x173: {  	v6 =	vld @!p0 [tilespmem:$0x14640]  }
0x174: {  	v7 =	vld @!p0 [tilespmem:$0x14650];
	v2 =	vshll.u32 @!p0 v2, $0x2  }
0x175: {  	[tilespmem:$0x14600] =	vst @!p0 v2;
	v2 =	vshll.u32 @!p0 v3, $0x2;
	v3 =	vld @!p0 [tilespmem:$0x14660]  }
0x176: {  	[tilespmem:$0x14610] =	vst @!p0 v2;
	v2 =	vshll.u32 @!p0 v4, $0x2;
	v4 =	vld @!p0 [tilespmem:$0x14670]  }
0x177: {  	[tilespmem:$0x14620] =	vst @!p0 v2;
	v2 =	vshll.u32 @!p0 v5, $0x2;
	v5 =	vld @!p0 [tilespmem:$0x14680]  }
0x178: {  	[tilespmem:$0x14630] =	vst @!p0 v2;
	v2 =	vshll.u32 @!p0 v6, $0x2;
	v6 =	vld @!p0 [tilespmem:$0x14690]  }
0x179: {  	[tilespmem:$0x14640] =	vst @!p0 v2;
	v2 =	vshll.u32 @!p0 v7, $0x2;
	v7 =	vld @!p0 [tilespmem:$0x146A0]  }
0x17a: {  	[tilespmem:$0x14650] =	vst @!p0 v2;
	v2 =	vshll.u32 @!p0 v3, $0x2;
	v3 =	vld @!p0 [tilespmem:$0x146B0]  }
0x17b: {  	[tilespmem:$0x14660] =	vst @!p0 v2;
	v2 =	vshll.u32 @!p0 v4, $0x2;
	v4 =	vld @!p0 [tilespmem:$0x146C0]  }
0x17c: {  	[tilespmem:$0x14670] =	vst @!p0 v2;
	v2 =	vshll.u32 @!p0 v5, $0x2;
	v5 =	vld @!p0 [tilespmem:$0x146D0]  }
0x17d: {  	[tilespmem:$0x14680] =	vst @!p0 v2;
	v2 =	vshll.u32 @!p0 v6, $0x2;
	v6 =	vld @!p0 [tilespmem:$0x146E0]  }
0x17e: {  	[tilespmem:$0x14690] =	vst @!p0 v2;
	v2 =	vshll.u32 @!p0 v7, $0x2;
	v7 =	vld @!p0 [tilespmem:$0x146F0]  }
0x17f: {  	[tilespmem:$0x146A0] =	vst @!p0 v2;
	v2 =	vshll.u32 @!p0 v3, $0x2  }
0x180: {  	[tilespmem:$0x146B0] =	vst @!p0 v2;
	v2 =	vshll.u32 @!p0 v4, $0x2  }
0x181: {  	[tilespmem:$0x146C0] =	vst @!p0 v2;
	v2 =	vshll.u32 @!p0 v5, $0x2  }
0x182: {  	[tilespmem:$0x146D0] =	vst @!p0 v2;
	v2 =	vshll.u32 @!p0 v6, $0x2  }
0x183: {  	[tilespmem:$0x146E0] =	vst @!p0 v2;
	v2 =	vshll.u32 @!p0 v7, $0x2  }
0x184: {  	s9 =	simm.s32 @!p0 $0x14600;
	s10 =	simm.s32 @!p0 $0x2000;
	s8 =	simm.s32 @!p0 $0x100;
	[tilespmem:$0x146F0] =	vst @!p0 v2  }
0x185: {  	[tilespmem:s10], [sflag:$0x2] =	stream.indirect.gather @!p0 [hbm4b:s3+s8], $0x20, s9, s8, $0xb8;
	[tilespmem:$0x14A00] =	vst v63  }
0x186: {  	s10 =	sshll.u32 s31, $0x5  }
0x187: {  	s11 =	sshll.u32 s31, $0xA;
	s8 =	sand.u32 $0x7E0, s10  }
0x188: {  	s9 =	sand.u32 $0xFFF0000, s11;
	s8 =	sadd.s32 s4, s8  }
0x189: {  	s31 =	simm.s32 $0xC100;
	s8 =	sadd.s32 s9, s8;
	s9 =	simm.s32 $0x420  }
0x18a: {  	[hbm4b:s8+s2] =	stream.linear.scatter [tilespmem:s31], [sflag:$0x7], $0x100, $0x38;
	[tilespmem:$0x14A00] =	vst v63  }
.LBB2_9:
0x18b: {  	p2 =	sne.s32 s9, $0x7FE0  }
.Ltmp3:
0x18c: {  	_ = 	snop;
	(pc) =	sbr.rel @p2 .LBB2_9-.Ltmp3, $4  }
0x18d: {  	_ = 	snop  }
0x18e: {  	s10 =	sshra.s32 s9, $0x2;
	s9 =	sadd.s32 $0x420, s9  }
0x18f: {  	s8 =	sadd.s32 $0x800, s8;
	s10 =	sadd.s32 $0xC100, s10  }
0x190: {  	[hbm4b:s8+s2] =	stream.linear.scatter [tilespmem:s10], [sflag:$0x7], $0x100, $0x38;
	[tilespmem:$0x14A00] =	vst v63  }
0x191: {  	_ =	swait.ge [sflag:s1], $0x2000  }
0x192: {  	[sflag:s1] =	ssyncset.done $0x0  }
0x193: {  	s8 =	simm.s32 @!p1 $0x8;
	[sflag:s1] =	ssyncadd.s32 $0xFFFFE000  }
0x194: {  	_ =	swait.ge @!p1 [sflag:s8], $0x2000  }
0x195: {  	s9 =	simm.s32 @!p0 $0x0;
	[sflag:s8] =	ssyncset.done @!p1 $0x0  }
0x196: {  	s10 =	simm.s32 @!p0 $0x14700;
	[sflag:s8] =	ssyncadd.s32 @!p1 $0xFFFFE000;
	s8 =	sadd.s32 @!p0 s14, s28  }
0x197: {  	[tilespmem:s10], [sflag:$0xD] =	stream.linear.gather @!p0 [hbm4b:s8+s9], $0x100, $0x38;
	[tilespmem:$0x14A00] =	vst v63  }
0x198: {  	s10 =	simm.s32 $0x0;
	s8 =	simm.s32 $0x4040  }
0x199: {  	v2 =	vmov s10;
	v3 =	vld [tilespmem:s8+$0xFFFFFFC0]  }
0x19a: {  	v2 =	vand.u32 $0xFC, v2  }
0x19b: {  	v4 =	vadd.s32 v0, v2;
	_ =	sdelay $0x2  }
0x19c: {  	v3 =	vmul.f32 $5.656854150e+00, v3;
	_ =	sdelay $0x1  }
0x19d: {  	[tilespmem:v4+s20+$0x0] =	vst.idx.msk $0xffff, v3  }
0x19e: {  	v3 =	vld [tilespmem:s8+$0xFFFFFFD0];
	_ =	sdelay $0x1  }
0x19f: {  	v2 =	vadd.s32 v1, v2;
	_ =	sdelay $0x2  }
0x1a0: {  	v3 =	vmul.f32 $5.656854150e+00, v3;
	_ =	sdelay $0x1  }
0x1a1: {  	s11 =	simm.s32 $0x1;
	[tilespmem:v2+s20+$0x0] =	vst.idx.msk $0xffff, v3  }
0x1a2: {  	v2 =	vmov s11;
	v3 =	vld [tilespmem:s8+$0xFFFFFFE0]  }
0x1a3: {  	v2 =	vand.u32 $0xFD, v2  }
0x1a4: {  	v4 =	vadd.s32 v0, v2;
	_ =	sdelay $0x2  }
0x1a5: {  	v3 =	vmul.f32 $5.656854150e+00, v3;
	_ =	sdelay $0x1  }
0x1a6: {  	[tilespmem:v4+s20+$0x0] =	vst.idx.msk $0xffff, v3  }
0x1a7: {  	v3 =	vld [tilespmem:s8+$0xFFFFFFF0];
	_ =	sdelay $0x1  }
0x1a8: {  	v2 =	vadd.s32 v1, v2;
	_ =	sdelay $0x2  }
0x1a9: {  	v3 =	vmul.f32 $5.656854150e+00, v3;
	_ =	sdelay $0x1  }
0x1aa: {  	s10 =	simm.s32 $0x2;
	[tilespmem:v2+s20+$0x0] =	vst.idx.msk $0xffff, v3  }
0x1ab: {  	v2 =	vmov s10;
	v3 =	vld [tilespmem:s8+$0x0]  }
0x1ac: {  	v2 =	vand.u32 $0xFE, v2  }
0x1ad: {  	v4 =	vadd.s32 v0, v2;
	_ =	sdelay $0x2  }
0x1ae: {  	v3 =	vmul.f32 $5.656854150e+00, v3;
	_ =	sdelay $0x1  }
0x1af: {  	[tilespmem:v4+s20+$0x0] =	vst.idx.msk $0xffff, v3  }
0x1b0: {  	v3 =	vld [tilespmem:s8+$0x10];
	_ =	sdelay $0x1  }
0x1b1: {  	v2 =	vadd.s32 v1, v2;
	_ =	sdelay $0x2  }
0x1b2: {  	v3 =	vmul.f32 $5.656854150e+00, v3;
	_ =	sdelay $0x1  }
0x1b3: {  	s11 =	simm.s32 $0x3;
	[tilespmem:v2+s20+$0x0] =	vst.idx.msk $0xffff, v3  }
0x1b4: {  	v2 =	vmov s11;
	v3 =	vld [tilespmem:s8+$0x20]  }
0x1b5: {  	v2 =	vand.u32 $0xFF, v2  }
0x1b6: {  	v4 =	vadd.s32 v0, v2;
	_ =	sdelay $0x2  }
0x1b7: {  	v3 =	vmul.f32 $5.656854150e+00, v3;
	_ =	sdelay $0x1  }
0x1b8: {  	[tilespmem:v4+s20+$0x0] =	vst.idx.msk $0xffff, v3  }
0x1b9: {  	v3 =	vld [tilespmem:s8+$0x30];
	_ =	sdelay $0x1  }
0x1ba: {  	v2 =	vadd.s32 v1, v2;
	_ =	sdelay $0x2  }
0x1bb: {  	s31 =	sadd.s32 $0x2, s24;
	s9 =	simm.s32 $0x4;
	v3 =	vmul.f32 $5.656854150e+00, v3  }
.LBB2_11:
0x1bc: {  	p2 =	slt.u32 s9, $0xFC  }
0x1bd: {  	s8 =	sadd.s32 $0x80, s8;
	s10 =	smov.u32 s9;
	s9 =	sadd.s32 $0x4, s9;
	[tilespmem:v2+s20+$0x0] =	vst.idx.msk $0xffff, v3  }
0x1be: {  	v2 =	vmov s10;
	v3 =	vld [tilespmem:s8+$0xFFFFFFC0]  }
0x1bf: {  	v2 =	vand.u32 $0xFC, v2  }
0x1c0: {  	v4 =	vadd.s32 v0, v2;
	_ =	sdelay $0x2  }
0x1c1: {  	v3 =	vmul.f32 $5.656854150e+00, v3;
	_ =	sdelay $0x1  }
0x1c2: {  	[tilespmem:v4+s20+$0x0] =	vst.idx.msk $0xffff, v3  }
0x1c3: {  	v3 =	vld [tilespmem:s8+$0xFFFFFFD0];
	_ =	sdelay $0x1  }
0x1c4: {  	v2 =	vadd.s32 v1, v2;
	_ =	sdelay $0x2  }
0x1c5: {  	v3 =	vmul.f32 $5.656854150e+00, v3;
	_ =	sdelay $0x1  }
0x1c6: {  	s11 =	sadd.s32 $0x1, s10;
	[tilespmem:v2+s20+$0x0] =	vst.idx.msk $0xffff, v3  }
0x1c7: {  	v2 =	vmov s11;
	v3 =	vld [tilespmem:s8+$0xFFFFFFE0]  }
0x1c8: {  	v2 =	vand.u32 $0xFD, v2  }
0x1c9: {  	v4 =	vadd.s32 v0, v2;
	_ =	sdelay $0x2  }
0x1ca: {  	v3 =	vmul.f32 $5.656854150e+00, v3;
	_ =	sdelay $0x1  }
0x1cb: {  	[tilespmem:v4+s20+$0x0] =	vst.idx.msk $0xffff, v3  }
0x1cc: {  	v3 =	vld [tilespmem:s8+$0xFFFFFFF0];
	_ =	sdelay $0x1  }
0x1cd: {  	v2 =	vadd.s32 v1, v2;
	_ =	sdelay $0x2  }
0x1ce: {  	v3 =	vmul.f32 $5.656854150e+00, v3;
	_ =	sdelay $0x1  }
0x1cf: {  	s11 =	sadd.s32 $0x2, s10;
	[tilespmem:v2+s20+$0x0] =	vst.idx.msk $0xffff, v3  }
0x1d0: {  	v2 =	vmov s11;
	v3 =	vld [tilespmem:s8+$0x0]  }
0x1d1: {  	v2 =	vand.u32 $0xFE, v2  }
0x1d2: {  	v4 =	vadd.s32 v0, v2;
	_ =	sdelay $0x2  }
0x1d3: {  	v3 =	vmul.f32 $5.656854150e+00, v3;
	_ =	sdelay $0x1  }
0x1d4: {  	[tilespmem:v4+s20+$0x0] =	vst.idx.msk $0xffff, v3  }
0x1d5: {  	v3 =	vld [tilespmem:s8+$0x10];
	_ =	sdelay $0x1  }
0x1d6: {  	v2 =	vadd.s32 v1, v2;
	_ =	sdelay $0x2  }
0x1d7: {  	v3 =	vmul.f32 $5.656854150e+00, v3;
	_ =	sdelay $0x1  }
0x1d8: {  	s10 =	sadd.s32 $0x3, s10;
	[tilespmem:v2+s20+$0x0] =	vst.idx.msk $0xffff, v3  }
0x1d9: {  	v2 =	vmov s10;
	v3 =	vld [tilespmem:s8+$0x20]  }
0x1da: {  	v2 =	vand.u32 $0xFF, v2  }
0x1db: {  	v4 =	vadd.s32 v0, v2;
	_ =	sdelay $0x2  }
0x1dc: {  	v3 =	vmul.f32 $5.656854150e+00, v3;
	_ =	sdelay $0x1  }
0x1dd: {  	[tilespmem:v4+s20+$0x0] =	vst.idx.msk $0xffff, v3  }
0x1de: {  	v3 =	vld [tilespmem:s8+$0x30]  }
.Ltmp4:
0x1df: {  	(pc) =	sbr.rel @p2 .LBB2_11-.Ltmp4, $2  }
0x1e0: {  	v2 =	vadd.s32 v1, v2;
	_ =	sdelay $0x2  }
0x1e1: {  	v3 =	vmul.f32 $5.656854150e+00, v3  }
0x1e2: {  	_ =	sdelay $0x3  }
0x1e3: {  	s8 =	simm.s32 @!p0 $0xD;
	[tilespmem:v2+s20+$0x0] =	vst.idx.msk $0xffff, v3  }
0x1e4: {  	_ =	swait.ge @!p0 [sflag:s8], $0x100  }
0x1e5: {  	[sflag:s8] =	ssyncset.done @!p0 $0x0  }
0x1e6: {  	[sflag:s8] =	ssyncadd.s32 @!p0 $0xFFFFFF00  }
0x1e7: {  	v2 =	vld @!p0 [tilespmem:$0x14700]  }
0x1e8: {  	v3 =	vld @!p0 [tilespmem:$0x14710]  }
0x1e9: {  	v4 =	vld @!p0 [tilespmem:$0x14720]  }
0x1ea: {  	v5 =	vld @!p0 [tilespmem:$0x14730]  }
0x1eb: {  	v6 =	vld @!p0 [tilespmem:$0x14740]  }
0x1ec: {  	v7 =	vld @!p0 [tilespmem:$0x14750];
	v2 =	vshll.u32 @!p0 v2, $0x2  }
0x1ed: {  	[tilespmem:$0x14700] =	vst @!p0 v2;
	v2 =	vshll.u32 @!p0 v3, $0x2;
	v3 =	vld @!p0 [tilespmem:$0x14760]  }
0x1ee: {  	[tilespmem:$0x14710] =	vst @!p0 v2;
	v2 =	vshll.u32 @!p0 v4, $0x2;
	v4 =	vld @!p0 [tilespmem:$0x14770]  }
0x1ef: {  	[tilespmem:$0x14720] =	vst @!p0 v2;
	v2 =	vshll.u32 @!p0 v5, $0x2;
	v5 =	vld @!p0 [tilespmem:$0x14780]  }
0x1f0: {  	[tilespmem:$0x14730] =	vst @!p0 v2;
	v2 =	vshll.u32 @!p0 v6, $0x2;
	v6 =	vld @!p0 [tilespmem:$0x14790]  }
0x1f1: {  	[tilespmem:$0x14740] =	vst @!p0 v2;
	v2 =	vshll.u32 @!p0 v7, $0x2;
	v7 =	vld @!p0 [tilespmem:$0x147A0]  }
0x1f2: {  	[tilespmem:$0x14750] =	vst @!p0 v2;
	v2 =	vshll.u32 @!p0 v3, $0x2;
	v3 =	vld @!p0 [tilespmem:$0x147B0]  }
0x1f3: {  	[tilespmem:$0x14760] =	vst @!p0 v2;
	v2 =	vshll.u32 @!p0 v4, $0x2;
	v4 =	vld @!p0 [tilespmem:$0x147C0]  }
0x1f4: {  	[tilespmem:$0x14770] =	vst @!p0 v2;
	v2 =	vshll.u32 @!p0 v5, $0x2;
	v5 =	vld @!p0 [tilespmem:$0x147D0]  }
0x1f5: {  	[tilespmem:$0x14780] =	vst @!p0 v2;
	v2 =	vshll.u32 @!p0 v6, $0x2;
	v6 =	vld @!p0 [tilespmem:$0x147E0]  }
0x1f6: {  	[tilespmem:$0x14790] =	vst @!p0 v2;
	v2 =	vshll.u32 @!p0 v7, $0x2;
	v7 =	vld @!p0 [tilespmem:$0x147F0]  }
0x1f7: {  	[tilespmem:$0x147A0] =	vst @!p0 v2;
	v2 =	vshll.u32 @!p0 v3, $0x2  }
0x1f8: {  	[tilespmem:$0x147B0] =	vst @!p0 v2;
	v2 =	vshll.u32 @!p0 v4, $0x2  }
0x1f9: {  	[tilespmem:$0x147C0] =	vst @!p0 v2;
	v2 =	vshll.u32 @!p0 v5, $0x2  }
0x1fa: {  	[tilespmem:$0x147D0] =	vst @!p0 v2;
	v2 =	vshll.u32 @!p0 v6, $0x2  }
0x1fb: {  	[tilespmem:$0x147E0] =	vst @!p0 v2;
	v2 =	vshll.u32 @!p0 v7, $0x2  }
0x1fc: {  	s9 =	simm.s32 @!p0 $0x14700;
	s10 =	simm.s32 @!p0 $0x4000;
	s8 =	simm.s32 @!p0 $0x100;
	[tilespmem:$0x147F0] =	vst @!p0 v2  }
0x1fd: {  	[tilespmem:s10], [sflag:$0x3] =	stream.indirect.gather @!p0 [hbm4b:s3+s8], $0x20, s9, s8, $0xb8;
	[tilespmem:$0x14A00] =	vst v63  }
0x1fe: {  	s10 =	sshll.u32 s31, $0x5  }
0x1ff: {  	s11 =	sshll.u32 s31, $0xA;
	s8 =	sand.u32 $0x7E0, s10  }
0x200: {  	s9 =	sand.u32 $0xFFF0000, s11;
	s8 =	sadd.s32 s4, s8  }
0x201: {  	s31 =	simm.s32 $0xE200;
	s8 =	sadd.s32 s9, s8;
	s9 =	simm.s32 $0x420  }
0x202: {  	[hbm4b:s8+s2] =	stream.linear.scatter [tilespmem:s31], [sflag:$0x8], $0x100, $0x38;
	[tilespmem:$0x14A00] =	vst v63  }
.LBB2_13:
0x203: {  	p2 =	sne.s32 s9, $0x7FE0  }
.Ltmp5:
0x204: {  	_ = 	snop;
	(pc) =	sbr.rel @p2 .LBB2_13-.Ltmp5, $4  }
0x205: {  	_ = 	snop  }
0x206: {  	s10 =	sshra.s32 s9, $0x2;
	s9 =	sadd.s32 $0x420, s9  }
0x207: {  	s8 =	sadd.s32 $0x800, s8;
	s10 =	sadd.s32 $0xE200, s10  }
0x208: {  	[hbm4b:s8+s2] =	stream.linear.scatter [tilespmem:s10], [sflag:$0x8], $0x100, $0x38;
	[tilespmem:$0x14A00] =	vst v63  }
0x209: {  	_ =	swait.ge [sflag:s23], $0x2000  }
0x20a: {  	[sflag:s23] =	ssyncset.done $0x0  }
0x20b: {  	s8 =	simm.s32 @!p1 $0x9;
	[sflag:s23] =	ssyncadd.s32 $0xFFFFE000  }
0x20c: {  	_ =	swait.ge @!p1 [sflag:s8], $0x2000  }
0x20d: {  	s9 =	simm.s32 @!p0 $0x0;
	[sflag:s8] =	ssyncset.done @!p1 $0x0  }
0x20e: {  	s10 =	simm.s32 @!p0 $0x14800;
	[sflag:s8] =	ssyncadd.s32 @!p1 $0xFFFFE000;
	s8 =	sadd.s32 @!p0 s15, s28  }
0x20f: {  	[tilespmem:s10], [sflag:$0xE] =	stream.linear.gather @!p0 [hbm4b:s8+s9], $0x100, $0x38;
	[tilespmem:$0x14A00] =	vst v63  }
0x210: {  	s10 =	simm.s32 $0x0;
	s8 =	simm.s32 $0x6040  }
0x211: {  	v2 =	vmov s10;
	v3 =	vld [tilespmem:s8+$0xFFFFFFC0]  }
0x212: {  	v2 =	vand.u32 $0xFC, v2  }
0x213: {  	v4 =	vadd.s32 v0, v2;
	_ =	sdelay $0x2  }
0x214: {  	v3 =	vmul.f32 $5.656854150e+00, v3;
	_ =	sdelay $0x1  }
0x215: {  	[tilespmem:v4+s26+$0x0] =	vst.idx.msk $0xffff, v3  }
0x216: {  	v3 =	vld [tilespmem:s8+$0xFFFFFFD0];
	_ =	sdelay $0x1  }
0x217: {  	v2 =	vadd.s32 v1, v2;
	_ =	sdelay $0x2  }
0x218: {  	v3 =	vmul.f32 $5.656854150e+00, v3;
	_ =	sdelay $0x1  }
0x219: {  	s11 =	simm.s32 $0x1;
	[tilespmem:v2+s26+$0x0] =	vst.idx.msk $0xffff, v3  }
0x21a: {  	v2 =	vmov s11;
	v3 =	vld [tilespmem:s8+$0xFFFFFFE0]  }
0x21b: {  	v2 =	vand.u32 $0xFD, v2  }
0x21c: {  	v4 =	vadd.s32 v0, v2;
	_ =	sdelay $0x2  }
0x21d: {  	v3 =	vmul.f32 $5.656854150e+00, v3;
	_ =	sdelay $0x1  }
0x21e: {  	[tilespmem:v4+s26+$0x0] =	vst.idx.msk $0xffff, v3  }
0x21f: {  	v3 =	vld [tilespmem:s8+$0xFFFFFFF0];
	_ =	sdelay $0x1  }
0x220: {  	v2 =	vadd.s32 v1, v2;
	_ =	sdelay $0x2  }
0x221: {  	v3 =	vmul.f32 $5.656854150e+00, v3;
	_ =	sdelay $0x1  }
0x222: {  	s10 =	simm.s32 $0x2;
	[tilespmem:v2+s26+$0x0] =	vst.idx.msk $0xffff, v3  }
0x223: {  	v2 =	vmov s10;
	v3 =	vld [tilespmem:s8+$0x0]  }
0x224: {  	v2 =	vand.u32 $0xFE, v2  }
0x225: {  	v4 =	vadd.s32 v0, v2;
	_ =	sdelay $0x2  }
0x226: {  	v3 =	vmul.f32 $5.656854150e+00, v3;
	_ =	sdelay $0x1  }
0x227: {  	[tilespmem:v4+s26+$0x0] =	vst.idx.msk $0xffff, v3  }
0x228: {  	v3 =	vld [tilespmem:s8+$0x10];
	_ =	sdelay $0x1  }
0x229: {  	v2 =	vadd.s32 v1, v2;
	_ =	sdelay $0x2  }
0x22a: {  	v3 =	vmul.f32 $5.656854150e+00, v3;
	_ =	sdelay $0x1  }
0x22b: {  	s11 =	simm.s32 $0x3;
	[tilespmem:v2+s26+$0x0] =	vst.idx.msk $0xffff, v3  }
0x22c: {  	v2 =	vmov s11;
	v3 =	vld [tilespmem:s8+$0x20]  }
0x22d: {  	v2 =	vand.u32 $0xFF, v2  }
0x22e: {  	v4 =	vadd.s32 v0, v2;
	_ =	sdelay $0x2  }
0x22f: {  	v3 =	vmul.f32 $5.656854150e+00, v3;
	_ =	sdelay $0x1  }
0x230: {  	[tilespmem:v4+s26+$0x0] =	vst.idx.msk $0xffff, v3  }
0x231: {  	v3 =	vld [tilespmem:s8+$0x30];
	_ =	sdelay $0x1  }
0x232: {  	v2 =	vadd.s32 v1, v2;
	_ =	sdelay $0x2  }
0x233: {  	s31 =	sadd.s32 $0x3, s24;
	s9 =	simm.s32 $0x4;
	v3 =	vmul.f32 $5.656854150e+00, v3  }
.LBB2_15:
0x234: {  	p2 =	slt.u32 s9, $0xFC  }
0x235: {  	s8 =	sadd.s32 $0x80, s8;
	s10 =	smov.u32 s9;
	s9 =	sadd.s32 $0x4, s9;
	[tilespmem:v2+s26+$0x0] =	vst.idx.msk $0xffff, v3  }
0x236: {  	v2 =	vmov s10;
	v3 =	vld [tilespmem:s8+$0xFFFFFFC0]  }
0x237: {  	v2 =	vand.u32 $0xFC, v2  }
0x238: {  	v4 =	vadd.s32 v0, v2;
	_ =	sdelay $0x2  }
0x239: {  	v3 =	vmul.f32 $5.656854150e+00, v3;
	_ =	sdelay $0x1  }
0x23a: {  	[tilespmem:v4+s26+$0x0] =	vst.idx.msk $0xffff, v3  }
0x23b: {  	v3 =	vld [tilespmem:s8+$0xFFFFFFD0];
	_ =	sdelay $0x1  }
0x23c: {  	v2 =	vadd.s32 v1, v2;
	_ =	sdelay $0x2  }
0x23d: {  	v3 =	vmul.f32 $5.656854150e+00, v3;
	_ =	sdelay $0x1  }
0x23e: {  	s11 =	sadd.s32 $0x1, s10;
	[tilespmem:v2+s26+$0x0] =	vst.idx.msk $0xffff, v3  }
0x23f: {  	v2 =	vmov s11;
	v3 =	vld [tilespmem:s8+$0xFFFFFFE0]  }
0x240: {  	v2 =	vand.u32 $0xFD, v2  }
0x241: {  	v4 =	vadd.s32 v0, v2;
	_ =	sdelay $0x2  }
0x242: {  	v3 =	vmul.f32 $5.656854150e+00, v3;
	_ =	sdelay $0x1  }
0x243: {  	[tilespmem:v4+s26+$0x0] =	vst.idx.msk $0xffff, v3  }
0x244: {  	v3 =	vld [tilespmem:s8+$0xFFFFFFF0];
	_ =	sdelay $0x1  }
0x245: {  	v2 =	vadd.s32 v1, v2;
	_ =	sdelay $0x2  }
0x246: {  	v3 =	vmul.f32 $5.656854150e+00, v3;
	_ =	sdelay $0x1  }
0x247: {  	s11 =	sadd.s32 $0x2, s10;
	[tilespmem:v2+s26+$0x0] =	vst.idx.msk $0xffff, v3  }
0x248: {  	v2 =	vmov s11;
	v3 =	vld [tilespmem:s8+$0x0]  }
0x249: {  	v2 =	vand.u32 $0xFE, v2  }
0x24a: {  	v4 =	vadd.s32 v0, v2;
	_ =	sdelay $0x2  }
0x24b: {  	v3 =	vmul.f32 $5.656854150e+00, v3;
	_ =	sdelay $0x1  }
0x24c: {  	[tilespmem:v4+s26+$0x0] =	vst.idx.msk $0xffff, v3  }
0x24d: {  	v3 =	vld [tilespmem:s8+$0x10];
	_ =	sdelay $0x1  }
0x24e: {  	v2 =	vadd.s32 v1, v2;
	_ =	sdelay $0x2  }
0x24f: {  	v3 =	vmul.f32 $5.656854150e+00, v3;
	_ =	sdelay $0x1  }
0x250: {  	s10 =	sadd.s32 $0x3, s10;
	[tilespmem:v2+s26+$0x0] =	vst.idx.msk $0xffff, v3  }
0x251: {  	v2 =	vmov s10;
	v3 =	vld [tilespmem:s8+$0x20]  }
0x252: {  	v2 =	vand.u32 $0xFF, v2  }
0x253: {  	v4 =	vadd.s32 v0, v2;
	_ =	sdelay $0x2  }
0x254: {  	v3 =	vmul.f32 $5.656854150e+00, v3;
	_ =	sdelay $0x1  }
0x255: {  	[tilespmem:v4+s26+$0x0] =	vst.idx.msk $0xffff, v3  }
0x256: {  	v3 =	vld [tilespmem:s8+$0x30]  }
.Ltmp6:
0x257: {  	(pc) =	sbr.rel @p2 .LBB2_15-.Ltmp6, $2  }
0x258: {  	v2 =	vadd.s32 v1, v2;
	_ =	sdelay $0x2  }
0x259: {  	v3 =	vmul.f32 $5.656854150e+00, v3  }
0x25a: {  	_ =	sdelay $0x3  }
0x25b: {  	s8 =	simm.s32 @!p0 $0xE;
	[tilespmem:v2+s26+$0x0] =	vst.idx.msk $0xffff, v3  }
0x25c: {  	_ =	swait.ge @!p0 [sflag:s8], $0x100  }
0x25d: {  	[sflag:s8] =	ssyncset.done @!p0 $0x0  }
0x25e: {  	[sflag:s8] =	ssyncadd.s32 @!p0 $0xFFFFFF00  }
0x25f: {  	v2 =	vld @!p0 [tilespmem:$0x14800]  }
0x260: {  	v3 =	vld @!p0 [tilespmem:$0x14810]  }
0x261: {  	v4 =	vld @!p0 [tilespmem:$0x14820]  }
0x262: {  	v5 =	vld @!p0 [tilespmem:$0x14830]  }
0x263: {  	v6 =	vld @!p0 [tilespmem:$0x14840]  }
0x264: {  	v7 =	vld @!p0 [tilespmem:$0x14850];
	v2 =	vshll.u32 @!p0 v2, $0x2  }
0x265: {  	[tilespmem:$0x14800] =	vst @!p0 v2;
	v2 =	vshll.u32 @!p0 v3, $0x2;
	v3 =	vld @!p0 [tilespmem:$0x14860]  }
0x266: {  	[tilespmem:$0x14810] =	vst @!p0 v2;
	v2 =	vshll.u32 @!p0 v4, $0x2;
	v4 =	vld @!p0 [tilespmem:$0x14870]  }
0x267: {  	[tilespmem:$0x14820] =	vst @!p0 v2;
	v2 =	vshll.u32 @!p0 v5, $0x2;
	v5 =	vld @!p0 [tilespmem:$0x14880]  }
0x268: {  	[tilespmem:$0x14830] =	vst @!p0 v2;
	v2 =	vshll.u32 @!p0 v6, $0x2;
	v6 =	vld @!p0 [tilespmem:$0x14890]  }
0x269: {  	[tilespmem:$0x14840] =	vst @!p0 v2;
	v2 =	vshll.u32 @!p0 v7, $0x2;
	v7 =	vld @!p0 [tilespmem:$0x148A0]  }
0x26a: {  	[tilespmem:$0x14850] =	vst @!p0 v2;
	v2 =	vshll.u32 @!p0 v3, $0x2;
	v3 =	vld @!p0 [tilespmem:$0x148B0]  }
0x26b: {  	[tilespmem:$0x14860] =	vst @!p0 v2;
	v2 =	vshll.u32 @!p0 v4, $0x2;
	v4 =	vld @!p0 [tilespmem:$0x148C0]  }
0x26c: {  	[tilespmem:$0x14870] =	vst @!p0 v2;
	v2 =	vshll.u32 @!p0 v5, $0x2;
	v5 =	vld @!p0 [tilespmem:$0x148D0]  }
0x26d: {  	[tilespmem:$0x14880] =	vst @!p0 v2;
	v2 =	vshll.u32 @!p0 v6, $0x2;
	v6 =	vld @!p0 [tilespmem:$0x148E0]  }
0x26e: {  	[tilespmem:$0x14890] =	vst @!p0 v2;
	v2 =	vshll.u32 @!p0 v7, $0x2;
	v7 =	vld @!p0 [tilespmem:$0x148F0]  }
0x26f: {  	[tilespmem:$0x148A0] =	vst @!p0 v2;
	v2 =	vshll.u32 @!p0 v3, $0x2  }
0x270: {  	[tilespmem:$0x148B0] =	vst @!p0 v2;
	v2 =	vshll.u32 @!p0 v4, $0x2  }
0x271: {  	[tilespmem:$0x148C0] =	vst @!p0 v2;
	v2 =	vshll.u32 @!p0 v5, $0x2  }
0x272: {  	[tilespmem:$0x148D0] =	vst @!p0 v2;
	v2 =	vshll.u32 @!p0 v6, $0x2  }
0x273: {  	[tilespmem:$0x148E0] =	vst @!p0 v2;
	v2 =	vshll.u32 @!p0 v7, $0x2  }
0x274: {  	s9 =	simm.s32 @!p0 $0x14800;
	s10 =	simm.s32 @!p0 $0x6000;
	s8 =	simm.s32 @!p0 $0x100;
	[tilespmem:$0x148F0] =	vst @!p0 v2  }
0x275: {  	[tilespmem:s10], [sflag:$0x4] =	stream.indirect.gather @!p0 [hbm4b:s3+s8], $0x20, s9, s8, $0xb8;
	[tilespmem:$0x14A00] =	vst v63  }
0x276: {  	s10 =	sshll.u32 s31, $0x5  }
0x277: {  	s11 =	sshll.u32 s31, $0xA;
	s8 =	sand.u32 $0x7E0, s10  }
0x278: {  	s9 =	sand.u32 $0xFFF0000, s11;
	s8 =	sadd.s32 s4, s8  }
0x279: {  	s31 =	simm.s32 $0x10300;
	s8 =	sadd.s32 s9, s8;
	s9 =	simm.s32 $0x420  }
0x27a: {  	[hbm4b:s8+s2] =	stream.linear.scatter [tilespmem:s31], [sflag:$0x9], $0x100, $0x38;
	[tilespmem:$0x14A00] =	vst v63  }
.LBB2_17:
0x27b: {  	p2 =	sne.s32 s9, $0x7FE0  }
.Ltmp7:
0x27c: {  	_ = 	snop;
	(pc) =	sbr.rel @p2 .LBB2_17-.Ltmp7, $4  }
0x27d: {  	_ = 	snop  }
0x27e: {  	s10 =	sshra.s32 s9, $0x2;
	s9 =	sadd.s32 $0x420, s9  }
0x27f: {  	s8 =	sadd.s32 $0x800, s8;
	s10 =	sadd.s32 $0x10300, s10  }
0x280: {  	[hbm4b:s8+s2] =	stream.linear.scatter [tilespmem:s10], [sflag:$0x9], $0x100, $0x38;
	[tilespmem:$0x14A00] =	vst v63  }
0x281: {  	_ =	swait.ge [sflag:s30], $0x2000  }
0x282: {  	[sflag:s30] =	ssyncset.done $0x0  }
0x283: {  	s8 =	simm.s32 @!p1 $0xA;
	[sflag:s30] =	ssyncadd.s32 $0xFFFFE000  }
0x284: {  	_ =	swait.ge @!p1 [sflag:s8], $0x2000  }
0x285: {  	s9 =	simm.s32 @!p0 $0x0;
	[sflag:s8] =	ssyncset.done @!p1 $0x0  }
0x286: {  	s10 =	simm.s32 @!p0 $0x14900;
	[sflag:s8] =	ssyncadd.s32 @!p1 $0xFFFFE000;
	s8 =	sadd.s32 @!p0 s16, s28  }
0x287: {  	[tilespmem:s10], [sflag:$0xF] =	stream.linear.gather @!p0 [hbm4b:s8+s9], $0x100, $0x38;
	[tilespmem:$0x14A00] =	vst v63  }
0x288: {  	s10 =	simm.s32 $0x0;
	s8 =	simm.s32 $0x8040  }
0x289: {  	v2 =	vmov s10;
	v3 =	vld [tilespmem:s8+$0xFFFFFFC0]  }
0x28a: {  	v2 =	vand.u32 $0xFC, v2  }
0x28b: {  	v4 =	vadd.s32 v0, v2;
	_ =	sdelay $0x2  }
0x28c: {  	v3 =	vmul.f32 $5.656854150e+00, v3;
	_ =	sdelay $0x1  }
0x28d: {  	[tilespmem:v4+s7+$0x0] =	vst.idx.msk $0xffff, v3  }
0x28e: {  	v3 =	vld [tilespmem:s8+$0xFFFFFFD0];
	_ =	sdelay $0x1  }
0x28f: {  	v2 =	vadd.s32 v1, v2;
	_ =	sdelay $0x2  }
0x290: {  	v3 =	vmul.f32 $5.656854150e+00, v3;
	_ =	sdelay $0x1  }
0x291: {  	s11 =	simm.s32 $0x1;
	[tilespmem:v2+s7+$0x0] =	vst.idx.msk $0xffff, v3  }
0x292: {  	v2 =	vmov s11;
	v3 =	vld [tilespmem:s8+$0xFFFFFFE0]  }
0x293: {  	v2 =	vand.u32 $0xFD, v2  }
0x294: {  	v4 =	vadd.s32 v0, v2;
	_ =	sdelay $0x2  }
0x295: {  	v3 =	vmul.f32 $5.656854150e+00, v3;
	_ =	sdelay $0x1  }
0x296: {  	[tilespmem:v4+s7+$0x0] =	vst.idx.msk $0xffff, v3  }
0x297: {  	v3 =	vld [tilespmem:s8+$0xFFFFFFF0];
	_ =	sdelay $0x1  }
0x298: {  	v2 =	vadd.s32 v1, v2;
	_ =	sdelay $0x2  }
0x299: {  	v3 =	vmul.f32 $5.656854150e+00, v3;
	_ =	sdelay $0x1  }
0x29a: {  	s28 =	simm.s32 $0x2;
	[tilespmem:v2+s7+$0x0] =	vst.idx.msk $0xffff, v3  }
0x29b: {  	v2 =	vmov s28;
	v3 =	vld [tilespmem:s8+$0x0]  }
0x29c: {  	v2 =	vand.u32 $0xFE, v2  }
0x29d: {  	v4 =	vadd.s32 v0, v2;
	_ =	sdelay $0x2  }
0x29e: {  	v3 =	vmul.f32 $5.656854150e+00, v3;
	_ =	sdelay $0x1  }
0x29f: {  	[tilespmem:v4+s7+$0x0] =	vst.idx.msk $0xffff, v3  }
0x2a0: {  	v3 =	vld [tilespmem:s8+$0x10];
	_ =	sdelay $0x1  }
0x2a1: {  	v2 =	vadd.s32 v1, v2;
	_ =	sdelay $0x2  }
0x2a2: {  	v3 =	vmul.f32 $5.656854150e+00, v3;
	_ =	sdelay $0x1  }
0x2a3: {  	s31 =	simm.s32 $0x3;
	[tilespmem:v2+s7+$0x0] =	vst.idx.msk $0xffff, v3  }
0x2a4: {  	v2 =	vmov s31;
	v3 =	vld [tilespmem:s8+$0x20]  }
0x2a5: {  	v2 =	vand.u32 $0xFF, v2  }
0x2a6: {  	v4 =	vadd.s32 v0, v2;
	_ =	sdelay $0x2  }
0x2a7: {  	v3 =	vmul.f32 $5.656854150e+00, v3;
	_ =	sdelay $0x1  }
0x2a8: {  	[tilespmem:v4+s7+$0x0] =	vst.idx.msk $0xffff, v3  }
0x2a9: {  	v3 =	vld [tilespmem:s8+$0x30];
	_ =	sdelay $0x1  }
0x2aa: {  	v2 =	vadd.s32 v1, v2;
	_ =	sdelay $0x2  }
0x2ab: {  	s24 =	sadd.s32 $0x4, s24;
	s9 =	simm.s32 $0x4;
	v3 =	vmul.f32 $5.656854150e+00, v3  }
.LBB2_19:
0x2ac: {  	p1 =	slt.u32 s9, $0xFC  }
0x2ad: {  	s8 =	sadd.s32 $0x80, s8;
	s10 =	smov.u32 s9;
	s9 =	sadd.s32 $0x4, s9;
	[tilespmem:v2+s7+$0x0] =	vst.idx.msk $0xffff, v3  }
0x2ae: {  	v2 =	vmov s10;
	v3 =	vld [tilespmem:s8+$0xFFFFFFC0]  }
0x2af: {  	v2 =	vand.u32 $0xFC, v2  }
0x2b0: {  	v4 =	vadd.s32 v0, v2;
	_ =	sdelay $0x2  }
0x2b1: {  	v3 =	vmul.f32 $5.656854150e+00, v3;
	_ =	sdelay $0x1  }
0x2b2: {  	[tilespmem:v4+s7+$0x0] =	vst.idx.msk $0xffff, v3  }
0x2b3: {  	v3 =	vld [tilespmem:s8+$0xFFFFFFD0];
	_ =	sdelay $0x1  }
0x2b4: {  	v2 =	vadd.s32 v1, v2;
	_ =	sdelay $0x2  }
0x2b5: {  	v3 =	vmul.f32 $5.656854150e+00, v3;
	_ =	sdelay $0x1  }
0x2b6: {  	s11 =	sadd.s32 $0x1, s10;
	[tilespmem:v2+s7+$0x0] =	vst.idx.msk $0xffff, v3  }
0x2b7: {  	v2 =	vmov s11;
	v3 =	vld [tilespmem:s8+$0xFFFFFFE0]  }
0x2b8: {  	v2 =	vand.u32 $0xFD, v2  }
0x2b9: {  	v4 =	vadd.s32 v0, v2;
	_ =	sdelay $0x2  }
0x2ba: {  	v3 =	vmul.f32 $5.656854150e+00, v3;
	_ =	sdelay $0x1  }
0x2bb: {  	[tilespmem:v4+s7+$0x0] =	vst.idx.msk $0xffff, v3  }
0x2bc: {  	v3 =	vld [tilespmem:s8+$0xFFFFFFF0];
	_ =	sdelay $0x1  }
0x2bd: {  	v2 =	vadd.s32 v1, v2;
	_ =	sdelay $0x2  }
0x2be: {  	v3 =	vmul.f32 $5.656854150e+00, v3;
	_ =	sdelay $0x1  }
0x2bf: {  	s11 =	sadd.s32 $0x2, s10;
	[tilespmem:v2+s7+$0x0] =	vst.idx.msk $0xffff, v3  }
0x2c0: {  	v2 =	vmov s11;
	v3 =	vld [tilespmem:s8+$0x0]  }
0x2c1: {  	v2 =	vand.u32 $0xFE, v2  }
0x2c2: {  	v4 =	vadd.s32 v0, v2;
	_ =	sdelay $0x2  }
0x2c3: {  	v3 =	vmul.f32 $5.656854150e+00, v3;
	_ =	sdelay $0x1  }
0x2c4: {  	[tilespmem:v4+s7+$0x0] =	vst.idx.msk $0xffff, v3  }
0x2c5: {  	v3 =	vld [tilespmem:s8+$0x10];
	_ =	sdelay $0x1  }
0x2c6: {  	v2 =	vadd.s32 v1, v2;
	_ =	sdelay $0x2  }
0x2c7: {  	v3 =	vmul.f32 $5.656854150e+00, v3;
	_ =	sdelay $0x1  }
0x2c8: {  	s10 =	sadd.s32 $0x3, s10;
	[tilespmem:v2+s7+$0x0] =	vst.idx.msk $0xffff, v3  }
0x2c9: {  	v2 =	vmov s10;
	v3 =	vld [tilespmem:s8+$0x20]  }
0x2ca: {  	v2 =	vand.u32 $0xFF, v2  }
0x2cb: {  	v4 =	vadd.s32 v0, v2;
	_ =	sdelay $0x2  }
0x2cc: {  	v3 =	vmul.f32 $5.656854150e+00, v3;
	_ =	sdelay $0x1  }
0x2cd: {  	[tilespmem:v4+s7+$0x0] =	vst.idx.msk $0xffff, v3  }
0x2ce: {  	v3 =	vld [tilespmem:s8+$0x30]  }
.Ltmp8:
0x2cf: {  	(pc) =	sbr.rel @p1 .LBB2_19-.Ltmp8, $2  }
0x2d0: {  	v2 =	vadd.s32 v1, v2;
	_ =	sdelay $0x2  }
0x2d1: {  	v3 =	vmul.f32 $5.656854150e+00, v3  }
0x2d2: {  	_ =	sdelay $0x3  }
0x2d3: {  	s8 =	simm.s32 @!p0 $0xF;
	[tilespmem:v2+s7+$0x0] =	vst.idx.msk $0xffff, v3  }
0x2d4: {  	_ =	swait.ge @!p0 [sflag:s8], $0x100  }
0x2d5: {  	[sflag:s8] =	ssyncset.done @!p0 $0x0  }
0x2d6: {  	[sflag:s8] =	ssyncadd.s32 @!p0 $0xFFFFFF00  }
0x2d7: {  	v2 =	vld @!p0 [tilespmem:$0x14900]  }
0x2d8: {  	v3 =	vld @!p0 [tilespmem:$0x14910]  }
0x2d9: {  	v4 =	vld @!p0 [tilespmem:$0x14920]  }
0x2da: {  	v5 =	vld @!p0 [tilespmem:$0x14930]  }
0x2db: {  	v6 =	vld @!p0 [tilespmem:$0x14940]  }
0x2dc: {  	v7 =	vld @!p0 [tilespmem:$0x14950];
	v2 =	vshll.u32 @!p0 v2, $0x2  }
0x2dd: {  	[tilespmem:$0x14900] =	vst @!p0 v2;
	v2 =	vshll.u32 @!p0 v3, $0x2;
	v3 =	vld @!p0 [tilespmem:$0x14960]  }
0x2de: {  	[tilespmem:$0x14910] =	vst @!p0 v2;
	v2 =	vshll.u32 @!p0 v4, $0x2;
	v4 =	vld @!p0 [tilespmem:$0x14970]  }
0x2df: {  	[tilespmem:$0x14920] =	vst @!p0 v2;
	v2 =	vshll.u32 @!p0 v5, $0x2;
	v5 =	vld @!p0 [tilespmem:$0x14980]  }
0x2e0: {  	[tilespmem:$0x14930] =	vst @!p0 v2;
	v2 =	vshll.u32 @!p0 v6, $0x2;
	v6 =	vld @!p0 [tilespmem:$0x14990]  }
0x2e1: {  	[tilespmem:$0x14940] =	vst @!p0 v2;
	v2 =	vshll.u32 @!p0 v7, $0x2;
	v7 =	vld @!p0 [tilespmem:$0x149A0]  }
0x2e2: {  	[tilespmem:$0x14950] =	vst @!p0 v2;
	v2 =	vshll.u32 @!p0 v3, $0x2;
	v3 =	vld @!p0 [tilespmem:$0x149B0]  }
0x2e3: {  	[tilespmem:$0x14960] =	vst @!p0 v2;
	v2 =	vshll.u32 @!p0 v4, $0x2;
	v4 =	vld @!p0 [tilespmem:$0x149C0]  }
0x2e4: {  	[tilespmem:$0x14970] =	vst @!p0 v2;
	v2 =	vshll.u32 @!p0 v5, $0x2;
	v5 =	vld @!p0 [tilespmem:$0x149D0]  }
0x2e5: {  	[tilespmem:$0x14980] =	vst @!p0 v2;
	v2 =	vshll.u32 @!p0 v6, $0x2;
	v6 =	vld @!p0 [tilespmem:$0x149E0]  }
0x2e6: {  	[tilespmem:$0x14990] =	vst @!p0 v2;
	v2 =	vshll.u32 @!p0 v7, $0x2;
	v7 =	vld @!p0 [tilespmem:$0x149F0]  }
0x2e7: {  	[tilespmem:$0x149A0] =	vst @!p0 v2;
	v2 =	vshll.u32 @!p0 v3, $0x2  }
0x2e8: {  	[tilespmem:$0x149B0] =	vst @!p0 v2;
	v2 =	vshll.u32 @!p0 v4, $0x2  }
0x2e9: {  	[tilespmem:$0x149C0] =	vst @!p0 v2;
	v2 =	vshll.u32 @!p0 v5, $0x2  }
0x2ea: {  	[tilespmem:$0x149D0] =	vst @!p0 v2;
	v2 =	vshll.u32 @!p0 v6, $0x2  }
0x2eb: {  	s9 =	simm.s32 @!p0 $0x14900;
	[tilespmem:$0x149E0] =	vst @!p0 v2;
	v2 =	vshll.u32 @!p0 v7, $0x2  }
0x2ec: {  	s10 =	simm.s32 @!p0 $0x8000;
	s11 =	sshll.u32 s24, $0x5;
	s8 =	simm.s32 @!p0 $0x100;
	[tilespmem:$0x149F0] =	vst @!p0 v2  }
0x2ed: {  	[tilespmem:s10], [sflag:$0x5] =	stream.indirect.gather @!p0 [hbm4b:s3+s8], $0x20, s9, s8, $0xb8;
	[tilespmem:$0x14A00] =	vst v63  }
0x2ee: {  	s28 =	sshll.u32 s24, $0xA;
	s8 =	sand.u32 $0x7E0, s11  }
0x2ef: {  	s9 =	sand.u32 $0xFFF0000, s28;
	s8 =	sadd.s32 s4, s8  }
0x2f0: {  	s31 =	simm.s32 $0x12400;
	s8 =	sadd.s32 s9, s8;
	s9 =	simm.s32 $0x420  }
0x2f1: {  	[hbm4b:s8+s2] =	stream.linear.scatter [tilespmem:s31], [sflag:$0xA], $0x100, $0x38;
	[tilespmem:$0x14A00] =	vst v63  }
.LBB2_21:
0x2f2: {  	p0 =	sne.s32 s9, $0x7FE0  }
.Ltmp9:
0x2f3: {  	_ = 	snop;
	(pc) =	sbr.rel @p0 .LBB2_21-.Ltmp9, $4  }
0x2f4: {  	_ = 	snop  }
0x2f5: {  	s10 =	sshra.s32 s9, $0x2;
	s9 =	sadd.s32 $0x420, s9  }
0x2f6: {  	s8 =	sadd.s32 $0x800, s8;
	s10 =	sadd.s32 $0x12400, s10  }
0x2f7: {  	[hbm4b:s8+s2] =	stream.linear.scatter [tilespmem:s10], [sflag:$0xA], $0x100, $0x38;
	[tilespmem:$0x14A00] =	vst v63  }
0x2f8: {  	s21 =	sadd.s32 $0x1, s21  }
0x2f9: {  	p0 =	sne.s32 s21, $0x14  }
.Ltmp10:
0x2fa: {  	_ = 	snop;
	(pc) =	sbr.rel @p0 .LBB2_2-.Ltmp10, $1  }
0x2fb: {  	_ =	sdelay $0x3  }
0x2fc: {  	s8 =	simm.s32 $0x6  }
0x2fd: {  	_ =	swait.ge [sflag:s8], $0x2000  }
0x2fe: {  	[sflag:s8] =	ssyncset.done $0x0  }
0x2ff: {  	s21 =	simm.s32 $0x7;
	[sflag:s8] =	ssyncadd.s32 $0xFFFFE000  }
0x300: {  	_ =	swait.ge [sflag:s21], $0x2000  }
0x301: {  	[sflag:s21] =	ssyncset.done $0x0  }
0x302: {  	s24 =	simm.s32 $0x8;
	[sflag:s21] =	ssyncadd.s32 $0xFFFFE000  }
0x303: {  	_ =	swait.ge [sflag:s24], $0x2000  }
0x304: {  	[sflag:s24] =	ssyncset.done $0x0  }
0x305: {  	s28 =	simm.s32 $0x9;
	[sflag:s24] =	ssyncadd.s32 $0xFFFFE000  }
0x306: {  	_ =	swait.ge [sflag:s28], $0x2000  }
0x307: {  	[sflag:s28] =	ssyncset.done $0x0  }
0x308: {  	[sflag:s28] =	ssyncadd.s32 $0xFFFFE000  }
0x309: {  	_ =	swait.ge [sflag:s6], $0x2000  }
0x30a: {  	s18 =	sadd.s32 $0x1, s18;
	s31 =	rddreg [dreg:$0x8]  }
0x30b: {  	p0 =	sne.s32 s18, s31  }
.Ltmp11:
0x30c: {  	_ = 	snop;
	(pc) =	sbr.rel @p0 .LBB2_1-.Ltmp11, $3  }
0x30d: {  	_ =	sdelay $0x1  }
0x30e: {  	[sflag:s6] =	ssyncset.done $0x0  }
0x30f: {  	[sflag:s6] =	ssyncadd.s32 $0xFFFFE000  }
0x310: {  	_ =	sfence.sel $0x180000  }
0x311: {  	[bflag:$0x0] =	sbarrier.arrive $0xFFFF  }
0x312: {  	_ =	strace $0x9000004A  }
0x313: {  	s0 =	stileid.u32;
	[bflag:$0x2] =	sbarrier.arrive $0xFFFF  }
0x314: {  	p0 =	sne.s32 s0, $0x0;
	s0 =	rddreg [dreg:$0x2]  }
0x315: {  	s0 =	sadd.s32 @!p0 $0x100000, s0  }
0x316: {  	[sflag:s0] =	ssyncadd.tile.s32 @!p0 $0x1;
	_ =	shalt  }
.Lfunc_end2:
_tile_overlayer_lowered:
.L_overlay_start_2:
0x317: {  	(tag) =	ssettag $0x2  }
0x318: {  	s0 =	rddreg [dreg:$0x0];
	s2 =	stileid.u32  }
0x319: {  	s1 =	rddreg [dreg:$0x1];
	p0 =	sne.s32 s2, $0x0  }
0x31a: {  	s3 =	rddreg [dreg:$0x2];
	[bflag:$0x3] =	sbarrier.arrive $0xFFFF;
	s2 =	simm.s32 @!p0 $0x1C10  }
0x31b: {  	[timem:s3], [sflag:s2] =	dma.local @!p0 [hbm:s0], s1  }
0x31c: {  	s0 =	simm.s32 @!p0 $0x10  }
0x31d: {  	_ =	swait.ge @!p0 [sflag:s0], s1  }
0x31e: {  	s1 =	ssub.s32 @!p0 $0x0, s1;
	[sflag:s0] =	ssyncset.done @!p0 $0x0  }
0x31f: {  	[sflag:s0] =	ssyncadd.s32 @!p0 s1  }
0x320: {  	[bflag:$0x3] =	sbarrier.arrive $0xFFFF  }
0x321: {  	_ =	shalt  }

// kernel: sparse-core-data-format-call.cloned.1.call-start
scs
called_computation_lowered:
.L_overlay_start_0:
0x0: {  	s2 =	sld [smem:$0x3FD9]  }
0x1: {  	s3 =	sld [smem:$0x3FFE];
	_ =	sdelay $0x1  }
0x2: {  	s1 =	srdreg.scid  }
0x3: {  	s0 =	sand.u32 $0x1, s1  }
0x4: {  	s18 =	sshll.u32 s0, $0xA;
	s2 =	sadd.s32 s3, s2  }
0x5: {  	s2 =	sadd.s32 s2, s18  }
0x6: {  	[smem:$0x3FC6] =	sst s2  }
0x7: {  	_ = 	snop  }
0x8: {  	s2 =	sld [smem:$0x3FC8];
	(tm) =	ssettm $0x1  }
0x9: {  	s19 =	sld [smem:$0x3FFB];
	_ =	sdelay $0x3  }
0xa: {  	_ =	strace s19  }
0xb: {  	s3 =	sld [smem:$0x3FFC];
	_ =	sdelay $0x3  }
0xc: {  	_ =	strace s3  }
0xd: {  	s3 =	sld [smem:$0x3FFD];
	_ =	sdelay $0x3  }
0xe: {  	_ =	strace s3  }
0xf: {  	_ =	strace $0x8FFFFFFF  }
0x10: {  	s20 =	sld [smem:$0x3FDB];
	_ =	sdelay $0x1  }
0x11: {  	s4 =	simm.s32 $_scs_section_size  }
0x12: {  	s5 =	simm.s32 $_size__tile_overlayer_lowered;
	s6 =	simm.s32 $_tile_overlayer_lowered  }
0x13: {  	s23 =	simm.s32 $0x1BFF;
	s22 =	sshll.u32 s6, $0x1;
	s3 =	sadd.s32 s4, s20  }
0x14: {  	s7 =	simm.s32 $0x0;
	s21 =	sshll.u32 s5, $0x1;
	s5 =	sadd.s32 s22, s3  }
0x15: {  	[timem:s7], [sflag:s23] =	dma.local [hbm:s5], s21  }
0x16: {  	_ =	swait.ge [sflag:s23], s21  }
0x17: {  	s4 =	ssub.s32 $0x0, s21;
	[sflag:s23] =	ssyncset.done $0x0  }
0x18: {  	[sflag:s23] =	ssyncadd.s32 s4;
	_ =	sdelay $0x1  }
0x19: {  	s24 =	simm.s32 $0x1B8B  }
0x1a: {  	_ =	swait.ge [sflag:s24], $0x1  }
0x1b: {  	[sflag:s24] =	ssyncset.done $0x0  }
0x1c: {  	s26 =	simm.s32 $0x1B8E;
	s25 =	sld [smem:$0x3FFE];
	[sflag:s24] =	ssyncadd.s32 $0xFFFFFFFF  }
0x1d: {  	s27 =	simm.s32 $execute0_lowered;
	[smem:$0x3FD2] =	sst s26  }
0x1e: {  	s5 =	sshll.u32 s27, $0x1;
	_ =	strace $0x80000046;
	[dreg:$0x1] =	wrdreg $0xFFFFFFFF  }
0x1f: {  	s28 =	simm.s32 $_size_execute0_lowered;
	s3 =	sadd.s32 s3, s5;
	[dreg:$0x0] =	wrdreg $0x0  }
0x20: {  	s5 =	sshll.u32 s28, $0x1;
	[dreg:$0x2] =	wrdreg s3  }
0x21: {  	[dreg:$0x3] =	wrdreg s5  }
0x22: {  	[dreg:$0x4] =	wrdreg $0xC0  }
0x23: {  	_ =	task [dreg:s7], $0x5FFFF  }
0x24: {  	[dreg:$0x1] =	wrdreg $0xFFFFFFFF  }
0x25: {  	[dreg:$0x0] =	wrdreg $0x60  }
0x26: {  	[dreg:$0x2] =	wrdreg s2  }
0x27: {  	[dreg:$0x3] =	wrdreg s25  }
0x28: {  	[dreg:$0x4] =	wrdreg $0x9  }
0x29: {  	_ =	task.clear_ibuf [dreg:s7], $0x5FFFF;
	_ =	strace $0x90000046  }
0x2a: {  	s29 =	simm.s32 $0x9;
	_ =	strace $0x80000048  }
0x2b: {  	_ =	swait.ge [sflag:s29], $0x1  }
0x2c: {  	[sflag:s29] =	ssyncadd.s32 $0xFFFFFFFF  }
0x2d: {  	_ =	strace $0x90000048  }
0x2e: {  	_ =	sfence  }
0x2f: {  	s30 =	sld [smem:$0x0];
	_ =	sdelay $0x2  }
0x30: {  	s31 =	sshll.u32 s1, $0xD;
	s1 =	sshrl.u32 s1, $0x2  }
0x31: {  	s3 =	sand.u32 $0x4000, s31;
	s1 =	sadd.s32 s1, s30  }
0x32: {  	s0 =	sor.u32 s3, s0;
	s1 =	sshll.u32 s1, $0x11  }
0x33: {  	s0 =	sor.u32 s1, s0  }
0x34: {  	s0 =	sadd.s32 $0x8F2B, s0  }
0x35: {  	[sflag:s0] =	ssyncadd.remote.s32 $0x1  }
0x36: {  	_ =	sfence.sel $0xFFFF  }
0x37: {  	[dreg:$0x0] =	wrdreg $0xFFFFFFFF;
	(pc) =	sbr.abs _section_cstart, $3  }
0x38: {  	[dreg:$0x1] =	wrdreg $0xFFFFFFFF  }
0x39: {  	_ =	task.clear_ibuf [dreg:s7], $0x2FFFF;
	_ =	strace $0x9FFFFFFF  }
0x3a: {  	(tm) =	ssettm $0x7FFFFFFF  }
0x3b: {  	_ =	shalt  }
tec
execute0_lowered:
.L_overlay_start_1:
0x0: {  	(tag) =	ssettag $0x1  }
0x1: {  	s0 =	srdreg.scid;
	s2 =	rddreg [dreg:$0x0]  }
0x2: {  	s5 =	rddreg [dreg:$0x1];
	s1 =	stileid.u32  }
0x3: {  	s4 =	simm.s32 $0x1;
	s6 =	simm.s32 $0x2;
	s15 =	simm.s32 $0x0  }
0x4: {  	p0 =	por $0x0, $0x0;
	s8 =	simm.s32 $0x80;
	s0 =	sshll.u32 s0, $0x4  }
0x5: {  	s14 =	simm.s32 $0x0;
	s9 =	simm.s32 $0x0;
	s3 =	sand.u32 $0x10, s0  }
.Ltmp0:
0x6: {  	s10 =	simm.s32 $0x0;
	s3 =	sor.u32 s1, s3;
	(pc) =	sbr.rel .LBB1_1-.Ltmp0, $4  }
0x7: {  	s0 =	rddreg [dreg:$0x2];
	_ =	strace $0x80000047;
	s3 =	sshll.u32 s3, $0x7  }
0x8: {  	s12 =	simm.s32 $0x0;
	[sflag:s4] =	ssyncpa.u1 $0x0;
	s7 =	ssub.s32 $0xF4200, s3  }
0x9: {  	s13 =	simm.s32 $0x0;
	[sflag:s6] =	ssyncpa.u1 $0x0;
	s6 =	sshrl.u32 s7, $0xC  }
0xa: {  	s5 =	sadd.s32 $0xA00, s5;
	s11 =	smov.u32 s3;
	s7 =	sadd.s32 $0x2, s6  }
.LBB1_5:
0xb: {  	p1 =	slt.u32 s13, $0x2  }
0xc: {  	s17 =	smov.u32 s15;
	p2 =	sgt.s32 @!p1 s15, $0xF41C0;
	s16 =	sshra.s32 @!p1 s15, $0x1F  }
0xd: {  	p3 =	sgt.s32 @!p1 s14, $0x60;
	s18 =	sshra.s32 @!p1 s14, $0x1F;
	p2 =	por !p2, p1  }
0xe: {  	s15 =	sand.u32 @!p1 s16, s15;
	p3 =	por !p3, p1;
	s16 =	smov.u32 s14  }
0xf: {  	s14 =	sand.u32 @!p1 s18, s14;
	s17 =	simm.s32 @p2 $0xF41C0;
	s16 =	simm.s32 @p3 $0x60  }
0x10: {  	s15 =	ssub.s32 @!p1 s17, s15;
	s14 =	ssub.s32 @!p1 s16, s14  }
0x11: {  	s18 =	smov.u32 s12;
	s16 =	sadd.s32 @!p1 $0xFFF0BE40, s15;
	s17 =	sadd.s32 @!p1 $0xFFFFFFA0, s14  }
0x12: {  	s15 =	ssub.s32 @!p1 $0xF4240, s15;
	p2 =	sgt.s32 @!p1 s16, $0x7F;
	p3 =	sgt.s32 @!p1 s17, $0x1F  }
0x13: {  	s14 =	ssub.s32 @!p1 $0x80, s14;
	p2 =	por !p2, p1;
	p3 =	por !p3, p1  }
0x14: {  	s16 =	sadd.s32 $0x1000, s11;
	s15 =	simm.s32 @!p2 $0x0;
	s14 =	simm.s32 @!p3 $0x0  }
0x15: {  	p2 =	sgt.s32 s16, $0xF423F;
	s14 =	smul.u32 @!p1 s14, s15;
	s15 =	sadd.s32 $0x20, s12  }
0x16: {  	s18 =	smov.u32 @p2 s15  }
0x17: {  	s16 =	smov.u32 @p2 s3;
	p2 =	sgt.s32 s18, $0x1F  }
0x18: {  	s18 =	simm.s32 @p2 $0x0;
	p2 =	sne.s32 s13, s7  }
.Ltmp1:
0x19: {  	p0 =	por !p0, !p0;
	s17 =	simm.s32 @!p1 $0x2;
	(pc) =	sbr.rel @!p2 .LBB1_6-.Ltmp1, $4  }
0x1a: {  	s15 =	smov.u32 s9;
	s9 =	smov.u32 s11;
	s14 =	sand.u32 @!p1 $0x3FFFFFFF, s14  }
0x1b: {  	s11 =	smov.u32 s16;
	_ =	swait.ge @!p1 [sflag:s17], s14;
	s19 =	ssub.s32 @!p1 $0x0, s14  }
0x1c: {  	s14 =	smov.u32 s10;
	s13 =	sadd.s32 $0x1, s13;
	[sflag:s17] =	ssyncset.done @!p1 $0x0  }
0x1d: {  	s10 =	smov.u32 s12;
	s12 =	smov.u32 s18;
	[sflag:s17] =	ssyncadd.s32 @!p1 s19  }
.LBB1_1:
0x1e: {  	p1 =	sgt.u32 s13, s6  }
0x1f: {  	s16 =	sshrl.u32 @!p1 s12, $0x3  }
0x20: {  	s17 =	sshll.u32 @!p1 s11, $0x3;
	s16 =	smul.u32 @!p1 $0x7A1400, s16  }
0x21: {  	s18 =	sshll.u32 @!p1 s12, $0x7;
	s17 =	sand.u32 @!p1 $0xFFFFFC00, s17  }
0x22: {  	s16 =	sadd.s32 @!p1 s16, s17;
	s17 =	sand.u32 @!p1 $0x380, s18  }
0x23: {  	s18 =	sand.u32 @!p1 $0x7F, s11;
	s16 =	sor.u32 @!p1 s17, s16  }
0x24: {  	s17 =	sor.u32 @!p1 s18, s16  }
0x25: {  	s18 =	smulhi.u32 @!p1 $0x218D6287, s17;
	_ =	sdelay $0x1  }
0x26: {  	s16 =	smulhi.u32 @!p1 $0x218D6287, s16;
	s18 =	sshrl.u32 @!p1 s18, $0x11  }
0x27: {  	s18 =	smul.u32 @!p1 $0xF4280, s18  }
0x28: {  	s19 =	sxor.u32 @!p1 $0xFFFFFFFF, s13;
	s16 =	sshrl.u32 @!p1 s16, $0x11  }
0x29: {  	s19 =	sshll.u32 @!p1 s19, $0xC;
	s16 =	sand.u32 @!p1 $0x1F, s16;
	s17 =	ssub.s32 @!p1 s17, s18  }
0x2a: {  	s16 =	smul.u32 @!p1 $0x1E850, s16;
	s18 =	sshrl.u32 @!p1 s17, $0x3;
	s17 =	sand.u32 @!p1 $0x7, s17  }
0x2b: {  	s19 =	sand.u32 @!p1 $0x1000, s19;
	s18 =	sadd.s32 @!p1 s2, s18;
	s17 =	sshll.u32 @!p1 s17, $0x12  }
0x2c: {  	s16 =	sadd.s32 @!p1 s16, s18;
	s17 =	sor.u32 @!p1 $0x400, s17;
	s18 =	simm.s32 @!p1 $0x7A1400  }
0x2d: {  	[tilespmem:s19], [sflag:$0x1] =	stream.strided.gather @!p1 [hbm4b:s16+s17], $0x1000, s18, s17, $0x38;
	[tilespmem:$0x4100] =	vst v63  }
0x2e: {  	p1 =	seq.s32 s13, $0x0  }
0x2f: {  	p2 =	sge.u32 @!p1 s13, s7  }
0x30: {  	p1 =	por p1, p2  }
.Ltmp2:
0x31: {  	_ = 	snop;
	(pc) =	sbr.rel @p1 .LBB1_5-.Ltmp2, $1  }
0x32: {  	_ =	sdelay $0x3  }
0x33: {  	s16 =	simm.s32 $0x1  }
0x34: {  	_ =	swait.ge [sflag:s4], $0x1000;
	s16 =	simm.s32 @!p0 $0x0  }
0x35: {  	[sflag:s4] =	ssyncset.done $0x0;
	s17 =	sshll.u32 s16, $0xC  }
0x36: {  	[sflag:s4] =	ssyncadd.s32 $0xFFFFF000;
	s17 =	sor.u32 $0x40, s17  }
0x37: {  	s16 =	smul.u32 $0x4200, s16;
	v0 =	vld [tilespmem:s17+$0x30]  }
0x38: {  	v1 =	vld [tilespmem:s17+$0xFFFFFFD0]  }
0x39: {  	s16 =	sshrl.u32 s16, $0x2;
	v5 =	vld [tilespmem:s17+$0xFFFFFFE0]  }
0x3a: {  	v6 =	vld [tilespmem:s17+$0xFFFFFFF0];
	s19 =	sor.u32 $0x2000, s16  }
0x3b: {  	s31 =	sand.u32 $0x1, s13;
	v4 =	vld [tilespmem:s17+$0x0];
	s18 =	sadd.s32 $0x0, s19  }
0x3c: {  	v3 =	vld [tilespmem:s17+$0x10];
	s16 =	smul.u32 $0x4200, s31;
	[tilespmem:s18+$0xE70 ss:$0x21] =	vst.msk $0xffff, v0  }
0x3d: {  	v2 =	vld [tilespmem:s17+$0x20];
	[tilespmem:s18+$0x210 ss:$0x21] =	vst.msk $0xffff, v1  }
0x3e: {  	s16 =	sshrl.u32 s16, $0x2;
	v1 =	vld [tilespmem:s17+$0xFFFFFFC0];
	[tilespmem:s18+$0x420 ss:$0x21] =	vst.msk $0xffff, v5;
	s17 =	sadd.s32 $0x80, s17  }
0x3f: {  	s20 =	simm.s32 $0x4;
	s21 =	simm.s32 $0x8;
	s16 =	sor.u32 $0x2000, s16;
	[tilespmem:s18+$0x630 ss:$0x21] =	vst.msk $0xffff, v6;
	v0 =	vld [tilespmem:s17+$0x30]  }
.LBB1_3:
0x40: {  	p1 =	sne.s32 s21, $0x7C;
	v5 =	vld [tilespmem:s17+$0xFFFFFFD0];
	[tilespmem:s18+$0x840 ss:$0x21] =	vst.msk $0xffff, v4  }
0x41: {  	v6 =	vld [tilespmem:s17+$0xFFFFFFE0];
	[tilespmem:s18+$0xA50 ss:$0x21] =	vst.msk $0xffff, v3  }
0x42: {  	s22 =	sshra.s32 s20, $0x2;
	s20 =	smov.u32 s21;
	v7 =	vld [tilespmem:s17+$0xFFFFFFF0];
	[tilespmem:s18+$0xC60 ss:$0x21] =	vst.msk $0xffff, v2  }
.Ltmp3:
0x43: {  	v4 =	vld [tilespmem:s17+$0x0];
	[tilespmem:s18+$0x0 ss:$0x21] =	vst.msk $0xffff, v1;
	s18 =	sadd.s32 s22, s19;
	(pc) =	sbr.rel @p1 .LBB1_3-.Ltmp3, $4  }
0x44: {  	v3 =	vld [tilespmem:s17+$0x10];
	[tilespmem:s18+$0xE70 ss:$0x21] =	vst.msk $0xffff, v0  }
0x45: {  	[tilespmem:s18+$0x210 ss:$0x21] =	vst.msk $0xffff, v5;
	v2 =	vld [tilespmem:s17+$0x20]  }
0x46: {  	v1 =	vld [tilespmem:s17+$0xFFFFFFC0];
	[tilespmem:s18+$0x420 ss:$0x21] =	vst.msk $0xffff, v6;
	s17 =	sadd.s32 $0x80, s17  }
0x47: {  	s21 =	sadd.s32 $0x4, s21;
	v0 =	vld [tilespmem:s17+$0x30];
	[tilespmem:s18+$0x630 ss:$0x21] =	vst.msk $0xffff, v7  }
0x48: {  	s21 =	sshll.u32 s9, $0x7;
	s22 =	sshll.u32 s10, $0x3;
	s20 =	sshra.s32 s20, $0x2  }
0x49: {  	p1 =	sgt.s32 s9, $0xF41C0;
	s30 =	sshra.s32 s9, $0x1F;
	s25 =	sshra.s32 s10, $0x1F  }
0x4a: {  	v5 =	vld [tilespmem:s17+$0xFFFFFFD0];
	s28 =	sshrl.u32 s10, $0x3;
	s23 =	sand.u32 $0xFFFFFC00, s21;
	s22 =	sand.u32 $0xFFFFFC00, s22  }
0x4b: {  	[tilespmem:s18+$0x840 ss:$0x21] =	vst.msk $0xffff, v4;
	v58 =	vld [tilespmem:s17+$0xFFFFFFE0];
	s21 =	sand.u32 $0x380, s21;
	s19 =	sadd.s32 s20, s19;
	s22 =	sadd.s32 s22, s23  }
0x4c: {  	v59 =	vld [tilespmem:s17+$0xFFFFFFF0];
	[tilespmem:s18+$0xA50 ss:$0x21] =	vst.msk $0xffff, v3;
	s29 =	sor.u32 s21, s22;
	s21 =	smov.u32 s9;
	s22 =	sand.u32 s30, s9  }
0x4d: {  	v60 =	vld [tilespmem:s17+$0x0];
	[tilespmem:s18+$0xC60 ss:$0x21] =	vst.msk $0xffff, v2;
	s30 =	sand.u32 $0x7, s10;
	s20 =	sshrl.u32 s29, $0x7;
	s21 =	simm.s32 @!p1 $0xF41C0  }
0x4e: {  	v61 =	vld [tilespmem:s17+$0x10];
	[tilespmem:s18+$0x0 ss:$0x21] =	vst.msk $0xffff, v1;
	p1 =	sgt.s32 s10, $0x60;
	s24 =	ssub.s32 s21, s22;
	s21 =	smov.u32 s10  }
0x4f: {  	v62 =	vld [tilespmem:s17+$0x20];
	[tilespmem:s19+$0xE70 ss:$0x21] =	vst.msk $0xffff, v0;
	s31 =	smulhi.u32 $0x218DEF5, s20;
	s22 =	sand.u32 s25, s10;
	s21 =	simm.s32 @!p1 $0x60  }
0x50: {  	v63 =	vld [tilespmem:s17+$0xFFFFFFC0];
	[tilespmem:s19+$0x210 ss:$0x21] =	vst.msk $0xffff, v5;
	s26 =	sadd.s32 $0xFFF0BE40, s24;
	s17 =	ssub.s32 $0xF4240, s24;
	s21 =	ssub.s32 s21, s22  }
0x51: {  	[tilespmem:s19+$0x420 ss:$0x21] =	vst.msk $0xffff, v58;
	s23 =	sshrl.u32 s31, $0xD;
	p1 =	sgt.s32 s26, $0x7F;
	s27 =	sadd.s32 $0xFFFFFFA0, s21  }
0x52: {  	[tilespmem:s19+$0x630 ss:$0x21] =	vst.msk $0xffff, v59;
	s23 =	smul.u32 $0xF4240, s23;
	s18 =	ssub.s32 $0x80, s21;
	p2 =	sgt.s32 s27, $0x1F  }
.Ltmp4:
0x53: {  	[tilespmem:s19+$0x840 ss:$0x21] =	vst.msk $0xffff, v60;
	s17 =	simm.s32 @p1 $0x0;
	s18 =	simm.s32 @p2 $0x0;
	(pc) =	sbr.rel .LBB1_5-.Ltmp4, $4  }
0x54: {  	s29 =	sand.u32 $0xF, s28;
	[tilespmem:s19+$0xA50 ss:$0x21] =	vst.msk $0xffff, v61;
	s20 =	ssub.s32 s20, s23;
	s17 =	smul.u32 s18, s17  }
0x55: {  	[tilespmem:s19+$0xC60 ss:$0x21] =	vst.msk $0xffff, v62;
	s21 =	sshll.u32 s30, $0x12;
	s20 =	sshll.u32 s20, $0x4;
	s18 =	sadd.s32 s5, s29  }
0x56: {  	[tilespmem:s19+$0x0 ss:$0x21] =	vst.msk $0xffff, v63;
	s31 =	sor.u32 $0x20, s21;
	s18 =	sadd.s32 s20, s18;
	s17 =	sand.u32 $0x3FFFFFFF, s17  }
0x57: {  	[hbm4b:s18+s31] =	stream.strided.scatter [tilespmem:s16], [sflag:$0x2], s17, s8, s31, $0x10;
	[tilespmem:$0x4100] =	vst v63  }
.LBB1_6:
0x58: {  	_ =	sfence.sel $0x180000  }
0x59: {  	s2 =	simm.s32 $0x1;
	[bflag:$0x0] =	sbarrier.arrive $0xFFFF  }
0x5a: {  	s31 =	simm.s32 $0x2;
	[sflag:s2] =	ssyncpa.u1 $0x1  }
0x5b: {  	[sflag:s31] =	ssyncpa.u1 $0x1  }
0x5c: {  	p0 =	sne.s32 s1, $0x0;
	_ =	strace $0x90000047  }
0x5d: {  	s0 =	sadd.s32 @!p0 $0x100000, s0;
	[bflag:$0x2] =	sbarrier.arrive $0xFFFF  }
0x5e: {  	[sflag:s0] =	ssyncadd.tile.s32 @!p0 $0x1;
	_ =	shalt  }
.Lfunc_end1:
_tile_overlayer_lowered:
.L_overlay_start_2:
0x5f: {  	(tag) =	ssettag $0x2  }
0x60: {  	s0 =	rddreg [dreg:$0x0];
	s2 =	stileid.u32  }
0x61: {  	s1 =	rddreg [dreg:$0x1];
	p0 =	sne.s32 s2, $0x0  }
0x62: {  	s3 =	rddreg [dreg:$0x2];
	[bflag:$0x3] =	sbarrier.arrive $0xFFFF;
	s2 =	simm.s32 @!p0 $0x1C01  }
0x63: {  	[timem:s3], [sflag:s2] =	dma.local @!p0 [hbm:s0], s1  }
0x64: {  	s0 =	simm.s32 @!p0 $0x1  }
0x65: {  	_ =	swait.ge @!p0 [sflag:s0], s1  }
0x66: {  	s1 =	ssub.s32 @!p0 $0x0, s1;
	[sflag:s0] =	ssyncset.done @!p0 $0x0  }
0x67: {  	[sflag:s0] =	ssyncadd.s32 @!p0 s1  }
0x68: {  	[bflag:$0x3] =	sbarrier.arrive $0xFFFF  }
0x69: {  	_ =	shalt  }

</sc_bundles>
